<compile_context>
chip_gen: v7x
topology: tpu7x:2x2x1
jax: 0.10.2.dev20260603
libtpu: 0.0.44.dev20260713+nightly
codegen_flags: <defaults>
</compile_context>

<pallas_src>
import jax
import jax.numpy as jnp
from jax import lax
from jax.experimental import pallas as pl
from jax.experimental.pallas import tpu as pltpu
from jax.experimental.pallas import tpu_sc as plsc

N = 10000
E = 320000
OUT = 128
H = 8
HD = 16

NC = 2
NS = 16
NW = NC * NS
EW = E // NW
C = 80
NCHUNK = EW // C

EWT = E // NS
NCHT = EWT // C
NROWS = 624
NTAIL = N - NS * NROWS
SCHUNK = 48
NSC = NROWS // SCHUNK

BE = 1280
GE = E // BE

_MESH = plsc.VectorSubcoreMesh(core_axis_name="c", subcore_axis_name="s")



NBUF = 5


def _gather_body(xsrc, xdst, sidx, didx, src_out, dst_out, *scr):
    idxs = scr[0:NBUF]
    idxd = scr[NBUF:2 * NBUF]
    sr = scr[2 * NBUF:3 * NBUF]
    dr = scr[3 * NBUF:4 * NBUF]
    gsem = scr[4 * NBUF:5 * NBUF]
    wsem = scr[5 * NBUF:6 * NBUF]
    c = lax.axis_index("c")
    s = lax.axis_index("s")
    wid = s * NC + c
    base = wid * EW

    for b in range(NBUF):
        st = base + b * C
        pltpu.sync_copy(sidx.at[pl.ds(st, C)], idxs[b])
        pltpu.sync_copy(didx.at[pl.ds(st, C)], idxd[b])
        pltpu.async_copy(xsrc.at[idxs[b]], sr[b], gsem[b])
        pltpu.async_copy(xdst.at[idxd[b]], dr[b], gsem[b])

    def outer(g, carry):
        for b in range(NBUF):
            j = NBUF * g + b
            st = base + j * C
            pltpu.make_async_copy(xsrc.at[idxs[b]], sr[b], gsem[b]).wait()
            pltpu.make_async_copy(xdst.at[idxd[b]], dr[b], gsem[b]).wait()
            pltpu.async_copy(sr[b], src_out.at[pl.ds(st, C)], wsem[b])
            pltpu.async_copy(dr[b], dst_out.at[pl.ds(st, C)], wsem[b])

            @pl.when(g < NCHUNK // NBUF - 1)
            def _():
                nst = st + NBUF * C
                pltpu.sync_copy(sidx.at[pl.ds(nst, C)], idxs[b])
                pltpu.sync_copy(didx.at[pl.ds(nst, C)], idxd[b])
                pltpu.make_async_copy(sr[b], src_out.at[pl.ds(st, C)],
                                      wsem[b]).wait()
                pltpu.make_async_copy(dr[b], dst_out.at[pl.ds(st, C)],
                                      wsem[b]).wait()
                pltpu.async_copy(xsrc.at[idxs[b]], sr[b], gsem[b])
                pltpu.async_copy(xdst.at[idxd[b]], dr[b], gsem[b])

        return carry

    lax.fori_loop(0, NCHUNK // NBUF, outer, 0)
    for b in range(NBUF):
        st = base + (NCHUNK - NBUF + b) * C
        pltpu.make_async_copy(sr[b], src_out.at[pl.ds(st, C)], wsem[b]).wait()
        pltpu.make_async_copy(dr[b], dst_out.at[pl.ds(st, C)], wsem[b]).wait()


def _gather(x_src, x_dst, sidx, didx):
    k = pl.kernel(
        _gather_body,
        out_type=(
            jax.ShapeDtypeStruct((E, 128), jnp.float32),
            jax.ShapeDtypeStruct((E, 128), jnp.float32),
        ),
        mesh=_MESH,
        scratch_types=(
            [pltpu.VMEM((C,), jnp.int32)] * NBUF
            + [pltpu.VMEM((C,), jnp.int32)] * NBUF
            + [pltpu.VMEM((C, 128), jnp.float32)] * NBUF
            + [pltpu.VMEM((C, 128), jnp.float32)] * NBUF
            + [pltpu.SemaphoreType.DMA] * NBUF
            + [pltpu.SemaphoreType.DMA] * NBUF
        ),
    )
    return k(x_src, x_dst, sidx, didx)


def _fill_iota(ref, n, off):
    base = lax.iota(jnp.int32, 16)
    for t in range(n // 16):
        ref[pl.ds(16 * t, 16)] = base + (off + 16 * t)


def _zero_fill(ref, nrows, ncols):
    zv = jnp.zeros((16,), jnp.float32)

    def row(i, carry):
        for j in range(ncols // 16):
            ref[i, pl.ds(j * 16, 16)] = zv
        return carry

    lax.fori_loop(0, nrows, row, 0)


SNB = 2


def _scatter_body(ev, er, didx, acc_out, s_out, *scr):
    idx = scr[0:SNB]
    pay = scr[SNB:2 * SNB]
    rsem = scr[2 * SNB:3 * SNB]
    asem = scr[3 * SNB:4 * SNB]
    stg, rix, tix, accM = scr[4 * SNB:]
    c = lax.axis_index("c")
    s = lax.axis_index("s")

    _zero_fill(stg, SCHUNK, 128)

    def initk(k, carry):
        off = s * NROWS + k * SCHUNK
        _fill_iota(rix, SCHUNK, off)
        pltpu.sync_copy(stg, accM.at[rix])
        return carry

    lax.fori_loop(0, NSC, initk, 0)

    @pl.when(s == 0)
    def _():
        _fill_iota(tix, NTAIL, NS * NROWS)
        pltpu.sync_copy(stg.at[pl.ds(0, NTAIL)], accM.at[tix])

    plsc.subcore_barrier()

    base = s * EWT

    def make_loop(payload):
        def prime():
            for b in range(SNB):
                st = base + b * C
                pltpu.sync_copy(didx.at[pl.ds(st, C)], idx[b])
                pltpu.async_copy(payload.at[pl.ds(st, C)], pay[b], rsem[b])

        def outer(g, carry):
            for b in range(SNB):
                j = SNB * g + b
                st = base + j * C
                pltpu.make_async_copy(payload.at[pl.ds(st, C)], pay[b],
                                      rsem[b]).wait()
                pltpu.async_copy(pay[b], accM.at[idx[b]], asem[b], add=True)

                @pl.when(g < NCHT // SNB - 1)
                def _():
                    nst = st + SNB * C
                    pltpu.make_async_copy(pay[b], accM.at[idx[b]],
                                          asem[b]).wait()
                    pltpu.sync_copy(didx.at[pl.ds(nst, C)], idx[b])
                    pltpu.async_copy(payload.at[pl.ds(nst, C)], pay[b],
                                     rsem[b])

            return carry

        def drain():
            for b in range(SNB):
                pltpu.make_async_copy(pay[b], accM.at[idx[b]], asem[b]).wait()

        prime()
        lax.fori_loop(0, NCHT // SNB, outer, 0)
        drain()

    @pl.when(c == 0)
    def _():
        make_loop(ev)

    @pl.when(c == 1)
    def _():
        make_loop(er)

    plsc.subcore_barrier()

    def outk(k, carry):
        off = s * NROWS + k * SCHUNK
        _fill_iota(rix, SCHUNK, off)
        pltpu.sync_copy(accM.at[rix], stg)

        @pl.when(c == 0)
        def _():
            pltpu.sync_copy(stg, acc_out.at[pl.ds(off, SCHUNK)])

        @pl.when(c == 1)
        def _():
            pltpu.sync_copy(stg, s_out.at[pl.ds(off, SCHUNK)])

        return carry

    lax.fori_loop(0, NSC, outk, 0)

    @pl.when(s == 0)
    def _():
        _fill_iota(tix, NTAIL, NS * NROWS)
        pltpu.sync_copy(accM.at[tix], stg.at[pl.ds(0, NTAIL)])

        @pl.when(c == 0)
        def _():
            pltpu.sync_copy(stg.at[pl.ds(0, NTAIL)],
                            acc_out.at[pl.ds(NS * NROWS, NTAIL)])

        @pl.when(c == 1)
        def _():
            pltpu.sync_copy(stg.at[pl.ds(0, NTAIL)],
                            s_out.at[pl.ds(NS * NROWS, NTAIL)])


def _scatter(ev, er, didx):
    k = pl.kernel(
        _scatter_body,
        out_type=(
            jax.ShapeDtypeStruct((N, 128), jnp.float32),
            jax.ShapeDtypeStruct((N, 128), jnp.float32),
        ),
        mesh=_MESH,
        scratch_types=(
            [pltpu.VMEM((C,), jnp.int32)] * SNB
            + [pltpu.VMEM((C, 128), jnp.float32)] * SNB
            + [pltpu.SemaphoreType.DMA] * SNB
            + [pltpu.SemaphoreType.DMA] * SNB
            + [
                pltpu.VMEM((SCHUNK, 128), jnp.float32),
                pltpu.VMEM((SCHUNK,), jnp.int32),
                pltpu.VMEM((NTAIL,), jnp.int32),
                pltpu.VMEM_SHARED((N, 128), jnp.float32),
            ]
        ),
    )
    return k(ev, er, didx)


def _edge_kernel(xs_ref, xd_ref, ea_ref, W1s_ref, W1d_ref, W1e_ref, b1_ref,
                 Ws_ref, cs_ref, vW2_ref, vb2_ref, R_ref, ev_ref, e_ref):
    bf = jnp.bfloat16
    h1 = (jnp.dot(xs_ref[...].astype(bf), W1s_ref[...],
                  preferred_element_type=jnp.float32)
          + jnp.dot(xd_ref[...].astype(bf), W1d_ref[...],
                    preferred_element_type=jnp.float32)
          + jnp.dot(ea_ref[...], W1e_ref[...],
                    preferred_element_type=jnp.float32)
          + b1_ref[...])
    h1 = jnp.maximum(h1, 0.0)
    h1k = h1[:, :128]
    h1v = h1[:, 128:]
    sc = jnp.dot(h1k, Ws_ref[...], preferred_element_type=jnp.float32) + cs_ref[...]
    e = jnp.exp(sc)
    v = (jnp.dot(h1v.astype(bf), vW2_ref[...],
                 preferred_element_type=jnp.float32)
         + vb2_ref[...] + h1v)
    er = jnp.dot(e, R_ref[...], preferred_element_type=jnp.float32)
    ev_ref[...] = v * er
    e_ref[...] = er


def _edge_pass(src_g, dst_g, edge_attr, W1s, W1d, W1e, b1,
               Ws, cs, vW2, vb2, R):
    full = lambda shape: pl.BlockSpec(shape, lambda i: (0,) * len(shape))
    return pl.pallas_call(
        _edge_kernel,
        grid=(GE,),
        in_specs=[
            pl.BlockSpec((BE, 128), lambda i: (i, 0)),
            pl.BlockSpec((BE, 128), lambda i: (i, 0)),
            pl.BlockSpec((BE, 16), lambda i: (i, 0)),
            full((128, 256)),
            full((128, 256)),
            full((16, 256)),
            full((1, 256)),
            full((128, 8)),
            full((1, 8)),
            full((128, 128)),
            full((1, 128)),
            full((8, 128)),
        ],
        out_specs=[
            pl.BlockSpec((BE, 128), lambda i: (i, 0)),
            pl.BlockSpec((BE, 128), lambda i: (i, 0)),
        ],
        out_shape=[
            jax.ShapeDtypeStruct((E, 128), jnp.float32),
            jax.ShapeDtypeStruct((E, 128), jnp.float32),
        ],
    )(src_g, dst_g, edge_attr, W1s, W1d, W1e, b1, Ws, cs, vW2, vb2, R)


def _final_kernel(acc_ref, s_ref, oW1_ref, ob1_ref, oW2_ref, ob2_ref,
                  out_ref):
    den = s_ref[...] + 1e-16
    z = jnp.maximum(acc_ref[...] / den, 0.0)
    o1 = jnp.dot(z, oW1_ref[...], preferred_element_type=jnp.float32) \
        + ob1_ref[...] + z
    o1 = jnp.maximum(o1, 0.0)
    o2 = jnp.dot(o1, oW2_ref[...], preferred_element_type=jnp.float32) \
        + ob2_ref[...] + o1
    out_ref[...] = jnp.maximum(o2, 0.0)


def _final_pass(acc, sden, oW1, ob1, oW2, ob2):
    BN = 2000
    full = lambda shape: pl.BlockSpec(shape, lambda i: (0,) * len(shape))
    return pl.pallas_call(
        _final_kernel,
        grid=(N // BN,),
        in_specs=[
            pl.BlockSpec((BN, 128), lambda i: (i, 0)),
            pl.BlockSpec((BN, 128), lambda i: (i, 0)),
            full((128, 128)),
            full((1, 128)),
            full((128, 128)),
            full((1, 128)),
        ],
        out_specs=pl.BlockSpec((BN, 128), lambda i: (i, 0)),
        out_shape=jax.ShapeDtypeStruct((N, 128), jnp.float32),
    )(acc, sden, oW1, ob1, oW2, ob2)


def kernel(x_src, x_dst, edge_attr, edge_index, q, kW1, kb1, kW2, kb2,
           vW1, vb1, vW2, vb2, oW1, ob1, oW2, ob2):
    qv = q.reshape(OUT)
    qh = qv.reshape(H, HD)
    Ws = jnp.einsum("ihd,hd->ih", kW2.reshape(OUT, H, HD), qh)
    diag = jnp.zeros((OUT, H), jnp.float32).at[
        jnp.arange(OUT), jnp.arange(OUT) // HD].add(qv)
    Ws = (Ws + diag) * 0.25
    cs = ((kb2.reshape(H, HD) * qh).sum(-1) * 0.25).reshape(1, H)

    W1s = jnp.concatenate([kW1[:128], vW1[:128]], axis=1)
    W1d = jnp.concatenate([kW1[128:256], vW1[128:256]], axis=1)
    W1e = jnp.concatenate([kW1[256:], vW1[256:]], axis=1)
    b1 = jnp.concatenate([kb1, vb1]).reshape(1, 256)

    R = (jnp.arange(OUT)[None, :] // HD
         == jnp.arange(H)[:, None]).astype(jnp.float32)

    eidx = edge_index.astype(jnp.int32)
    sidx = eidx[0]
    didx = eidx[1]

    src_g, dst_g = _gather(x_src, x_dst, sidx, didx)
    ev, er = _edge_pass(src_g, dst_g, edge_attr,
                        W1s.astype(jnp.bfloat16), W1d.astype(jnp.bfloat16),
                        W1e, b1, Ws, cs, vW2.astype(jnp.bfloat16),
                        vb2.reshape(1, 128), R)
    acc, sden = _scatter(ev, er, didx)
    return _final_pass(acc, sden, oW1, ob1.reshape(1, 128),
                       oW2, ob2.reshape(1, 128))

# --- scband reference (transcript-rebuilt; emitter-appended) ---
"""Pipeline reference for scband-hetero-neighborhood-attention-24232205484251 (READ-ONLY COPY).

The authoritative reference and input builder live on the scoring server;
editing this copy changes nothing except your own understanding.
"""

import jax, jax.numpy as jnp
import numpy as np

N_NODES = 10000
N_EDGES = 320000
SRC_DIM = 128
DST_DIM = 128
EDGE_DIM = 16
OUT_DIM = 128
HEADS = 8


def residual_stack(x, params, last_activation):
    n = len(params)
    for i, (W, b) in enumerate(params):
        y = x @ W + b
        if x.shape[-1] == y.shape[-1]:
            y = y + x
        if i < n - 1 or last_activation:
            y = jax.nn.relu(y)
        x = y
    return x


def setup_inputs(seed: int = 0) -> dict:
    key = jax.random.key(seed)
    ks = jax.random.split(key, 16)
    in_dim = SRC_DIM + DST_DIM + EDGE_DIM  # 272
    inp = {}
    inp['x_src'] = jax.random.normal(ks[0], (N_NODES, SRC_DIM), dtype=jnp.float32)
    inp['x_dst'] = jax.random.normal(ks[1], (N_NODES, DST_DIM), dtype=jnp.float32)
    inp['edge_attr'] = jax.random.normal(ks[2], (N_EDGES, EDGE_DIM), dtype=jnp.float32)
    inp['edge_index'] = jax.random.randint(ks[3], (2, N_EDGES), 0, N_NODES, dtype=jnp.int64 if jax.config.jax_enable_x64 else jnp.int32)
    inp['q'] = jax.random.uniform(ks[4], (1, OUT_DIM), dtype=jnp.float32) * 0.1
    inp['kW1'] = jax.random.normal(ks[5], (in_dim, OUT_DIM), dtype=jnp.float32) / np.sqrt(in_dim)
    inp['kb1'] = jnp.zeros((OUT_DIM,), dtype=jnp.float32)
    inp['kW2'] = jax.random.normal(ks[6], (OUT_DIM, OUT_DIM), dtype=jnp.float32) / np.sqrt(OUT_DIM)
    inp['kb2'] = jnp.zeros((OUT_DIM,), dtype=jnp.float32)
    inp['vW1'] = jax.random.normal(ks[7], (in_dim, OUT_DIM), dtype=jnp.float32) / np.sqrt(in_dim)
    inp['vb1'] = jnp.zeros((OUT_DIM,), dtype=jnp.float32)
    inp['vW2'] = jax.random.normal(ks[8], (OUT_DIM, OUT_DIM), dtype=jnp.float32) / np.sqrt(OUT_DIM)
    inp['vb2'] = jnp.zeros((OUT_DIM,), dtype=jnp.float32)
    inp['oW1'] = jax.random.normal(ks[9], (OUT_DIM, OUT_DIM), dtype=jnp.float32) / np.sqrt(OUT_DIM)
    inp['ob1'] = jnp.zeros((OUT_DIM,), dtype=jnp.float32)
    inp['oW2'] = jax.random.normal(ks[10], (OUT_DIM, OUT_DIM), dtype=jnp.float32) / np.sqrt(OUT_DIM)
    inp['ob2'] = jnp.zeros((OUT_DIM,), dtype=jnp.float32)
    return inp


def reference(x_src, x_dst, edge_attr, edge_index, q, kW1, kb1, kW2, kb2, vW1, vb1, vW2, vb2, oW1, ob1, oW2, ob2):
    N = x_dst.shape[0]
    src_g = x_src[edge_index[0]]
    dst_g = x_dst[edge_index[1]]
    index = edge_index[1]
    x = jnp.concatenate([src_g, dst_g, edge_attr], axis=-1)
    k = residual_stack(x, [(kW1, kb1), (kW2, kb2)], last_activation=False)
    v = residual_stack(x, [(vW1, vb1), (vW2, vb2)], last_activation=False)
    d = OUT_DIM // HEADS
    qh = q.reshape(1, HEADS, d)
    kh = k.reshape(-1, HEADS, d)
    vh = v.reshape(-1, HEADS, d)
    scores = jnp.sum(qh * kh, axis=-1) / jnp.sqrt(jnp.float32(d))  # [E, H]
    m = jax.ops.segment_max(scores, index, num_segments=N)
    m = jnp.where(jnp.isfinite(m), m, 0.0)
    m = jax.lax.stop_gradient(m)
    e = jnp.exp(scores - m[index])
    s = jax.ops.segment_sum(e, index, num_segments=N)
    alpha = e / (s[index] + 1e-16)
    msg = (alpha[:, :, None] * vh).reshape(-1, OUT_DIM)
    aggr = jax.ops.segment_sum(msg, index, num_segments=N)
    out = residual_stack(jax.nn.relu(aggr), [(oW1, ob1), (oW2, ob2)], last_activation=True)
    return out

if __name__ == "__main__":
    import jax
    _d = setup_inputs()
    print(jax.jit(kernel)(*tuple(_d.values())))

</pallas_src>

<mosaic_0001>
#map = affine_map<(d0, d1) -> (0, 0)>
#map1 = affine_map<(d0, d1) -> (0)>
module attributes {stable_mosaic.version = 14 : i64} {
  func.func @_scatter_body(%arg0: i32, %arg1: i32, %arg2: memref<320000x128xf32, #tpu.memory_space<hbm>>, %arg3: memref<320000x128xf32, #tpu.memory_space<hbm>>, %arg4: memref<320000xi32, #tpu.memory_space<hbm>>, %arg5: memref<10000x128xf32, #tpu.memory_space<hbm>>, %arg6: memref<10000x128xf32, #tpu.memory_space<hbm>>, %arg7: memref<80xi32, #tpu.memory_space<vmem>>, %arg8: memref<80xi32, #tpu.memory_space<vmem>>, %arg9: memref<80x128xf32, #tpu.memory_space<vmem>>, %arg10: memref<80x128xf32, #tpu.memory_space<vmem>>, %arg11: memref<!tpu.dma_semaphore, #tpu.memory_space<semaphore_mem>>, %arg12: memref<!tpu.dma_semaphore, #tpu.memory_space<semaphore_mem>>, %arg13: memref<!tpu.dma_semaphore, #tpu.memory_space<semaphore_mem>>, %arg14: memref<!tpu.dma_semaphore, #tpu.memory_space<semaphore_mem>>, %arg15: memref<48x128xf32, #tpu.memory_space<vmem>>, %arg16: memref<48xi32, #tpu.memory_space<vmem>>, %arg17: memref<16xi32, #tpu.memory_space<vmem>>, %arg18: memref<10000x128xf32, #tpu.memory_space<vmem_shared>>) attributes {dimension_semantics = [#tpu.dimension_semantics<core_parallel>, #tpu.dimension_semantics<subcore_parallel>], iteration_bounds = array<i64: 2, 16>, scalar_prefetch = 0 : i64, scratch_operands = 12 : i64, tpu.core_type = #tpu.core_type<sc_vector_subcore>, window_params = [{transform_indices = #map}, {transform_indices = #map}, {transform_indices = #map1}, {transform_indices = #map}, {transform_indices = #map}]} {
    %broadcast_in_dim3A = arith.constant 0.000000e+00 : f32
    %broadcast_in_dim3A_0 = vector.broadcast %broadcast_in_dim3A : f32 to vector<16xf32>
    %scan3A = arith.constant 0 : i32
    %scan3A_1 = arith.constant 0 : i32
    %scan3A_2 = arith.constant 48 : i32
    %scan3A_3 = arith.addi %scan3A_1, %scan3A_2 : i32
    %scan3A_4 = arith.constant 1 : i32
    scf.for %scan3A_37 = %scan3A_1 to %scan3A_3 step %scan3A_4  : i32 {
      %swap3A = arith.index_cast %scan3A_37 : i32 to index
      %swap3A_38 = arith.constant 0 : index
      %swap3A_39 = tpu.vector_load %arg15[%swap3A, %swap3A_38] {strides = array<i32>} : memref<48x128xf32, #tpu.memory_space<vmem>>, vector<1x16xf32>,
      %swap3A_40 = vector.shape_cast %swap3A_39 : vector<1x16xf32> to vector<16xf32>
      %swap3A_41 = vector.shape_cast %broadcast_in_dim3A_0 : vector<16xf32> to vector<1x16xf32>
      tpu.vector_store %arg15[%swap3A, %swap3A_38], %swap3A_41 {strides = array<i32>} : memref<48x128xf32, #tpu.memory_space<vmem>>, vector<1x16xf32>,
      %swap3A_42 = arith.index_cast %scan3A_37 : i32 to index
      %swap3A_43 = arith.constant 16 : index
      %swap3A_44 = tpu.vector_load %arg15[%swap3A_42, %swap3A_43] {strides = array<i32>} : memref<48x128xf32, #tpu.memory_space<vmem>>, vector<1x16xf32>,
      %swap3A_45 = vector.shape_cast %swap3A_44 : vector<1x16xf32> to vector<16xf32>
      %swap3A_46 = vector.shape_cast %broadcast_in_dim3A_0 : vector<16xf32> to vector<1x16xf32>
      tpu.vector_store %arg15[%swap3A_42, %swap3A_43], %swap3A_46 {strides = array<i32>} : memref<48x128xf32, #tpu.memory_space<vmem>>, vector<1x16xf32>,
      %swap3A_47 = arith.index_cast %scan3A_37 : i32 to index
      %swap3A_48 = arith.constant 32 : index
      %swap3A_49 = tpu.vector_load %arg15[%swap3A_47, %swap3A_48] {strides = array<i32>} : memref<48x128xf32, #tpu.memory_space<vmem>>, vector<1x16xf32>,
      %swap3A_50 = vector.shape_cast %swap3A_49 : vector<1x16xf32> to vector<16xf32>
      %swap3A_51 = vector.shape_cast %broadcast_in_dim3A_0 : vector<16xf32> to vector<1x16xf32>
      tpu.vector_store %arg15[%swap3A_47, %swap3A_48], %swap3A_51 {strides = array<i32>} : memref<48x128xf32, #tpu.memory_space<vmem>>, vector<1x16xf32>,
      %swap3A_52 = arith.index_cast %scan3A_37 : i32 to index
      %swap3A_53 = arith.constant 48 : index
      %swap3A_54 = tpu.vector_load %arg15[%swap3A_52, %swap3A_53] {strides = array<i32>} : memref<48x128xf32, #tpu.memory_space<vmem>>, vector<1x16xf32>,
      %swap3A_55 = vector.shape_cast %swap3A_54 : vector<1x16xf32> to vector<16xf32>
      %swap3A_56 = vector.shape_cast %broadcast_in_dim3A_0 : vector<16xf32> to vector<1x16xf32>
      tpu.vector_store %arg15[%swap3A_52, %swap3A_53], %swap3A_56 {strides = array<i32>} : memref<48x128xf32, #tpu.memory_space<vmem>>, vector<1x16xf32>,
      %swap3A_57 = arith.index_cast %scan3A_37 : i32 to index
      %swap3A_58 = arith.constant 64 : index
      %swap3A_59 = tpu.vector_load %arg15[%swap3A_57, %swap3A_58] {strides = array<i32>} : memref<48x128xf32, #tpu.memory_space<vmem>>, vector<1x16xf32>,
      %swap3A_60 = vector.shape_cast %swap3A_59 : vector<1x16xf32> to vector<16xf32>
      %swap3A_61 = vector.shape_cast %broadcast_in_dim3A_0 : vector<16xf32> to vector<1x16xf32>
      tpu.vector_store %arg15[%swap3A_57, %swap3A_58], %swap3A_61 {strides = array<i32>} : memref<48x128xf32, #tpu.memory_space<vmem>>, vector<1x16xf32>,
      %swap3A_62 = arith.index_cast %scan3A_37 : i32 to index
      %swap3A_63 = arith.constant 80 : index
      %swap3A_64 = tpu.vector_load %arg15[%swap3A_62, %swap3A_63] {strides = array<i32>} : memref<48x128xf32, #tpu.memory_space<vmem>>, vector<1x16xf32>,
      %swap3A_65 = vector.shape_cast %swap3A_64 : vector<1x16xf32> to vector<16xf32>
      %swap3A_66 = vector.shape_cast %broadcast_in_dim3A_0 : vector<16xf32> to vector<1x16xf32>
      tpu.vector_store %arg15[%swap3A_62, %swap3A_63], %swap3A_66 {strides = array<i32>} : memref<48x128xf32, #tpu.memory_space<vmem>>, vector<1x16xf32>,
      %swap3A_67 = arith.index_cast %scan3A_37 : i32 to index
      %swap3A_68 = arith.constant 96 : index
      %swap3A_69 = tpu.vector_load %arg15[%swap3A_67, %swap3A_68] {strides = array<i32>} : memref<48x128xf32, #tpu.memory_space<vmem>>, vector<1x16xf32>,
      %swap3A_70 = vector.shape_cast %swap3A_69 : vector<1x16xf32> to vector<16xf32>
      %swap3A_71 = vector.shape_cast %broadcast_in_dim3A_0 : vector<16xf32> to vector<1x16xf32>
      tpu.vector_store %arg15[%swap3A_67, %swap3A_68], %swap3A_71 {strides = array<i32>} : memref<48x128xf32, #tpu.memory_space<vmem>>, vector<1x16xf32>,
      %swap3A_72 = arith.index_cast %scan3A_37 : i32 to index
      %swap3A_73 = arith.constant 112 : index
      %swap3A_74 = tpu.vector_load %arg15[%swap3A_72, %swap3A_73] {strides = array<i32>} : memref<48x128xf32, #tpu.memory_space<vmem>>, vector<1x16xf32>,
      %swap3A_75 = vector.shape_cast %swap3A_74 : vector<1x16xf32> to vector<16xf32>
      %swap3A_76 = vector.shape_cast %broadcast_in_dim3A_0 : vector<16xf32> to vector<1x16xf32>
      tpu.vector_store %arg15[%swap3A_72, %swap3A_73], %swap3A_76 {strides = array<i32>} : memref<48x128xf32, #tpu.memory_space<vmem>>, vector<1x16xf32>,
    }
    %scan3A_5 = arith.constant 48 : i32
    %scan3A_6 = arith.constant 0 : i32
    %scan3A_7 = arith.constant 0 : i32
    %scan3A_8 = arith.constant 13 : i32
    %scan3A_9 = arith.addi %scan3A_7, %scan3A_8 : i32
    %scan3A_10 = arith.constant 1 : i32
    scf.for %scan3A_37 = %scan3A_7 to %scan3A_9 step %scan3A_10  : i32 {
      %mul3A_38 = arith.constant 624 : i32
      %mul3A_39 = arith.muli %arg1, %mul3A_38 : i32
      %mul3A_40 = arith.constant 48 : i32
      %mul3A_41 = arith.muli %scan3A_37, %mul3A_40 : i32
      %add3A = arith.addi %mul3A_39, %mul3A_41 : i32
      %iota3A = tpu.iota {dimensions = array<i32: 0>} : vector<16xi32>
      %add3A_42 = arith.constant 0 : i32
      %add3A_43 = arith.addi %add3A, %add3A_42 : i32
      %add3A_44 = vector.broadcast %add3A_43 : i32 to vector<16xi32>
      %add3A_45 = arith.addi %iota3A, %add3A_44 : vector<16xi32>
      %swap3A = arith.constant 0 : index
      %swap3A_46 = tpu.vector_load %arg16[%swap3A] {strides = array<i32>} : memref<48xi32, #tpu.memory_space<vmem>>, vector<16xi32>,
      %swap3A_47 = vector.shape_cast %swap3A_46 : vector<16xi32> to vector<16xi32>
      %swap3A_48 = vector.shape_cast %add3A_45 : vector<16xi32> to vector<16xi32>
      tpu.vector_store %arg16[%swap3A], %swap3A_48 {strides = array<i32>} : memref<48xi32, #tpu.memory_space<vmem>>, vector<16xi32>,
      %add3A_49 = arith.constant 16 : i32
      %add3A_50 = arith.addi %add3A, %add3A_49 : i32
      %add3A_51 = vector.broadcast %add3A_50 : i32 to vector<16xi32>
      %add3A_52 = arith.addi %iota3A, %add3A_51 : vector<16xi32>
      %swap3A_53 = arith.constant 16 : index
      %swap3A_54 = tpu.vector_load %arg16[%swap3A_53] {strides = array<i32>} : memref<48xi32, #tpu.memory_space<vmem>>, vector<16xi32>,
      %swap3A_55 = vector.shape_cast %swap3A_54 : vector<16xi32> to vector<16xi32>
      %swap3A_56 = vector.shape_cast %add3A_52 : vector<16xi32> to vector<16xi32>
      tpu.vector_store %arg16[%swap3A_53], %swap3A_56 {strides = array<i32>} : memref<48xi32, #tpu.memory_space<vmem>>, vector<16xi32>,
      %add3A_57 = arith.constant 32 : i32
      %add3A_58 = arith.addi %add3A, %add3A_57 : i32
      %add3A_59 = vector.broadcast %add3A_58 : i32 to vector<16xi32>
      %add3A_60 = arith.addi %iota3A, %add3A_59 : vector<16xi32>
      %swap3A_61 = arith.constant 32 : index
      %swap3A_62 = tpu.vector_load %arg16[%swap3A_61] {strides = array<i32>} : memref<48xi32, #tpu.memory_space<vmem>>, vector<16xi32>,
      %swap3A_63 = vector.shape_cast %swap3A_62 : vector<16xi32> to vector<16xi32>
      %swap3A_64 = vector.shape_cast %add3A_60 : vector<16xi32> to vector<16xi32>
      tpu.vector_store %arg16[%swap3A_61], %swap3A_64 {strides = array<i32>} : memref<48xi32, #tpu.memory_space<vmem>>, vector<16xi32>,
      "tpu.region"() ({
        %run_scoped3A = tpu.sem_alloc : memref<!tpu.dma_semaphore, #tpu.memory_space<semaphore_mem>>
        %dma_start3A = arith.constant 0 : i32
        %dma_start3A_65 = arith.constant 0 : i32
        %dma_start3A_66 = tpu.memref_slice %arg18[%dma_start3A, %dma_start3A_65] : memref<10000x128xf32, #tpu.memory_space<vmem_shared>> -> memref<10000x128xf32, #tpu.memory_space<vmem_shared>>
        tpu.enqueue_indirect_dma source(%arg15 : memref<48x128xf32, #tpu.memory_space<vmem>>) target(%dma_start3A_66 : memref<10000x128xf32, #tpu.memory_space<vmem_shared>>) offsets(%arg16 : memref<48xi32, #tpu.memory_space<vmem>>) semaphore(%run_scoped3A : memref<!tpu.dma_semaphore, #tpu.memory_space<semaphore_mem>>)
        %dma_wait3A = arith.constant 0 : i32
        %dma_wait3A_67 = arith.constant 0 : i32
        %dma_wait3A_68 = tpu.memref_slice %arg18[%dma_wait3A, %dma_wait3A_67] : memref<10000x128xf32, #tpu.memory_space<vmem_shared>> -> memref<10000x128xf32, #tpu.memory_space<vmem_shared>>
        tpu.wait_indirect_dma semaphore(%run_scoped3A : memref<!tpu.dma_semaphore, #tpu.memory_space<semaphore_mem>>) src(%arg15 : memref<48x128xf32, #tpu.memory_space<vmem>>) dst(%dma_wait3A_68 : memref<10000x128xf32, #tpu.memory_space<vmem_shared>>)
        tpu.yield
      }) : () -> ()
    }
    %scan3A_11 = arith.constant 13 : i32
    %eq3A = arith.constant 0 : i32
    %eq3A_12 = arith.cmpi eq, %arg1, %eq3A : i32
    %convert_element_type3A = arith.extui %eq3A_12 : i1 to i32
    %cond3A = arith.constant 0 : i32
    %cond3A_13 = arith.cmpi ne, %convert_element_type3A, %cond3A : i32
    scf.if %cond3A_13 {
      %iota3A = tpu.iota {dimensions = array<i32: 0>} : vector<16xi32>
      %add3A = arith.constant 9984 : i32
      %add3A_37 = vector.broadcast %add3A : i32 to vector<16xi32>
      %add3A_38 = arith.addi %iota3A, %add3A_37 : vector<16xi32>
      %swap3A = arith.constant 0 : index
      %swap3A_39 = tpu.vector_load %arg17[%swap3A] {strides = array<i32>} : memref<16xi32, #tpu.memory_space<vmem>>, vector<16xi32>,
      %swap3A_40 = vector.shape_cast %swap3A_39 : vector<16xi32> to vector<16xi32>
      %swap3A_41 = vector.shape_cast %add3A_38 : vector<16xi32> to vector<16xi32>
      tpu.vector_store %arg17[%swap3A], %swap3A_41 {strides = array<i32>} : memref<16xi32, #tpu.memory_space<vmem>>, vector<16xi32>,
      "tpu.region"() ({
        %run_scoped3A = tpu.sem_alloc : memref<!tpu.dma_semaphore, #tpu.memory_space<semaphore_mem>>
        %dma_start3A = arith.constant 0 : i32
        %dma_start3A_42 = arith.constant 0 : i32
        %dma_start3A_43 = tpu.memref_slice %arg15[%dma_start3A, %dma_start3A_42] : memref<48x128xf32, #tpu.memory_space<vmem>> -> memref<16x128xf32, #tpu.memory_space<vmem>>
        %dma_start3A_44 = arith.constant 0 : i32
        %dma_start3A_45 = arith.constant 0 : i32
        %dma_start3A_46 = tpu.memref_slice %arg18[%dma_start3A_44, %dma_start3A_45] : memref<10000x128xf32, #tpu.memory_space<vmem_shared>> -> memref<10000x128xf32, #tpu.memory_space<vmem_shared>>
        tpu.enqueue_indirect_dma source(%dma_start3A_43 : memref<16x128xf32, #tpu.memory_space<vmem>>) target(%dma_start3A_46 : memref<10000x128xf32, #tpu.memory_space<vmem_shared>>) offsets(%arg17 : memref<16xi32, #tpu.memory_space<vmem>>) semaphore(%run_scoped3A : memref<!tpu.dma_semaphore, #tpu.memory_space<semaphore_mem>>)
        %dma_wait3A = arith.constant 0 : i32
        %dma_wait3A_47 = arith.constant 0 : i32
        %dma_wait3A_48 = tpu.memref_slice %arg15[%dma_wait3A, %dma_wait3A_47] : memref<48x128xf32, #tpu.memory_space<vmem>> -> memref<16x128xf32, #tpu.memory_space<vmem>>
        %dma_wait3A_49 = arith.constant 0 : i32
        %dma_wait3A_50 = arith.constant 0 : i32
        %dma_wait3A_51 = tpu.memref_slice %arg18[%dma_wait3A_49, %dma_wait3A_50] : memref<10000x128xf32, #tpu.memory_space<vmem_shared>> -> memref<10000x128xf32, #tpu.memory_space<vmem_shared>>
        tpu.wait_indirect_dma semaphore(%run_scoped3A : memref<!tpu.dma_semaphore, #tpu.memory_space<semaphore_mem>>) src(%dma_wait3A_48 : memref<16x128xf32, #tpu.memory_space<vmem>>) dst(%dma_wait3A_51 : memref<10000x128xf32, #tpu.memory_space<vmem_shared>>)
        tpu.yield
      }) : () -> ()
    } else {
    }
    %barrier3A = arith.constant 0 : index
    tpu.barrier barrier_id(%barrier3A)
    %mul3A = arith.constant 20000 : i32
    %mul3A_14 = arith.muli %arg1, %mul3A : i32
    %eq3A_15 = arith.constant 0 : i32
    %eq3A_16 = arith.cmpi eq, %arg0, %eq3A_15 : i32
    %convert_element_type3A_17 = arith.extui %eq3A_16 : i1 to i32
    %cond3A_18 = arith.constant 0 : i32
    %cond3A_19 = arith.cmpi ne, %convert_element_type3A_17, %cond3A_18 : i32
    scf.if %cond3A_19 {
      %add3A = arith.constant 0 : i32
      %add3A_37 = arith.addi %mul3A_14, %add3A : i32
      "tpu.region"() ({
        %run_scoped3A = tpu.sem_alloc : memref<!tpu.dma_semaphore, #tpu.memory_space<semaphore_mem>>
        %dma_start3A_58 = tpu.memref_slice %arg4[%add3A_37] : memref<320000xi32, #tpu.memory_space<hbm>> -> memref<80xi32, #tpu.memory_space<hbm>>
        %dma_start3A_59 = tpu.memref_slice %arg4[%add3A_37] : memref<320000xi32, #tpu.memory_space<hbm>> -> memref<80xi32, #tpu.memory_space<hbm>>
        tpu.enqueue_dma source(%dma_start3A_59 : memref<80xi32, #tpu.memory_space<hbm>>) target(%arg7 : memref<80xi32, #tpu.memory_space<vmem>>) target_semaphore(%run_scoped3A : memref<!tpu.dma_semaphore, #tpu.memory_space<semaphore_mem>>)
        %dma_wait3A_60 = tpu.memref_slice %arg4[%add3A_37] : memref<320000xi32, #tpu.memory_space<hbm>> -> memref<80xi32, #tpu.memory_space<hbm>>
        %dma_wait3A_61 = tpu.memref_slice %arg4[%add3A_37] : memref<320000xi32, #tpu.memory_space<hbm>> -> memref<80xi32, #tpu.memory_space<hbm>>
        tpu.wait_dma2 semaphore(%run_scoped3A : memref<!tpu.dma_semaphore, #tpu.memory_space<semaphore_mem>>) src(%dma_wait3A_61 : memref<80xi32, #tpu.memory_space<hbm>>) dst(%arg7 : memref<80xi32, #tpu.memory_space<vmem>>)
        tpu.yield
      }) : () -> ()
      %dma_start3A = arith.constant 0 : i32
      %dma_start3A_38 = tpu.memref_slice %arg2[%add3A_37, %dma_start3A] : memref<320000x128xf32, #tpu.memory_space<hbm>> -> memref<80x128xf32, #tpu.memory_space<hbm>>
      %dma_start3A_39 = arith.constant 0 : i32
      %dma_start3A_40 = tpu.memref_slice %arg2[%add3A_37, %dma_start3A_39] : memref<320000x128xf32, #tpu.memory_space<hbm>> -> memref<80x128xf32, #tpu.memory_space<hbm>>
      tpu.enqueue_dma source(%dma_start3A_40 : memref<80x128xf32, #tpu.memory_space<hbm>>) target(%arg9 : memref<80x128xf32, #tpu.memory_space<vmem>>) target_semaphore(%arg11 : memref<!tpu.dma_semaphore, #tpu.memory_space<semaphore_mem>>)
      %add3A_41 = arith.constant 80 : i32
      %add3A_42 = arith.addi %mul3A_14, %add3A_41 : i32
      "tpu.region"() ({
        %run_scoped3A = tpu.sem_alloc : memref<!tpu.dma_semaphore, #tpu.memory_space<semaphore_mem>>
        %dma_start3A_58 = tpu.memref_slice %arg4[%add3A_42] : memref<320000xi32, #tpu.memory_space<hbm>> -> memref<80xi32, #tpu.memory_space<hbm>>
        %dma_start3A_59 = tpu.memref_slice %arg4[%add3A_42] : memref<320000xi32, #tpu.memory_space<hbm>> -> memref<80xi32, #tpu.memory_space<hbm>>
        tpu.enqueue_dma source(%dma_start3A_59 : memref<80xi32, #tpu.memory_space<hbm>>) target(%arg8 : memref<80xi32, #tpu.memory_space<vmem>>) target_semaphore(%run_scoped3A : memref<!tpu.dma_semaphore, #tpu.memory_space<semaphore_mem>>)
        %dma_wait3A_60 = tpu.memref_slice %arg4[%add3A_42] : memref<320000xi32, #tpu.memory_space<hbm>> -> memref<80xi32, #tpu.memory_space<hbm>>
        %dma_wait3A_61 = tpu.memref_slice %arg4[%add3A_42] : memref<320000xi32, #tpu.memory_space<hbm>> -> memref<80xi32, #tpu.memory_space<hbm>>
        tpu.wait_dma2 semaphore(%run_scoped3A : memref<!tpu.dma_semaphore, #tpu.memory_space<semaphore_mem>>) src(%dma_wait3A_61 : memref<80xi32, #tpu.memory_space<hbm>>) dst(%arg8 : memref<80xi32, #tpu.memory_space<vmem>>)
        tpu.yield
      }) : () -> ()
      %dma_start3A_43 = arith.constant 0 : i32
      %dma_start3A_44 = tpu.memref_slice %arg2[%add3A_42, %dma_start3A_43] : memref<320000x128xf32, #tpu.memory_space<hbm>> -> memref<80x128xf32, #tpu.memory_space<hbm>>
      %dma_start3A_45 = arith.constant 0 : i32
      %dma_start3A_46 = tpu.memref_slice %arg2[%add3A_42, %dma_start3A_45] : memref<320000x128xf32, #tpu.memory_space<hbm>> -> memref<80x128xf32, #tpu.memory_space<hbm>>
      tpu.enqueue_dma source(%dma_start3A_46 : memref<80x128xf32, #tpu.memory_space<hbm>>) target(%arg10 : memref<80x128xf32, #tpu.memory_space<vmem>>) target_semaphore(%arg12 : memref<!tpu.dma_semaphore, #tpu.memory_space<semaphore_mem>>)
      %scan3A_47 = arith.constant 0 : i32
      %scan3A_48 = arith.constant 0 : i32
      %scan3A_49 = arith.constant 125 : i32
      %scan3A_50 = arith.addi %scan3A_48, %scan3A_49 : i32
      %scan3A_51 = arith.constant 1 : i32
      scf.for %scan3A_58 = %scan3A_48 to %scan3A_50 step %scan3A_51  : i32 {
        %mul3A_59 = arith.constant 2 : i32
        %mul3A_60 = arith.muli %mul3A_59, %scan3A_58 : i32
        %add3A_61 = arith.constant 0 : i32
        %add3A_62 = arith.addi %mul3A_60, %add3A_61 : i32
        %mul3A_63 = arith.constant 80 : i32
        %mul3A_64 = arith.muli %add3A_62, %mul3A_63 : i32
        %add3A_65 = arith.addi %mul3A_14, %mul3A_64 : i32
        %dma_wait3A_66 = arith.constant 0 : i32
        %dma_wait3A_67 = tpu.memref_slice %arg2[%add3A_65, %dma_wait3A_66] : memref<320000x128xf32, #tpu.memory_space<hbm>> -> memref<80x128xf32, #tpu.memory_space<hbm>>
        %dma_wait3A_68 = arith.constant 0 : i32
        %dma_wait3A_69 = tpu.memref_slice %arg2[%add3A_65, %dma_wait3A_68] : memref<320000x128xf32, #tpu.memory_space<hbm>> -> memref<80x128xf32, #tpu.memory_space<hbm>>
        tpu.wait_dma2 semaphore(%arg11 : memref<!tpu.dma_semaphore, #tpu.memory_space<semaphore_mem>>) src(%dma_wait3A_69 : memref<80x128xf32, #tpu.memory_space<hbm>>) dst(%arg9 : memref<80x128xf32, #tpu.memory_space<vmem>>)
        %dma_start3A_70 = arith.constant 0 : i32
        %dma_start3A_71 = arith.constant 0 : i32
        %dma_start3A_72 = tpu.memref_slice %arg18[%dma_start3A_70, %dma_start3A_71] : memref<10000x128xf32, #tpu.memory_space<vmem_shared>> -> memref<10000x128xf32, #tpu.memory_space<vmem_shared>>
        tpu.enqueue_indirect_dma source(%arg9 : memref<80x128xf32, #tpu.memory_space<vmem>>) target(%dma_start3A_72 : memref<10000x128xf32, #tpu.memory_space<vmem_shared>>) offsets(%arg7 : memref<80xi32, #tpu.memory_space<vmem>>) semaphore(%arg13 : memref<!tpu.dma_semaphore, #tpu.memory_space<semaphore_mem>>) {add = true}
        %lt3A = arith.constant 124 : i32
        %lt3A_73 = arith.cmpi slt, %scan3A_58, %lt3A : i32
        %convert_element_type3A_74 = arith.extui %lt3A_73 : i1 to i32
        %cond3A_75 = arith.constant 0 : i32
        %cond3A_76 = arith.cmpi ne, %convert_element_type3A_74, %cond3A_75 : i32
        scf.if %cond3A_76 {
          %add3A_96 = arith.constant 160 : i32
          %add3A_97 = arith.addi %add3A_65, %add3A_96 : i32
          %dma_wait3A_98 = arith.constant 0 : i32
          %dma_wait3A_99 = arith.constant 0 : i32
          %dma_wait3A_100 = tpu.memref_slice %arg18[%dma_wait3A_98, %dma_wait3A_99] : memref<10000x128xf32, #tpu.memory_space<vmem_shared>> -> memref<10000x128xf32, #tpu.memory_space<vmem_shared>>
          tpu.wait_indirect_dma semaphore(%arg13 : memref<!tpu.dma_semaphore, #tpu.memory_space<semaphore_mem>>) src(%arg9 : memref<80x128xf32, #tpu.memory_space<vmem>>) dst(%dma_wait3A_100 : memref<10000x128xf32, #tpu.memory_space<vmem_shared>>)
          "tpu.region"() ({
            %run_scoped3A = tpu.sem_alloc : memref<!tpu.dma_semaphore, #tpu.memory_space<semaphore_mem>>
            %dma_start3A_105 = tpu.memref_slice %arg4[%add3A_97] : memref<320000xi32, #tpu.memory_space<hbm>> -> memref<80xi32, #tpu.memory_space<hbm>>
            %dma_start3A_106 = tpu.memref_slice %arg4[%add3A_97] : memref<320000xi32, #tpu.memory_space<hbm>> -> memref<80xi32, #tpu.memory_space<hbm>>
            tpu.enqueue_dma source(%dma_start3A_106 : memref<80xi32, #tpu.memory_space<hbm>>) target(%arg7 : memref<80xi32, #tpu.memory_space<vmem>>) target_semaphore(%run_scoped3A : memref<!tpu.dma_semaphore, #tpu.memory_space<semaphore_mem>>)
            %dma_wait3A_107 = tpu.memref_slice %arg4[%add3A_97] : memref<320000xi32, #tpu.memory_space<hbm>> -> memref<80xi32, #tpu.memory_space<hbm>>
            %dma_wait3A_108 = tpu.memref_slice %arg4[%add3A_97] : memref<320000xi32, #tpu.memory_space<hbm>> -> memref<80xi32, #tpu.memory_space<hbm>>
            tpu.wait_dma2 semaphore(%run_scoped3A : memref<!tpu.dma_semaphore, #tpu.memory_space<semaphore_mem>>) src(%dma_wait3A_108 : memref<80xi32, #tpu.memory_space<hbm>>) dst(%arg7 : memref<80xi32, #tpu.memory_space<vmem>>)
            tpu.yield
          }) : () -> ()
          %dma_start3A_101 = arith.constant 0 : i32
          %dma_start3A_102 = tpu.memref_slice %arg2[%add3A_97, %dma_start3A_101] : memref<320000x128xf32, #tpu.memory_space<hbm>> -> memref<80x128xf32, #tpu.memory_space<hbm>>
          %dma_start3A_103 = arith.constant 0 : i32
          %dma_start3A_104 = tpu.memref_slice %arg2[%add3A_97, %dma_start3A_103] : memref<320000x128xf32, #tpu.memory_space<hbm>> -> memref<80x128xf32, #tpu.memory_space<hbm>>
          tpu.enqueue_dma source(%dma_start3A_104 : memref<80x128xf32, #tpu.memory_space<hbm>>) target(%arg9 : memref<80x128xf32, #tpu.memory_space<vmem>>) target_semaphore(%arg11 : memref<!tpu.dma_semaphore, #tpu.memory_space<semaphore_mem>>)
        } else {
        }
        %mul3A_77 = arith.constant 2 : i32
        %mul3A_78 = arith.muli %mul3A_77, %scan3A_58 : i32
        %add3A_79 = arith.constant 1 : i32
        %add3A_80 = arith.addi %mul3A_78, %add3A_79 : i32
        %mul3A_81 = arith.constant 80 : i32
        %mul3A_82 = arith.muli %add3A_80, %mul3A_81 : i32
        %add3A_83 = arith.addi %mul3A_14, %mul3A_82 : i32
        %dma_wait3A_84 = arith.constant 0 : i32
        %dma_wait3A_85 = tpu.memref_slice %arg2[%add3A_83, %dma_wait3A_84] : memref<320000x128xf32, #tpu.memory_space<hbm>> -> memref<80x128xf32, #tpu.memory_space<hbm>>
        %dma_wait3A_86 = arith.constant 0 : i32
        %dma_wait3A_87 = tpu.memref_slice %arg2[%add3A_83, %dma_wait3A_86] : memref<320000x128xf32, #tpu.memory_space<hbm>> -> memref<80x128xf32, #tpu.memory_space<hbm>>
        tpu.wait_dma2 semaphore(%arg12 : memref<!tpu.dma_semaphore, #tpu.memory_space<semaphore_mem>>) src(%dma_wait3A_87 : memref<80x128xf32, #tpu.memory_space<hbm>>) dst(%arg10 : memref<80x128xf32, #tpu.memory_space<vmem>>)
        %dma_start3A_88 = arith.constant 0 : i32
        %dma_start3A_89 = arith.constant 0 : i32
        %dma_start3A_90 = tpu.memref_slice %arg18[%dma_start3A_88, %dma_start3A_89] : memref<10000x128xf32, #tpu.memory_space<vmem_shared>> -> memref<10000x128xf32, #tpu.memory_space<vmem_shared>>
        tpu.enqueue_indirect_dma source(%arg10 : memref<80x128xf32, #tpu.memory_space<vmem>>) target(%dma_start3A_90 : memref<10000x128xf32, #tpu.memory_space<vmem_shared>>) offsets(%arg8 : memref<80xi32, #tpu.memory_space<vmem>>) semaphore(%arg14 : memref<!tpu.dma_semaphore, #tpu.memory_space<semaphore_mem>>) {add = true}
        %lt3A_91 = arith.constant 124 : i32
        %lt3A_92 = arith.cmpi slt, %scan3A_58, %lt3A_91 : i32
        %convert_element_type3A_93 = arith.extui %lt3A_92 : i1 to i32
        %cond3A_94 = arith.constant 0 : i32
        %cond3A_95 = arith.cmpi ne, %convert_element_type3A_93, %cond3A_94 : i32
        scf.if %cond3A_95 {
          %add3A_96 = arith.constant 160 : i32
          %add3A_97 = arith.addi %add3A_83, %add3A_96 : i32
          %dma_wait3A_98 = arith.constant 0 : i32
          %dma_wait3A_99 = arith.constant 0 : i32
          %dma_wait3A_100 = tpu.memref_slice %arg18[%dma_wait3A_98, %dma_wait3A_99] : memref<10000x128xf32, #tpu.memory_space<vmem_shared>> -> memref<10000x128xf32, #tpu.memory_space<vmem_shared>>
          tpu.wait_indirect_dma semaphore(%arg14 : memref<!tpu.dma_semaphore, #tpu.memory_space<semaphore_mem>>) src(%arg10 : memref<80x128xf32, #tpu.memory_space<vmem>>) dst(%dma_wait3A_100 : memref<10000x128xf32, #tpu.memory_space<vmem_shared>>)
          "tpu.region"() ({
            %run_scoped3A = tpu.sem_alloc : memref<!tpu.dma_semaphore, #tpu.memory_space<semaphore_mem>>
            %dma_start3A_105 = tpu.memref_slice %arg4[%add3A_97] : memref<320000xi32, #tpu.memory_space<hbm>> -> memref<80xi32, #tpu.memory_space<hbm>>
            %dma_start3A_106 = tpu.memref_slice %arg4[%add3A_97] : memref<320000xi32, #tpu.memory_space<hbm>> -> memref<80xi32, #tpu.memory_space<hbm>>
            tpu.enqueue_dma source(%dma_start3A_106 : memref<80xi32, #tpu.memory_space<hbm>>) target(%arg8 : memref<80xi32, #tpu.memory_space<vmem>>) target_semaphore(%run_scoped3A : memref<!tpu.dma_semaphore, #tpu.memory_space<semaphore_mem>>)
            %dma_wait3A_107 = tpu.memref_slice %arg4[%add3A_97] : memref<320000xi32, #tpu.memory_space<hbm>> -> memref<80xi32, #tpu.memory_space<hbm>>
            %dma_wait3A_108 = tpu.memref_slice %arg4[%add3A_97] : memref<320000xi32, #tpu.memory_space<hbm>> -> memref<80xi32, #tpu.memory_space<hbm>>
            tpu.wait_dma2 semaphore(%run_scoped3A : memref<!tpu.dma_semaphore, #tpu.memory_space<semaphore_mem>>) src(%dma_wait3A_108 : memref<80xi32, #tpu.memory_space<hbm>>) dst(%arg8 : memref<80xi32, #tpu.memory_space<vmem>>)
            tpu.yield
          }) : () -> ()
          %dma_start3A_101 = arith.constant 0 : i32
          %dma_start3A_102 = tpu.memref_slice %arg2[%add3A_97, %dma_start3A_101] : memref<320000x128xf32, #tpu.memory_space<hbm>> -> memref<80x128xf32, #tpu.memory_space<hbm>>
          %dma_start3A_103 = arith.constant 0 : i32
          %dma_start3A_104 = tpu.memref_slice %arg2[%add3A_97, %dma_start3A_103] : memref<320000x128xf32, #tpu.memory_space<hbm>> -> memref<80x128xf32, #tpu.memory_space<hbm>>
          tpu.enqueue_dma source(%dma_start3A_104 : memref<80x128xf32, #tpu.memory_space<hbm>>) target(%arg10 : memref<80x128xf32, #tpu.memory_space<vmem>>) target_semaphore(%arg12 : memref<!tpu.dma_semaphore, #tpu.memory_space<semaphore_mem>>)
        } else {
        }
      }
      %scan3A_52 = arith.constant 125 : i32
      %dma_wait3A = arith.constant 0 : i32
      %dma_wait3A_53 = arith.constant 0 : i32
      %dma_wait3A_54 = tpu.memref_slice %arg18[%dma_wait3A, %dma_wait3A_53] : memref<10000x128xf32, #tpu.memory_space<vmem_shared>> -> memref<10000x128xf32, #tpu.memory_space<vmem_shared>>
      tpu.wait_indirect_dma semaphore(%arg13 : memref<!tpu.dma_semaphore, #tpu.memory_space<semaphore_mem>>) src(%arg9 : memref<80x128xf32, #tpu.memory_space<vmem>>) dst(%dma_wait3A_54 : memref<10000x128xf32, #tpu.memory_space<vmem_shared>>)
      %dma_wait3A_55 = arith.constant 0 : i32
      %dma_wait3A_56 = arith.constant 0 : i32
      %dma_wait3A_57 = tpu.memref_slice %arg18[%dma_wait3A_55, %dma_wait3A_56] : memref<10000x128xf32, #tpu.memory_space<vmem_shared>> -> memref<10000x128xf32, #tpu.memory_space<vmem_shared>>
      tpu.wait_indirect_dma semaphore(%arg14 : memref<!tpu.dma_semaphore, #tpu.memory_space<semaphore_mem>>) src(%arg10 : memref<80x128xf32, #tpu.memory_space<vmem>>) dst(%dma_wait3A_57 : memref<10000x128xf32, #tpu.memory_space<vmem_shared>>)
    } else {
    }
    %eq3A_20 = arith.constant 1 : i32
    %eq3A_21 = arith.cmpi eq, %arg0, %eq3A_20 : i32
    %convert_element_type3A_22 = arith.extui %eq3A_21 : i1 to i32
    %cond3A_23 = arith.constant 0 : i32
    %cond3A_24 = arith.cmpi ne, %convert_element_type3A_22, %cond3A_23 : i32
    scf.if %cond3A_24 {
      %add3A = arith.constant 0 : i32
      %add3A_37 = arith.addi %mul3A_14, %add3A : i32
      "tpu.region"() ({
        %run_scoped3A = tpu.sem_alloc : memref<!tpu.dma_semaphore, #tpu.memory_space<semaphore_mem>>
        %dma_start3A_58 = tpu.memref_slice %arg4[%add3A_37] : memref<320000xi32, #tpu.memory_space<hbm>> -> memref<80xi32, #tpu.memory_space<hbm>>
        %dma_start3A_59 = tpu.memref_slice %arg4[%add3A_37] : memref<320000xi32, #tpu.memory_space<hbm>> -> memref<80xi32, #tpu.memory_space<hbm>>
        tpu.enqueue_dma source(%dma_start3A_59 : memref<80xi32, #tpu.memory_space<hbm>>) target(%arg7 : memref<80xi32, #tpu.memory_space<vmem>>) target_semaphore(%run_scoped3A : memref<!tpu.dma_semaphore, #tpu.memory_space<semaphore_mem>>)
        %dma_wait3A_60 = tpu.memref_slice %arg4[%add3A_37] : memref<320000xi32, #tpu.memory_space<hbm>> -> memref<80xi32, #tpu.memory_space<hbm>>
        %dma_wait3A_61 = tpu.memref_slice %arg4[%add3A_37] : memref<320000xi32, #tpu.memory_space<hbm>> -> memref<80xi32, #tpu.memory_space<hbm>>
        tpu.wait_dma2 semaphore(%run_scoped3A : memref<!tpu.dma_semaphore, #tpu.memory_space<semaphore_mem>>) src(%dma_wait3A_61 : memref<80xi32, #tpu.memory_space<hbm>>) dst(%arg7 : memref<80xi32, #tpu.memory_space<vmem>>)
        tpu.yield
      }) : () -> ()
      %dma_start3A = arith.constant 0 : i32
      %dma_start3A_38 = tpu.memref_slice %arg3[%add3A_37, %dma_start3A] : memref<320000x128xf32, #tpu.memory_space<hbm>> -> memref<80x128xf32, #tpu.memory_space<hbm>>
      %dma_start3A_39 = arith.constant 0 : i32
      %dma_start3A_40 = tpu.memref_slice %arg3[%add3A_37, %dma_start3A_39] : memref<320000x128xf32, #tpu.memory_space<hbm>> -> memref<80x128xf32, #tpu.memory_space<hbm>>
      tpu.enqueue_dma source(%dma_start3A_40 : memref<80x128xf32, #tpu.memory_space<hbm>>) target(%arg9 : memref<80x128xf32, #tpu.memory_space<vmem>>) target_semaphore(%arg11 : memref<!tpu.dma_semaphore, #tpu.memory_space<semaphore_mem>>)
      %add3A_41 = arith.constant 80 : i32
      %add3A_42 = arith.addi %mul3A_14, %add3A_41 : i32
      "tpu.region"() ({
        %run_scoped3A = tpu.sem_alloc : memref<!tpu.dma_semaphore, #tpu.memory_space<semaphore_mem>>
        %dma_start3A_58 = tpu.memref_slice %arg4[%add3A_42] : memref<320000xi32, #tpu.memory_space<hbm>> -> memref<80xi32, #tpu.memory_space<hbm>>
        %dma_start3A_59 = tpu.memref_slice %arg4[%add3A_42] : memref<320000xi32, #tpu.memory_space<hbm>> -> memref<80xi32, #tpu.memory_space<hbm>>
        tpu.enqueue_dma source(%dma_start3A_59 : memref<80xi32, #tpu.memory_space<hbm>>) target(%arg8 : memref<80xi32, #tpu.memory_space<vmem>>) target_semaphore(%run_scoped3A : memref<!tpu.dma_semaphore, #tpu.memory_space<semaphore_mem>>)
        %dma_wait3A_60 = tpu.memref_slice %arg4[%add3A_42] : memref<320000xi32, #tpu.memory_space<hbm>> -> memref<80xi32, #tpu.memory_space<hbm>>
        %dma_wait3A_61 = tpu.memref_slice %arg4[%add3A_42] : memref<320000xi32, #tpu.memory_space<hbm>> -> memref<80xi32, #tpu.memory_space<hbm>>
        tpu.wait_dma2 semaphore(%run_scoped3A : memref<!tpu.dma_semaphore, #tpu.memory_space<semaphore_mem>>) src(%dma_wait3A_61 : memref<80xi32, #tpu.memory_space<hbm>>) dst(%arg8 : memref<80xi32, #tpu.memory_space<vmem>>)
        tpu.yield
      }) : () -> ()
      %dma_start3A_43 = arith.constant 0 : i32
      %dma_start3A_44 = tpu.memref_slice %arg3[%add3A_42, %dma_start3A_43] : memref<320000x128xf32, #tpu.memory_space<hbm>> -> memref<80x128xf32, #tpu.memory_space<hbm>>
      %dma_start3A_45 = arith.constant 0 : i32
      %dma_start3A_46 = tpu.memref_slice %arg3[%add3A_42, %dma_start3A_45] : memref<320000x128xf32, #tpu.memory_space<hbm>> -> memref<80x128xf32, #tpu.memory_space<hbm>>
      tpu.enqueue_dma source(%dma_start3A_46 : memref<80x128xf32, #tpu.memory_space<hbm>>) target(%arg10 : memref<80x128xf32, #tpu.memory_space<vmem>>) target_semaphore(%arg12 : memref<!tpu.dma_semaphore, #tpu.memory_space<semaphore_mem>>)
      %scan3A_47 = arith.constant 0 : i32
      %scan3A_48 = arith.constant 0 : i32
      %scan3A_49 = arith.constant 125 : i32
      %scan3A_50 = arith.addi %scan3A_48, %scan3A_49 : i32
      %scan3A_51 = arith.constant 1 : i32
      scf.for %scan3A_58 = %scan3A_48 to %scan3A_50 step %scan3A_51  : i32 {
        %mul3A_59 = arith.constant 2 : i32
        %mul3A_60 = arith.muli %mul3A_59, %scan3A_58 : i32
        %add3A_61 = arith.constant 0 : i32
        %add3A_62 = arith.addi %mul3A_60, %add3A_61 : i32
        %mul3A_63 = arith.constant 80 : i32
        %mul3A_64 = arith.muli %add3A_62, %mul3A_63 : i32
        %add3A_65 = arith.addi %mul3A_14, %mul3A_64 : i32
        %dma_wait3A_66 = arith.constant 0 : i32
        %dma_wait3A_67 = tpu.memref_slice %arg3[%add3A_65, %dma_wait3A_66] : memref<320000x128xf32, #tpu.memory_space<hbm>> -> memref<80x128xf32, #tpu.memory_space<hbm>>
        %dma_wait3A_68 = arith.constant 0 : i32
        %dma_wait3A_69 = tpu.memref_slice %arg3[%add3A_65, %dma_wait3A_68] : memref<320000x128xf32, #tpu.memory_space<hbm>> -> memref<80x128xf32, #tpu.memory_space<hbm>>
        tpu.wait_dma2 semaphore(%arg11 : memref<!tpu.dma_semaphore, #tpu.memory_space<semaphore_mem>>) src(%dma_wait3A_69 : memref<80x128xf32, #tpu.memory_space<hbm>>) dst(%arg9 : memref<80x128xf32, #tpu.memory_space<vmem>>)
        %dma_start3A_70 = arith.constant 0 : i32
        %dma_start3A_71 = arith.constant 0 : i32
        %dma_start3A_72 = tpu.memref_slice %arg18[%dma_start3A_70, %dma_start3A_71] : memref<10000x128xf32, #tpu.memory_space<vmem_shared>> -> memref<10000x128xf32, #tpu.memory_space<vmem_shared>>
        tpu.enqueue_indirect_dma source(%arg9 : memref<80x128xf32, #tpu.memory_space<vmem>>) target(%dma_start3A_72 : memref<10000x128xf32, #tpu.memory_space<vmem_shared>>) offsets(%arg7 : memref<80xi32, #tpu.memory_space<vmem>>) semaphore(%arg13 : memref<!tpu.dma_semaphore, #tpu.memory_space<semaphore_mem>>) {add = true}
        %lt3A = arith.constant 124 : i32
        %lt3A_73 = arith.cmpi slt, %scan3A_58, %lt3A : i32
        %convert_element_type3A_74 = arith.extui %lt3A_73 : i1 to i32
        %cond3A_75 = arith.constant 0 : i32
        %cond3A_76 = arith.cmpi ne, %convert_element_type3A_74, %cond3A_75 : i32
        scf.if %cond3A_76 {
          %add3A_96 = arith.constant 160 : i32
          %add3A_97 = arith.addi %add3A_65, %add3A_96 : i32
          %dma_wait3A_98 = arith.constant 0 : i32
          %dma_wait3A_99 = arith.constant 0 : i32
          %dma_wait3A_100 = tpu.memref_slice %arg18[%dma_wait3A_98, %dma_wait3A_99] : memref<10000x128xf32, #tpu.memory_space<vmem_shared>> -> memref<10000x128xf32, #tpu.memory_space<vmem_shared>>
          tpu.wait_indirect_dma semaphore(%arg13 : memref<!tpu.dma_semaphore, #tpu.memory_space<semaphore_mem>>) src(%arg9 : memref<80x128xf32, #tpu.memory_space<vmem>>) dst(%dma_wait3A_100 : memref<10000x128xf32, #tpu.memory_space<vmem_shared>>)
          "tpu.region"() ({
            %run_scoped3A = tpu.sem_alloc : memref<!tpu.dma_semaphore, #tpu.memory_space<semaphore_mem>>
            %dma_start3A_105 = tpu.memref_slice %arg4[%add3A_97] : memref<320000xi32, #tpu.memory_space<hbm>> -> memref<80xi32, #tpu.memory_space<hbm>>
            %dma_start3A_106 = tpu.memref_slice %arg4[%add3A_97] : memref<320000xi32, #tpu.memory_space<hbm>> -> memref<80xi32, #tpu.memory_space<hbm>>
            tpu.enqueue_dma source(%dma_start3A_106 : memref<80xi32, #tpu.memory_space<hbm>>) target(%arg7 : memref<80xi32, #tpu.memory_space<vmem>>) target_semaphore(%run_scoped3A : memref<!tpu.dma_semaphore, #tpu.memory_space<semaphore_mem>>)
            %dma_wait3A_107 = tpu.memref_slice %arg4[%add3A_97] : memref<320000xi32, #tpu.memory_space<hbm>> -> memref<80xi32, #tpu.memory_space<hbm>>
            %dma_wait3A_108 = tpu.memref_slice %arg4[%add3A_97] : memref<320000xi32, #tpu.memory_space<hbm>> -> memref<80xi32, #tpu.memory_space<hbm>>
            tpu.wait_dma2 semaphore(%run_scoped3A : memref<!tpu.dma_semaphore, #tpu.memory_space<semaphore_mem>>) src(%dma_wait3A_108 : memref<80xi32, #tpu.memory_space<hbm>>) dst(%arg7 : memref<80xi32, #tpu.memory_space<vmem>>)
            tpu.yield
          }) : () -> ()
          %dma_start3A_101 = arith.constant 0 : i32
          %dma_start3A_102 = tpu.memref_slice %arg3[%add3A_97, %dma_start3A_101] : memref<320000x128xf32, #tpu.memory_space<hbm>> -> memref<80x128xf32, #tpu.memory_space<hbm>>
          %dma_start3A_103 = arith.constant 0 : i32
          %dma_start3A_104 = tpu.memref_slice %arg3[%add3A_97, %dma_start3A_103] : memref<320000x128xf32, #tpu.memory_space<hbm>> -> memref<80x128xf32, #tpu.memory_space<hbm>>
          tpu.enqueue_dma source(%dma_start3A_104 : memref<80x128xf32, #tpu.memory_space<hbm>>) target(%arg9 : memref<80x128xf32, #tpu.memory_space<vmem>>) target_semaphore(%arg11 : memref<!tpu.dma_semaphore, #tpu.memory_space<semaphore_mem>>)
        } else {
        }
        %mul3A_77 = arith.constant 2 : i32
        %mul3A_78 = arith.muli %mul3A_77, %scan3A_58 : i32
        %add3A_79 = arith.constant 1 : i32
        %add3A_80 = arith.addi %mul3A_78, %add3A_79 : i32
        %mul3A_81 = arith.constant 80 : i32
        %mul3A_82 = arith.muli %add3A_80, %mul3A_81 : i32
        %add3A_83 = arith.addi %mul3A_14, %mul3A_82 : i32
        %dma_wait3A_84 = arith.constant 0 : i32
        %dma_wait3A_85 = tpu.memref_slice %arg3[%add3A_83, %dma_wait3A_84] : memref<320000x128xf32, #tpu.memory_space<hbm>> -> memref<80x128xf32, #tpu.memory_space<hbm>>
        %dma_wait3A_86 = arith.constant 0 : i32
        %dma_wait3A_87 = tpu.memref_slice %arg3[%add3A_83, %dma_wait3A_86] : memref<320000x128xf32, #tpu.memory_space<hbm>> -> memref<80x128xf32, #tpu.memory_space<hbm>>
        tpu.wait_dma2 semaphore(%arg12 : memref<!tpu.dma_semaphore, #tpu.memory_space<semaphore_mem>>) src(%dma_wait3A_87 : memref<80x128xf32, #tpu.memory_space<hbm>>) dst(%arg10 : memref<80x128xf32, #tpu.memory_space<vmem>>)
        %dma_start3A_88 = arith.constant 0 : i32
        %dma_start3A_89 = arith.constant 0 : i32
        %dma_start3A_90 = tpu.memref_slice %arg18[%dma_start3A_88, %dma_start3A_89] : memref<10000x128xf32, #tpu.memory_space<vmem_shared>> -> memref<10000x128xf32, #tpu.memory_space<vmem_shared>>
        tpu.enqueue_indirect_dma source(%arg10 : memref<80x128xf32, #tpu.memory_space<vmem>>) target(%dma_start3A_90 : memref<10000x128xf32, #tpu.memory_space<vmem_shared>>) offsets(%arg8 : memref<80xi32, #tpu.memory_space<vmem>>) semaphore(%arg14 : memref<!tpu.dma_semaphore, #tpu.memory_space<semaphore_mem>>) {add = true}
        %lt3A_91 = arith.constant 124 : i32
        %lt3A_92 = arith.cmpi slt, %scan3A_58, %lt3A_91 : i32
        %convert_element_type3A_93 = arith.extui %lt3A_92 : i1 to i32
        %cond3A_94 = arith.constant 0 : i32
        %cond3A_95 = arith.cmpi ne, %convert_element_type3A_93, %cond3A_94 : i32
        scf.if %cond3A_95 {
          %add3A_96 = arith.constant 160 : i32
          %add3A_97 = arith.addi %add3A_83, %add3A_96 : i32
          %dma_wait3A_98 = arith.constant 0 : i32
          %dma_wait3A_99 = arith.constant 0 : i32
          %dma_wait3A_100 = tpu.memref_slice %arg18[%dma_wait3A_98, %dma_wait3A_99] : memref<10000x128xf32, #tpu.memory_space<vmem_shared>> -> memref<10000x128xf32, #tpu.memory_space<vmem_shared>>
          tpu.wait_indirect_dma semaphore(%arg14 : memref<!tpu.dma_semaphore, #tpu.memory_space<semaphore_mem>>) src(%arg10 : memref<80x128xf32, #tpu.memory_space<vmem>>) dst(%dma_wait3A_100 : memref<10000x128xf32, #tpu.memory_space<vmem_shared>>)
          "tpu.region"() ({
            %run_scoped3A = tpu.sem_alloc : memref<!tpu.dma_semaphore, #tpu.memory_space<semaphore_mem>>
            %dma_start3A_105 = tpu.memref_slice %arg4[%add3A_97] : memref<320000xi32, #tpu.memory_space<hbm>> -> memref<80xi32, #tpu.memory_space<hbm>>
            %dma_start3A_106 = tpu.memref_slice %arg4[%add3A_97] : memref<320000xi32, #tpu.memory_space<hbm>> -> memref<80xi32, #tpu.memory_space<hbm>>
            tpu.enqueue_dma source(%dma_start3A_106 : memref<80xi32, #tpu.memory_space<hbm>>) target(%arg8 : memref<80xi32, #tpu.memory_space<vmem>>) target_semaphore(%run_scoped3A : memref<!tpu.dma_semaphore, #tpu.memory_space<semaphore_mem>>)
            %dma_wait3A_107 = tpu.memref_slice %arg4[%add3A_97] : memref<320000xi32, #tpu.memory_space<hbm>> -> memref<80xi32, #tpu.memory_space<hbm>>
            %dma_wait3A_108 = tpu.memref_slice %arg4[%add3A_97] : memref<320000xi32, #tpu.memory_space<hbm>> -> memref<80xi32, #tpu.memory_space<hbm>>
            tpu.wait_dma2 semaphore(%run_scoped3A : memref<!tpu.dma_semaphore, #tpu.memory_space<semaphore_mem>>) src(%dma_wait3A_108 : memref<80xi32, #tpu.memory_space<hbm>>) dst(%arg8 : memref<80xi32, #tpu.memory_space<vmem>>)
            tpu.yield
          }) : () -> ()
          %dma_start3A_101 = arith.constant 0 : i32
          %dma_start3A_102 = tpu.memref_slice %arg3[%add3A_97, %dma_start3A_101] : memref<320000x128xf32, #tpu.memory_space<hbm>> -> memref<80x128xf32, #tpu.memory_space<hbm>>
          %dma_start3A_103 = arith.constant 0 : i32
          %dma_start3A_104 = tpu.memref_slice %arg3[%add3A_97, %dma_start3A_103] : memref<320000x128xf32, #tpu.memory_space<hbm>> -> memref<80x128xf32, #tpu.memory_space<hbm>>
          tpu.enqueue_dma source(%dma_start3A_104 : memref<80x128xf32, #tpu.memory_space<hbm>>) target(%arg10 : memref<80x128xf32, #tpu.memory_space<vmem>>) target_semaphore(%arg12 : memref<!tpu.dma_semaphore, #tpu.memory_space<semaphore_mem>>)
        } else {
        }
      }
      %scan3A_52 = arith.constant 125 : i32
      %dma_wait3A = arith.constant 0 : i32
      %dma_wait3A_53 = arith.constant 0 : i32
      %dma_wait3A_54 = tpu.memref_slice %arg18[%dma_wait3A, %dma_wait3A_53] : memref<10000x128xf32, #tpu.memory_space<vmem_shared>> -> memref<10000x128xf32, #tpu.memory_space<vmem_shared>>
      tpu.wait_indirect_dma semaphore(%arg13 : memref<!tpu.dma_semaphore, #tpu.memory_space<semaphore_mem>>) src(%arg9 : memref<80x128xf32, #tpu.memory_space<vmem>>) dst(%dma_wait3A_54 : memref<10000x128xf32, #tpu.memory_space<vmem_shared>>)
      %dma_wait3A_55 = arith.constant 0 : i32
      %dma_wait3A_56 = arith.constant 0 : i32
      %dma_wait3A_57 = tpu.memref_slice %arg18[%dma_wait3A_55, %dma_wait3A_56] : memref<10000x128xf32, #tpu.memory_space<vmem_shared>> -> memref<10000x128xf32, #tpu.memory_space<vmem_shared>>
      tpu.wait_indirect_dma semaphore(%arg14 : memref<!tpu.dma_semaphore, #tpu.memory_space<semaphore_mem>>) src(%arg10 : memref<80x128xf32, #tpu.memory_space<vmem>>) dst(%dma_wait3A_57 : memref<10000x128xf32, #tpu.memory_space<vmem_shared>>)
    } else {
    }
    %barrier3A_25 = arith.constant 0 : index
    tpu.barrier barrier_id(%barrier3A_25)
    %scan3A_26 = arith.constant 0 : i32
    %scan3A_27 = arith.constant 0 : i32
    %scan3A_28 = arith.constant 13 : i32
    %scan3A_29 = arith.addi %scan3A_27, %scan3A_28 : i32
    %scan3A_30 = arith.constant 1 : i32
    scf.for %scan3A_37 = %scan3A_27 to %scan3A_29 step %scan3A_30  : i32 {
      %mul3A_38 = arith.constant 624 : i32
      %mul3A_39 = arith.muli %arg1, %mul3A_38 : i32
      %mul3A_40 = arith.constant 48 : i32
      %mul3A_41 = arith.muli %scan3A_37, %mul3A_40 : i32
      %add3A = arith.addi %mul3A_39, %mul3A_41 : i32
      %iota3A = tpu.iota {dimensions = array<i32: 0>} : vector<16xi32>
      %add3A_42 = arith.constant 0 : i32
      %add3A_43 = arith.addi %add3A, %add3A_42 : i32
      %add3A_44 = vector.broadcast %add3A_43 : i32 to vector<16xi32>
      %add3A_45 = arith.addi %iota3A, %add3A_44 : vector<16xi32>
      %swap3A = arith.constant 0 : index
      %swap3A_46 = tpu.vector_load %arg16[%swap3A] {strides = array<i32>} : memref<48xi32, #tpu.memory_space<vmem>>, vector<16xi32>,
      %swap3A_47 = vector.shape_cast %swap3A_46 : vector<16xi32> to vector<16xi32>
      %swap3A_48 = vector.shape_cast %add3A_45 : vector<16xi32> to vector<16xi32>
      tpu.vector_store %arg16[%swap3A], %swap3A_48 {strides = array<i32>} : memref<48xi32, #tpu.memory_space<vmem>>, vector<16xi32>,
      %add3A_49 = arith.constant 16 : i32
      %add3A_50 = arith.addi %add3A, %add3A_49 : i32
      %add3A_51 = vector.broadcast %add3A_50 : i32 to vector<16xi32>
      %add3A_52 = arith.addi %iota3A, %add3A_51 : vector<16xi32>
      %swap3A_53 = arith.constant 16 : index
      %swap3A_54 = tpu.vector_load %arg16[%swap3A_53] {strides = array<i32>} : memref<48xi32, #tpu.memory_space<vmem>>, vector<16xi32>,
      %swap3A_55 = vector.shape_cast %swap3A_54 : vector<16xi32> to vector<16xi32>
      %swap3A_56 = vector.shape_cast %add3A_52 : vector<16xi32> to vector<16xi32>
      tpu.vector_store %arg16[%swap3A_53], %swap3A_56 {strides = array<i32>} : memref<48xi32, #tpu.memory_space<vmem>>, vector<16xi32>,
      %add3A_57 = arith.constant 32 : i32
      %add3A_58 = arith.addi %add3A, %add3A_57 : i32
      %add3A_59 = vector.broadcast %add3A_58 : i32 to vector<16xi32>
      %add3A_60 = arith.addi %iota3A, %add3A_59 : vector<16xi32>
      %swap3A_61 = arith.constant 32 : index
      %swap3A_62 = tpu.vector_load %arg16[%swap3A_61] {strides = array<i32>} : memref<48xi32, #tpu.memory_space<vmem>>, vector<16xi32>,
      %swap3A_63 = vector.shape_cast %swap3A_62 : vector<16xi32> to vector<16xi32>
      %swap3A_64 = vector.shape_cast %add3A_60 : vector<16xi32> to vector<16xi32>
      tpu.vector_store %arg16[%swap3A_61], %swap3A_64 {strides = array<i32>} : memref<48xi32, #tpu.memory_space<vmem>>, vector<16xi32>,
      "tpu.region"() ({
        %run_scoped3A = tpu.sem_alloc : memref<!tpu.dma_semaphore, #tpu.memory_space<semaphore_mem>>
        %dma_start3A = arith.constant 0 : i32
        %dma_start3A_75 = arith.constant 0 : i32
        %dma_start3A_76 = tpu.memref_slice %arg18[%dma_start3A, %dma_start3A_75] : memref<10000x128xf32, #tpu.memory_space<vmem_shared>> -> memref<10000x128xf32, #tpu.memory_space<vmem_shared>>
        tpu.enqueue_indirect_dma source(%dma_start3A_76 : memref<10000x128xf32, #tpu.memory_space<vmem_shared>>) target(%arg15 : memref<48x128xf32, #tpu.memory_space<vmem>>) offsets(%arg16 : memref<48xi32, #tpu.memory_space<vmem>>) semaphore(%run_scoped3A : memref<!tpu.dma_semaphore, #tpu.memory_space<semaphore_mem>>)
        %dma_wait3A = arith.constant 0 : i32
        %dma_wait3A_77 = arith.constant 0 : i32
        %dma_wait3A_78 = tpu.memref_slice %arg18[%dma_wait3A, %dma_wait3A_77] : memref<10000x128xf32, #tpu.memory_space<vmem_shared>> -> memref<10000x128xf32, #tpu.memory_space<vmem_shared>>
        tpu.wait_indirect_dma semaphore(%run_scoped3A : memref<!tpu.dma_semaphore, #tpu.memory_space<semaphore_mem>>) src(%dma_wait3A_78 : memref<10000x128xf32, #tpu.memory_space<vmem_shared>>) dst(%arg15 : memref<48x128xf32, #tpu.memory_space<vmem>>)
        tpu.yield
      }) : () -> ()
      %eq3A_65 = arith.constant 0 : i32
      %eq3A_66 = arith.cmpi eq, %arg0, %eq3A_65 : i32
      %convert_element_type3A_67 = arith.extui %eq3A_66 : i1 to i32
      %cond3A_68 = arith.constant 0 : i32
      %cond3A_69 = arith.cmpi ne, %convert_element_type3A_67, %cond3A_68 : i32
      scf.if %cond3A_69 {
        "tpu.region"() ({
          %run_scoped3A = tpu.sem_alloc : memref<!tpu.dma_semaphore, #tpu.memory_space<semaphore_mem>>
          %dma_start3A = arith.constant 0 : i32
          %dma_start3A_75 = tpu.memref_slice %arg5[%add3A, %dma_start3A] : memref<10000x128xf32, #tpu.memory_space<hbm>> -> memref<48x128xf32, #tpu.memory_space<hbm>>
          %dma_start3A_76 = arith.constant 0 : i32
          %dma_start3A_77 = tpu.memref_slice %arg5[%add3A, %dma_start3A_76] : memref<10000x128xf32, #tpu.memory_space<hbm>> -> memref<48x128xf32, #tpu.memory_space<hbm>>
          tpu.enqueue_dma source(%arg15 : memref<48x128xf32, #tpu.memory_space<vmem>>) target(%dma_start3A_77 : memref<48x128xf32, #tpu.memory_space<hbm>>) target_semaphore(%run_scoped3A : memref<!tpu.dma_semaphore, #tpu.memory_space<semaphore_mem>>)
          %dma_wait3A = arith.constant 0 : i32
          %dma_wait3A_78 = tpu.memref_slice %arg5[%add3A, %dma_wait3A] : memref<10000x128xf32, #tpu.memory_space<hbm>> -> memref<48x128xf32, #tpu.memory_space<hbm>>
          %dma_wait3A_79 = arith.constant 0 : i32
          %dma_wait3A_80 = tpu.memref_slice %arg5[%add3A, %dma_wait3A_79] : memref<10000x128xf32, #tpu.memory_space<hbm>> -> memref<48x128xf32, #tpu.memory_space<hbm>>
          tpu.wait_dma2 semaphore(%run_scoped3A : memref<!tpu.dma_semaphore, #tpu.memory_space<semaphore_mem>>) src(%arg15 : memref<48x128xf32, #tpu.memory_space<vmem>>) dst(%dma_wait3A_80 : memref<48x128xf32, #tpu.memory_space<hbm>>)
          tpu.yield
        }) : () -> ()
      } else {
      }
      %eq3A_70 = arith.constant 1 : i32
      %eq3A_71 = arith.cmpi eq, %arg0, %eq3A_70 : i32
      %convert_element_type3A_72 = arith.extui %eq3A_71 : i1 to i32
      %cond3A_73 = arith.constant 0 : i32
      %cond3A_74 = arith.cmpi ne, %convert_element_type3A_72, %cond3A_73 : i32
      scf.if %cond3A_74 {
        "tpu.region"() ({
          %run_scoped3A = tpu.sem_alloc : memref<!tpu.dma_semaphore, #tpu.memory_space<semaphore_mem>>
          %dma_start3A = arith.constant 0 : i32
          %dma_start3A_75 = tpu.memref_slice %arg6[%add3A, %dma_start3A] : memref<10000x128xf32, #tpu.memory_space<hbm>> -> memref<48x128xf32, #tpu.memory_space<hbm>>
          %dma_start3A_76 = arith.constant 0 : i32
          %dma_start3A_77 = tpu.memref_slice %arg6[%add3A, %dma_start3A_76] : memref<10000x128xf32, #tpu.memory_space<hbm>> -> memref<48x128xf32, #tpu.memory_space<hbm>>
          tpu.enqueue_dma source(%arg15 : memref<48x128xf32, #tpu.memory_space<vmem>>) target(%dma_start3A_77 : memref<48x128xf32, #tpu.memory_space<hbm>>) target_semaphore(%run_scoped3A : memref<!tpu.dma_semaphore, #tpu.memory_space<semaphore_mem>>)
          %dma_wait3A = arith.constant 0 : i32
          %dma_wait3A_78 = tpu.memref_slice %arg6[%add3A, %dma_wait3A] : memref<10000x128xf32, #tpu.memory_space<hbm>> -> memref<48x128xf32, #tpu.memory_space<hbm>>
          %dma_wait3A_79 = arith.constant 0 : i32
          %dma_wait3A_80 = tpu.memref_slice %arg6[%add3A, %dma_wait3A_79] : memref<10000x128xf32, #tpu.memory_space<hbm>> -> memref<48x128xf32, #tpu.memory_space<hbm>>
          tpu.wait_dma2 semaphore(%run_scoped3A : memref<!tpu.dma_semaphore, #tpu.memory_space<semaphore_mem>>) src(%arg15 : memref<48x128xf32, #tpu.memory_space<vmem>>) dst(%dma_wait3A_80 : memref<48x128xf32, #tpu.memory_space<hbm>>)
          tpu.yield
        }) : () -> ()
      } else {
      }
    }
    %scan3A_31 = arith.constant 13 : i32
    %eq3A_32 = arith.constant 0 : i32
    %eq3A_33 = arith.cmpi eq, %arg1, %eq3A_32 : i32
    %convert_element_type3A_34 = arith.extui %eq3A_33 : i1 to i32
    %cond3A_35 = arith.constant 0 : i32
    %cond3A_36 = arith.cmpi ne, %convert_element_type3A_34, %cond3A_35 : i32
    scf.if %cond3A_36 {
      %iota3A = tpu.iota {dimensions = array<i32: 0>} : vector<16xi32>
      %add3A = arith.constant 9984 : i32
      %add3A_37 = vector.broadcast %add3A : i32 to vector<16xi32>
      %add3A_38 = arith.addi %iota3A, %add3A_37 : vector<16xi32>
      %swap3A = arith.constant 0 : index
      %swap3A_39 = tpu.vector_load %arg17[%swap3A] {strides = array<i32>} : memref<16xi32, #tpu.memory_space<vmem>>, vector<16xi32>,
      %swap3A_40 = vector.shape_cast %swap3A_39 : vector<16xi32> to vector<16xi32>
      %swap3A_41 = vector.shape_cast %add3A_38 : vector<16xi32> to vector<16xi32>
      tpu.vector_store %arg17[%swap3A], %swap3A_41 {strides = array<i32>} : memref<16xi32, #tpu.memory_space<vmem>>, vector<16xi32>,
      "tpu.region"() ({
        %run_scoped3A = tpu.sem_alloc : memref<!tpu.dma_semaphore, #tpu.memory_space<semaphore_mem>>
        %dma_start3A = arith.constant 0 : i32
        %dma_start3A_52 = arith.constant 0 : i32
        %dma_start3A_53 = tpu.memref_slice %arg15[%dma_start3A, %dma_start3A_52] : memref<48x128xf32, #tpu.memory_space<vmem>> -> memref<16x128xf32, #tpu.memory_space<vmem>>
        %dma_start3A_54 = arith.constant 0 : i32
        %dma_start3A_55 = arith.constant 0 : i32
        %dma_start3A_56 = tpu.memref_slice %arg18[%dma_start3A_54, %dma_start3A_55] : memref<10000x128xf32, #tpu.memory_space<vmem_shared>> -> memref<10000x128xf32, #tpu.memory_space<vmem_shared>>
        tpu.enqueue_indirect_dma source(%dma_start3A_56 : memref<10000x128xf32, #tpu.memory_space<vmem_shared>>) target(%dma_start3A_53 : memref<16x128xf32, #tpu.memory_space<vmem>>) offsets(%arg17 : memref<16xi32, #tpu.memory_space<vmem>>) semaphore(%run_scoped3A : memref<!tpu.dma_semaphore, #tpu.memory_space<semaphore_mem>>)
        %dma_wait3A = arith.constant 0 : i32
        %dma_wait3A_57 = arith.constant 0 : i32
        %dma_wait3A_58 = tpu.memref_slice %arg15[%dma_wait3A, %dma_wait3A_57] : memref<48x128xf32, #tpu.memory_space<vmem>> -> memref<16x128xf32, #tpu.memory_space<vmem>>
        %dma_wait3A_59 = arith.constant 0 : i32
        %dma_wait3A_60 = arith.constant 0 : i32
        %dma_wait3A_61 = tpu.memref_slice %arg18[%dma_wait3A_59, %dma_wait3A_60] : memref<10000x128xf32, #tpu.memory_space<vmem_shared>> -> memref<10000x128xf32, #tpu.memory_space<vmem_shared>>
        tpu.wait_indirect_dma semaphore(%run_scoped3A : memref<!tpu.dma_semaphore, #tpu.memory_space<semaphore_mem>>) src(%dma_wait3A_61 : memref<10000x128xf32, #tpu.memory_space<vmem_shared>>) dst(%dma_wait3A_58 : memref<16x128xf32, #tpu.memory_space<vmem>>)
        tpu.yield
      }) : () -> ()
      %eq3A_42 = arith.constant 0 : i32
      %eq3A_43 = arith.cmpi eq, %arg0, %eq3A_42 : i32
      %convert_element_type3A_44 = arith.extui %eq3A_43 : i1 to i32
      %cond3A_45 = arith.constant 0 : i32
      %cond3A_46 = arith.cmpi ne, %convert_element_type3A_44, %cond3A_45 : i32
      scf.if %cond3A_46 {
        "tpu.region"() ({
          %run_scoped3A = tpu.sem_alloc : memref<!tpu.dma_semaphore, #tpu.memory_space<semaphore_mem>>
          %dma_start3A = arith.constant 0 : i32
          %dma_start3A_52 = arith.constant 0 : i32
          %dma_start3A_53 = tpu.memref_slice %arg15[%dma_start3A, %dma_start3A_52] : memref<48x128xf32, #tpu.memory_space<vmem>> -> memref<16x128xf32, #tpu.memory_space<vmem>>
          %dma_start3A_54 = arith.constant 9984 : i32
          %dma_start3A_55 = arith.constant 0 : i32
          %dma_start3A_56 = tpu.memref_slice %arg5[%dma_start3A_54, %dma_start3A_55] : memref<10000x128xf32, #tpu.memory_space<hbm>> -> memref<16x128xf32, #tpu.memory_space<hbm>>
          %dma_start3A_57 = arith.constant 9984 : i32
          %dma_start3A_58 = arith.constant 0 : i32
          %dma_start3A_59 = tpu.memref_slice %arg5[%dma_start3A_57, %dma_start3A_58] : memref<10000x128xf32, #tpu.memory_space<hbm>> -> memref<16x128xf32, #tpu.memory_space<hbm>>
          %dma_start3A_60 = arith.constant 0 : i32
          %dma_start3A_61 = arith.constant 0 : i32
          %dma_start3A_62 = tpu.memref_slice %arg15[%dma_start3A_60, %dma_start3A_61] : memref<48x128xf32, #tpu.memory_space<vmem>> -> memref<16x128xf32, #tpu.memory_space<vmem>>
          tpu.enqueue_dma source(%dma_start3A_62 : memref<16x128xf32, #tpu.memory_space<vmem>>) target(%dma_start3A_59 : memref<16x128xf32, #tpu.memory_space<hbm>>) target_semaphore(%run_scoped3A : memref<!tpu.dma_semaphore, #tpu.memory_space<semaphore_mem>>)
          %dma_wait3A = arith.constant 0 : i32
          %dma_wait3A_63 = arith.constant 0 : i32
          %dma_wait3A_64 = tpu.memref_slice %arg15[%dma_wait3A, %dma_wait3A_63] : memref<48x128xf32, #tpu.memory_space<vmem>> -> memref<16x128xf32, #tpu.memory_space<vmem>>
          %dma_wait3A_65 = arith.constant 9984 : i32
          %dma_wait3A_66 = arith.constant 0 : i32
          %dma_wait3A_67 = tpu.memref_slice %arg5[%dma_wait3A_65, %dma_wait3A_66] : memref<10000x128xf32, #tpu.memory_space<hbm>> -> memref<16x128xf32, #tpu.memory_space<hbm>>
          %dma_wait3A_68 = arith.constant 9984 : i32
          %dma_wait3A_69 = arith.constant 0 : i32
          %dma_wait3A_70 = tpu.memref_slice %arg5[%dma_wait3A_68, %dma_wait3A_69] : memref<10000x128xf32, #tpu.memory_space<hbm>> -> memref<16x128xf32, #tpu.memory_space<hbm>>
          %dma_wait3A_71 = arith.constant 0 : i32
          %dma_wait3A_72 = arith.constant 0 : i32
          %dma_wait3A_73 = tpu.memref_slice %arg15[%dma_wait3A_71, %dma_wait3A_72] : memref<48x128xf32, #tpu.memory_space<vmem>> -> memref<16x128xf32, #tpu.memory_space<vmem>>
          tpu.wait_dma2 semaphore(%run_scoped3A : memref<!tpu.dma_semaphore, #tpu.memory_space<semaphore_mem>>) src(%dma_wait3A_73 : memref<16x128xf32, #tpu.memory_space<vmem>>) dst(%dma_wait3A_70 : memref<16x128xf32, #tpu.memory_space<hbm>>)
          tpu.yield
        }) : () -> ()
      } else {
      }
      %eq3A_47 = arith.constant 1 : i32
      %eq3A_48 = arith.cmpi eq, %arg0, %eq3A_47 : i32
      %convert_element_type3A_49 = arith.extui %eq3A_48 : i1 to i32
      %cond3A_50 = arith.constant 0 : i32
      %cond3A_51 = arith.cmpi ne, %convert_element_type3A_49, %cond3A_50 : i32
      scf.if %cond3A_51 {
        "tpu.region"() ({
          %run_scoped3A = tpu.sem_alloc : memref<!tpu.dma_semaphore, #tpu.memory_space<semaphore_mem>>
          %dma_start3A = arith.constant 0 : i32
          %dma_start3A_52 = arith.constant 0 : i32
          %dma_start3A_53 = tpu.memref_slice %arg15[%dma_start3A, %dma_start3A_52] : memref<48x128xf32, #tpu.memory_space<vmem>> -> memref<16x128xf32, #tpu.memory_space<vmem>>
          %dma_start3A_54 = arith.constant 9984 : i32
          %dma_start3A_55 = arith.constant 0 : i32
          %dma_start3A_56 = tpu.memref_slice %arg6[%dma_start3A_54, %dma_start3A_55] : memref<10000x128xf32, #tpu.memory_space<hbm>> -> memref<16x128xf32, #tpu.memory_space<hbm>>
          %dma_start3A_57 = arith.constant 9984 : i32
          %dma_start3A_58 = arith.constant 0 : i32
          %dma_start3A_59 = tpu.memref_slice %arg6[%dma_start3A_57, %dma_start3A_58] : memref<10000x128xf32, #tpu.memory_space<hbm>> -> memref<16x128xf32, #tpu.memory_space<hbm>>
          %dma_start3A_60 = arith.constant 0 : i32
          %dma_start3A_61 = arith.constant 0 : i32
          %dma_start3A_62 = tpu.memref_slice %arg15[%dma_start3A_60, %dma_start3A_61] : memref<48x128xf32, #tpu.memory_space<vmem>> -> memref<16x128xf32, #tpu.memory_space<vmem>>
          tpu.enqueue_dma source(%dma_start3A_62 : memref<16x128xf32, #tpu.memory_space<vmem>>) target(%dma_start3A_59 : memref<16x128xf32, #tpu.memory_space<hbm>>) target_semaphore(%run_scoped3A : memref<!tpu.dma_semaphore, #tpu.memory_space<semaphore_mem>>)
          %dma_wait3A = arith.constant 0 : i32
          %dma_wait3A_63 = arith.constant 0 : i32
          %dma_wait3A_64 = tpu.memref_slice %arg15[%dma_wait3A, %dma_wait3A_63] : memref<48x128xf32, #tpu.memory_space<vmem>> -> memref<16x128xf32, #tpu.memory_space<vmem>>
          %dma_wait3A_65 = arith.constant 9984 : i32
          %dma_wait3A_66 = arith.constant 0 : i32
          %dma_wait3A_67 = tpu.memref_slice %arg6[%dma_wait3A_65, %dma_wait3A_66] : memref<10000x128xf32, #tpu.memory_space<hbm>> -> memref<16x128xf32, #tpu.memory_space<hbm>>
          %dma_wait3A_68 = arith.constant 9984 : i32
          %dma_wait3A_69 = arith.constant 0 : i32
          %dma_wait3A_70 = tpu.memref_slice %arg6[%dma_wait3A_68, %dma_wait3A_69] : memref<10000x128xf32, #tpu.memory_space<hbm>> -> memref<16x128xf32, #tpu.memory_space<hbm>>
          %dma_wait3A_71 = arith.constant 0 : i32
          %dma_wait3A_72 = arith.constant 0 : i32
          %dma_wait3A_73 = tpu.memref_slice %arg15[%dma_wait3A_71, %dma_wait3A_72] : memref<48x128xf32, #tpu.memory_space<vmem>> -> memref<16x128xf32, #tpu.memory_space<vmem>>
          tpu.wait_dma2 semaphore(%run_scoped3A : memref<!tpu.dma_semaphore, #tpu.memory_space<semaphore_mem>>) src(%dma_wait3A_73 : memref<16x128xf32, #tpu.memory_space<vmem>>) dst(%dma_wait3A_70 : memref<16x128xf32, #tpu.memory_space<hbm>>)
          tpu.yield
        }) : () -> ()
      } else {
      }
    } else {
    }
    return
  }
}

#map = affine_map<(d0, d1) -> (0, 0)>
#map1 = affine_map<(d0, d1) -> (0)>
module attributes {stable_mosaic.version = 14 : i64} {
  func.func @_gather_body(%arg0: i32, %arg1: i32, %arg2: memref<10000x128xf32, #tpu.memory_space<hbm>>, %arg3: memref<10000x128xf32, #tpu.memory_space<hbm>>, %arg4: memref<320000xi32, #tpu.memory_space<hbm>>, %arg5: memref<320000xi32, #tpu.memory_space<hbm>>, %arg6: memref<320000x128xf32, #tpu.memory_space<hbm>>, %arg7: memref<320000x128xf32, #tpu.memory_space<hbm>>, %arg8: memref<80xi32, #tpu.memory_space<vmem>>, %arg9: memref<80xi32, #tpu.memory_space<vmem>>, %arg10: memref<80xi32, #tpu.memory_space<vmem>>, %arg11: memref<80xi32, #tpu.memory_space<vmem>>, %arg12: memref<80xi32, #tpu.memory_space<vmem>>, %arg13: memref<80xi32, #tpu.memory_space<vmem>>, %arg14: memref<80xi32, #tpu.memory_space<vmem>>, %arg15: memref<80xi32, #tpu.memory_space<vmem>>, %arg16: memref<80xi32, #tpu.memory_space<vmem>>, %arg17: memref<80xi32, #tpu.memory_space<vmem>>, %arg18: memref<80x128xf32, #tpu.memory_space<vmem>>, %arg19: memref<80x128xf32, #tpu.memory_space<vmem>>, %arg20: memref<80x128xf32, #tpu.memory_space<vmem>>, %arg21: memref<80x128xf32, #tpu.memory_space<vmem>>, %arg22: memref<80x128xf32, #tpu.memory_space<vmem>>, %arg23: memref<80x128xf32, #tpu.memory_space<vmem>>, %arg24: memref<80x128xf32, #tpu.memory_space<vmem>>, %arg25: memref<80x128xf32, #tpu.memory_space<vmem>>, %arg26: memref<80x128xf32, #tpu.memory_space<vmem>>, %arg27: memref<80x128xf32, #tpu.memory_space<vmem>>, %arg28: memref<!tpu.dma_semaphore, #tpu.memory_space<semaphore_mem>>, %arg29: memref<!tpu.dma_semaphore, #tpu.memory_space<semaphore_mem>>, %arg30: memref<!tpu.dma_semaphore, #tpu.memory_space<semaphore_mem>>, %arg31: memref<!tpu.dma_semaphore, #tpu.memory_space<semaphore_mem>>, %arg32: memref<!tpu.dma_semaphore, #tpu.memory_space<semaphore_mem>>, %arg33: memref<!tpu.dma_semaphore, #tpu.memory_space<semaphore_mem>>, %arg34: memref<!tpu.dma_semaphore, #tpu.memory_space<semaphore_mem>>, %arg35: memref<!tpu.dma_semaphore, #tpu.memory_space<semaphore_mem>>, %arg36: memref<!tpu.dma_semaphore, #tpu.memory_space<semaphore_mem>>, %arg37: memref<!tpu.dma_semaphore, #tpu.memory_space<semaphore_mem>>) attributes {dimension_semantics = [#tpu.dimension_semantics<core_parallel>, #tpu.dimension_semantics<subcore_parallel>], iteration_bounds = array<i64: 2, 16>, scalar_prefetch = 0 : i64, scratch_operands = 30 : i64, tpu.core_type = #tpu.core_type<sc_vector_subcore>, window_params = [{transform_indices = #map}, {transform_indices = #map}, {transform_indices = #map1}, {transform_indices = #map1}, {transform_indices = #map}, {transform_indices = #map}]} {
    %mul3A = arith.constant 2 : i32
    %mul3A_0 = arith.muli %arg1, %mul3A : i32
    %add3A = arith.addi %mul3A_0, %arg0 : i32
    %mul3A_1 = arith.constant 10000 : i32
    %mul3A_2 = arith.muli %add3A, %mul3A_1 : i32
    %add3A_3 = arith.constant 0 : i32
    %add3A_4 = arith.addi %mul3A_2, %add3A_3 : i32
    "tpu.region"() ({
      %run_scoped3A = tpu.sem_alloc : memref<!tpu.dma_semaphore, #tpu.memory_space<semaphore_mem>>
      %dma_start3A_96 = tpu.memref_slice %arg4[%add3A_4] : memref<320000xi32, #tpu.memory_space<hbm>> -> memref<80xi32, #tpu.memory_space<hbm>>
      %dma_start3A_97 = tpu.memref_slice %arg4[%add3A_4] : memref<320000xi32, #tpu.memory_space<hbm>> -> memref<80xi32, #tpu.memory_space<hbm>>
      tpu.enqueue_dma source(%dma_start3A_97 : memref<80xi32, #tpu.memory_space<hbm>>) target(%arg8 : memref<80xi32, #tpu.memory_space<vmem>>) target_semaphore(%run_scoped3A : memref<!tpu.dma_semaphore, #tpu.memory_space<semaphore_mem>>)
      %dma_wait3A_98 = tpu.memref_slice %arg4[%add3A_4] : memref<320000xi32, #tpu.memory_space<hbm>> -> memref<80xi32, #tpu.memory_space<hbm>>
      %dma_wait3A_99 = tpu.memref_slice %arg4[%add3A_4] : memref<320000xi32, #tpu.memory_space<hbm>> -> memref<80xi32, #tpu.memory_space<hbm>>
      tpu.wait_dma2 semaphore(%run_scoped3A : memref<!tpu.dma_semaphore, #tpu.memory_space<semaphore_mem>>) src(%dma_wait3A_99 : memref<80xi32, #tpu.memory_space<hbm>>) dst(%arg8 : memref<80xi32, #tpu.memory_space<vmem>>)
      tpu.yield
    }) : () -> ()
    "tpu.region"() ({
      %run_scoped3A = tpu.sem_alloc : memref<!tpu.dma_semaphore, #tpu.memory_space<semaphore_mem>>
      %dma_start3A_96 = tpu.memref_slice %arg5[%add3A_4] : memref<320000xi32, #tpu.memory_space<hbm>> -> memref<80xi32, #tpu.memory_space<hbm>>
      %dma_start3A_97 = tpu.memref_slice %arg5[%add3A_4] : memref<320000xi32, #tpu.memory_space<hbm>> -> memref<80xi32, #tpu.memory_space<hbm>>
      tpu.enqueue_dma source(%dma_start3A_97 : memref<80xi32, #tpu.memory_space<hbm>>) target(%arg13 : memref<80xi32, #tpu.memory_space<vmem>>) target_semaphore(%run_scoped3A : memref<!tpu.dma_semaphore, #tpu.memory_space<semaphore_mem>>)
      %dma_wait3A_98 = tpu.memref_slice %arg5[%add3A_4] : memref<320000xi32, #tpu.memory_space<hbm>> -> memref<80xi32, #tpu.memory_space<hbm>>
      %dma_wait3A_99 = tpu.memref_slice %arg5[%add3A_4] : memref<320000xi32, #tpu.memory_space<hbm>> -> memref<80xi32, #tpu.memory_space<hbm>>
      tpu.wait_dma2 semaphore(%run_scoped3A : memref<!tpu.dma_semaphore, #tpu.memory_space<semaphore_mem>>) src(%dma_wait3A_99 : memref<80xi32, #tpu.memory_space<hbm>>) dst(%arg13 : memref<80xi32, #tpu.memory_space<vmem>>)
      tpu.yield
    }) : () -> ()
    %dma_start3A = arith.constant 0 : i32
    %dma_start3A_5 = arith.constant 0 : i32
    %dma_start3A_6 = tpu.memref_slice %arg2[%dma_start3A, %dma_start3A_5] : memref<10000x128xf32, #tpu.memory_space<hbm>> -> memref<10000x128xf32, #tpu.memory_space<hbm>>
    tpu.enqueue_indirect_dma source(%dma_start3A_6 : memref<10000x128xf32, #tpu.memory_space<hbm>>) target(%arg18 : memref<80x128xf32, #tpu.memory_space<vmem>>) offsets(%arg8 : memref<80xi32, #tpu.memory_space<vmem>>) semaphore(%arg28 : memref<!tpu.dma_semaphore, #tpu.memory_space<semaphore_mem>>)
    %dma_start3A_7 = arith.constant 0 : i32
    %dma_start3A_8 = arith.constant 0 : i32
    %dma_start3A_9 = tpu.memref_slice %arg3[%dma_start3A_7, %dma_start3A_8] : memref<10000x128xf32, #tpu.memory_space<hbm>> -> memref<10000x128xf32, #tpu.memory_space<hbm>>
    tpu.enqueue_indirect_dma source(%dma_start3A_9 : memref<10000x128xf32, #tpu.memory_space<hbm>>) target(%arg23 : memref<80x128xf32, #tpu.memory_space<vmem>>) offsets(%arg13 : memref<80xi32, #tpu.memory_space<vmem>>) semaphore(%arg28 : memref<!tpu.dma_semaphore, #tpu.memory_space<semaphore_mem>>)
    %add3A_10 = arith.constant 80 : i32
    %add3A_11 = arith.addi %mul3A_2, %add3A_10 : i32
    "tpu.region"() ({
      %run_scoped3A = tpu.sem_alloc : memref<!tpu.dma_semaphore, #tpu.memory_space<semaphore_mem>>
      %dma_start3A_96 = tpu.memref_slice %arg4[%add3A_11] : memref<320000xi32, #tpu.memory_space<hbm>> -> memref<80xi32, #tpu.memory_space<hbm>>
      %dma_start3A_97 = tpu.memref_slice %arg4[%add3A_11] : memref<320000xi32, #tpu.memory_space<hbm>> -> memref<80xi32, #tpu.memory_space<hbm>>
      tpu.enqueue_dma source(%dma_start3A_97 : memref<80xi32, #tpu.memory_space<hbm>>) target(%arg9 : memref<80xi32, #tpu.memory_space<vmem>>) target_semaphore(%run_scoped3A : memref<!tpu.dma_semaphore, #tpu.memory_space<semaphore_mem>>)
      %dma_wait3A_98 = tpu.memref_slice %arg4[%add3A_11] : memref<320000xi32, #tpu.memory_space<hbm>> -> memref<80xi32, #tpu.memory_space<hbm>>
      %dma_wait3A_99 = tpu.memref_slice %arg4[%add3A_11] : memref<320000xi32, #tpu.memory_space<hbm>> -> memref<80xi32, #tpu.memory_space<hbm>>
      tpu.wait_dma2 semaphore(%run_scoped3A : memref<!tpu.dma_semaphore, #tpu.memory_space<semaphore_mem>>) src(%dma_wait3A_99 : memref<80xi32, #tpu.memory_space<hbm>>) dst(%arg9 : memref<80xi32, #tpu.memory_space<vmem>>)
      tpu.yield
    }) : () -> ()
    "tpu.region"() ({
      %run_scoped3A = tpu.sem_alloc : memref<!tpu.dma_semaphore, #tpu.memory_space<semaphore_mem>>
      %dma_start3A_96 = tpu.memref_slice %arg5[%add3A_11] : memref<320000xi32, #tpu.memory_space<hbm>> -> memref<80xi32, #tpu.memory_space<hbm>>
      %dma_start3A_97 = tpu.memref_slice %arg5[%add3A_11] : memref<320000xi32, #tpu.memory_space<hbm>> -> memref<80xi32, #tpu.memory_space<hbm>>
      tpu.enqueue_dma source(%dma_start3A_97 : memref<80xi32, #tpu.memory_space<hbm>>) target(%arg14 : memref<80xi32, #tpu.memory_space<vmem>>) target_semaphore(%run_scoped3A : memref<!tpu.dma_semaphore, #tpu.memory_space<semaphore_mem>>)
      %dma_wait3A_98 = tpu.memref_slice %arg5[%add3A_11] : memref<320000xi32, #tpu.memory_space<hbm>> -> memref<80xi32, #tpu.memory_space<hbm>>
      %dma_wait3A_99 = tpu.memref_slice %arg5[%add3A_11] : memref<320000xi32, #tpu.memory_space<hbm>> -> memref<80xi32, #tpu.memory_space<hbm>>
      tpu.wait_dma2 semaphore(%run_scoped3A : memref<!tpu.dma_semaphore, #tpu.memory_space<semaphore_mem>>) src(%dma_wait3A_99 : memref<80xi32, #tpu.memory_space<hbm>>) dst(%arg14 : memref<80xi32, #tpu.memory_space<vmem>>)
      tpu.yield
    }) : () -> ()
    %dma_start3A_12 = arith.constant 0 : i32
    %dma_start3A_13 = arith.constant 0 : i32
    %dma_start3A_14 = tpu.memref_slice %arg2[%dma_start3A_12, %dma_start3A_13] : memref<10000x128xf32, #tpu.memory_space<hbm>> -> memref<10000x128xf32, #tpu.memory_space<hbm>>
    tpu.enqueue_indirect_dma source(%dma_start3A_14 : memref<10000x128xf32, #tpu.memory_space<hbm>>) target(%arg19 : memref<80x128xf32, #tpu.memory_space<vmem>>) offsets(%arg9 : memref<80xi32, #tpu.memory_space<vmem>>) semaphore(%arg29 : memref<!tpu.dma_semaphore, #tpu.memory_space<semaphore_mem>>)
    %dma_start3A_15 = arith.constant 0 : i32
    %dma_start3A_16 = arith.constant 0 : i32
    %dma_start3A_17 = tpu.memref_slice %arg3[%dma_start3A_15, %dma_start3A_16] : memref<10000x128xf32, #tpu.memory_space<hbm>> -> memref<10000x128xf32, #tpu.memory_space<hbm>>
    tpu.enqueue_indirect_dma source(%dma_start3A_17 : memref<10000x128xf32, #tpu.memory_space<hbm>>) target(%arg24 : memref<80x128xf32, #tpu.memory_space<vmem>>) offsets(%arg14 : memref<80xi32, #tpu.memory_space<vmem>>) semaphore(%arg29 : memref<!tpu.dma_semaphore, #tpu.memory_space<semaphore_mem>>)
    %add3A_18 = arith.constant 160 : i32
    %add3A_19 = arith.addi %mul3A_2, %add3A_18 : i32
    "tpu.region"() ({
      %run_scoped3A = tpu.sem_alloc : memref<!tpu.dma_semaphore, #tpu.memory_space<semaphore_mem>>
      %dma_start3A_96 = tpu.memref_slice %arg4[%add3A_19] : memref<320000xi32, #tpu.memory_space<hbm>> -> memref<80xi32, #tpu.memory_space<hbm>>
      %dma_start3A_97 = tpu.memref_slice %arg4[%add3A_19] : memref<320000xi32, #tpu.memory_space<hbm>> -> memref<80xi32, #tpu.memory_space<hbm>>
      tpu.enqueue_dma source(%dma_start3A_97 : memref<80xi32, #tpu.memory_space<hbm>>) target(%arg10 : memref<80xi32, #tpu.memory_space<vmem>>) target_semaphore(%run_scoped3A : memref<!tpu.dma_semaphore, #tpu.memory_space<semaphore_mem>>)
      %dma_wait3A_98 = tpu.memref_slice %arg4[%add3A_19] : memref<320000xi32, #tpu.memory_space<hbm>> -> memref<80xi32, #tpu.memory_space<hbm>>
      %dma_wait3A_99 = tpu.memref_slice %arg4[%add3A_19] : memref<320000xi32, #tpu.memory_space<hbm>> -> memref<80xi32, #tpu.memory_space<hbm>>
      tpu.wait_dma2 semaphore(%run_scoped3A : memref<!tpu.dma_semaphore, #tpu.memory_space<semaphore_mem>>) src(%dma_wait3A_99 : memref<80xi32, #tpu.memory_space<hbm>>) dst(%arg10 : memref<80xi32, #tpu.memory_space<vmem>>)
      tpu.yield
    }) : () -> ()
    "tpu.region"() ({
      %run_scoped3A = tpu.sem_alloc : memref<!tpu.dma_semaphore, #tpu.memory_space<semaphore_mem>>
      %dma_start3A_96 = tpu.memref_slice %arg5[%add3A_19] : memref<320000xi32, #tpu.memory_space<hbm>> -> memref<80xi32, #tpu.memory_space<hbm>>
      %dma_start3A_97 = tpu.memref_slice %arg5[%add3A_19] : memref<320000xi32, #tpu.memory_space<hbm>> -> memref<80xi32, #tpu.memory_space<hbm>>
      tpu.enqueue_dma source(%dma_start3A_97 : memref<80xi32, #tpu.memory_space<hbm>>) target(%arg15 : memref<80xi32, #tpu.memory_space<vmem>>) target_semaphore(%run_scoped3A : memref<!tpu.dma_semaphore, #tpu.memory_space<semaphore_mem>>)
      %dma_wait3A_98 = tpu.memref_slice %arg5[%add3A_19] : memref<320000xi32, #tpu.memory_space<hbm>> -> memref<80xi32, #tpu.memory_space<hbm>>
      %dma_wait3A_99 = tpu.memref_slice %arg5[%add3A_19] : memref<320000xi32, #tpu.memory_space<hbm>> -> memref<80xi32, #tpu.memory_space<hbm>>
      tpu.wait_dma2 semaphore(%run_scoped3A : memref<!tpu.dma_semaphore, #tpu.memory_space<semaphore_mem>>) src(%dma_wait3A_99 : memref<80xi32, #tpu.memory_space<hbm>>) dst(%arg15 : memref<80xi32, #tpu.memory_space<vmem>>)
      tpu.yield
    }) : () -> ()
    %dma_start3A_20 = arith.constant 0 : i32
    %dma_start3A_21 = arith.constant 0 : i32
    %dma_start3A_22 = tpu.memref_slice %arg2[%dma_start3A_20, %dma_start3A_21] : memref<10000x128xf32, #tpu.memory_space<hbm>> -> memref<10000x128xf32, #tpu.memory_space<hbm>>
    tpu.enqueue_indirect_dma source(%dma_start3A_22 : memref<10000x128xf32, #tpu.memory_space<hbm>>) target(%arg20 : memref<80x128xf32, #tpu.memory_space<vmem>>) offsets(%arg10 : memref<80xi32, #tpu.memory_space<vmem>>) semaphore(%arg30 : memref<!tpu.dma_semaphore, #tpu.memory_space<semaphore_mem>>)
    %dma_start3A_23 = arith.constant 0 : i32
    %dma_start3A_24 = arith.constant 0 : i32
    %dma_start3A_25 = tpu.memref_slice %arg3[%dma_start3A_23, %dma_start3A_24] : memref<10000x128xf32, #tpu.memory_space<hbm>> -> memref<10000x128xf32, #tpu.memory_space<hbm>>
    tpu.enqueue_indirect_dma source(%dma_start3A_25 : memref<10000x128xf32, #tpu.memory_space<hbm>>) target(%arg25 : memref<80x128xf32, #tpu.memory_space<vmem>>) offsets(%arg15 : memref<80xi32, #tpu.memory_space<vmem>>) semaphore(%arg30 : memref<!tpu.dma_semaphore, #tpu.memory_space<semaphore_mem>>)
    %add3A_26 = arith.constant 240 : i32
    %add3A_27 = arith.addi %mul3A_2, %add3A_26 : i32
    "tpu.region"() ({
      %run_scoped3A = tpu.sem_alloc : memref<!tpu.dma_semaphore, #tpu.memory_space<semaphore_mem>>
      %dma_start3A_96 = tpu.memref_slice %arg4[%add3A_27] : memref<320000xi32, #tpu.memory_space<hbm>> -> memref<80xi32, #tpu.memory_space<hbm>>
      %dma_start3A_97 = tpu.memref_slice %arg4[%add3A_27] : memref<320000xi32, #tpu.memory_space<hbm>> -> memref<80xi32, #tpu.memory_space<hbm>>
      tpu.enqueue_dma source(%dma_start3A_97 : memref<80xi32, #tpu.memory_space<hbm>>) target(%arg11 : memref<80xi32, #tpu.memory_space<vmem>>) target_semaphore(%run_scoped3A : memref<!tpu.dma_semaphore, #tpu.memory_space<semaphore_mem>>)
      %dma_wait3A_98 = tpu.memref_slice %arg4[%add3A_27] : memref<320000xi32, #tpu.memory_space<hbm>> -> memref<80xi32, #tpu.memory_space<hbm>>
      %dma_wait3A_99 = tpu.memref_slice %arg4[%add3A_27] : memref<320000xi32, #tpu.memory_space<hbm>> -> memref<80xi32, #tpu.memory_space<hbm>>
      tpu.wait_dma2 semaphore(%run_scoped3A : memref<!tpu.dma_semaphore, #tpu.memory_space<semaphore_mem>>) src(%dma_wait3A_99 : memref<80xi32, #tpu.memory_space<hbm>>) dst(%arg11 : memref<80xi32, #tpu.memory_space<vmem>>)
      tpu.yield
    }) : () -> ()
    "tpu.region"() ({
      %run_scoped3A = tpu.sem_alloc : memref<!tpu.dma_semaphore, #tpu.memory_space<semaphore_mem>>
      %dma_start3A_96 = tpu.memref_slice %arg5[%add3A_27] : memref<320000xi32, #tpu.memory_space<hbm>> -> memref<80xi32, #tpu.memory_space<hbm>>
      %dma_start3A_97 = tpu.memref_slice %arg5[%add3A_27] : memref<320000xi32, #tpu.memory_space<hbm>> -> memref<80xi32, #tpu.memory_space<hbm>>
      tpu.enqueue_dma source(%dma_start3A_97 : memref<80xi32, #tpu.memory_space<hbm>>) target(%arg16 : memref<80xi32, #tpu.memory_space<vmem>>) target_semaphore(%run_scoped3A : memref<!tpu.dma_semaphore, #tpu.memory_space<semaphore_mem>>)
      %dma_wait3A_98 = tpu.memref_slice %arg5[%add3A_27] : memref<320000xi32, #tpu.memory_space<hbm>> -> memref<80xi32, #tpu.memory_space<hbm>>
      %dma_wait3A_99 = tpu.memref_slice %arg5[%add3A_27] : memref<320000xi32, #tpu.memory_space<hbm>> -> memref<80xi32, #tpu.memory_space<hbm>>
      tpu.wait_dma2 semaphore(%run_scoped3A : memref<!tpu.dma_semaphore, #tpu.memory_space<semaphore_mem>>) src(%dma_wait3A_99 : memref<80xi32, #tpu.memory_space<hbm>>) dst(%arg16 : memref<80xi32, #tpu.memory_space<vmem>>)
      tpu.yield
    }) : () -> ()
    %dma_start3A_28 = arith.constant 0 : i32
    %dma_start3A_29 = arith.constant 0 : i32
    %dma_start3A_30 = tpu.memref_slice %arg2[%dma_start3A_28, %dma_start3A_29] : memref<10000x128xf32, #tpu.memory_space<hbm>> -> memref<10000x128xf32, #tpu.memory_space<hbm>>
    tpu.enqueue_indirect_dma source(%dma_start3A_30 : memref<10000x128xf32, #tpu.memory_space<hbm>>) target(%arg21 : memref<80x128xf32, #tpu.memory_space<vmem>>) offsets(%arg11 : memref<80xi32, #tpu.memory_space<vmem>>) semaphore(%arg31 : memref<!tpu.dma_semaphore, #tpu.memory_space<semaphore_mem>>)
    %dma_start3A_31 = arith.constant 0 : i32
    %dma_start3A_32 = arith.constant 0 : i32
    %dma_start3A_33 = tpu.memref_slice %arg3[%dma_start3A_31, %dma_start3A_32] : memref<10000x128xf32, #tpu.memory_space<hbm>> -> memref<10000x128xf32, #tpu.memory_space<hbm>>
    tpu.enqueue_indirect_dma source(%dma_start3A_33 : memref<10000x128xf32, #tpu.memory_space<hbm>>) target(%arg26 : memref<80x128xf32, #tpu.memory_space<vmem>>) offsets(%arg16 : memref<80xi32, #tpu.memory_space<vmem>>) semaphore(%arg31 : memref<!tpu.dma_semaphore, #tpu.memory_space<semaphore_mem>>)
    %add3A_34 = arith.constant 320 : i32
    %add3A_35 = arith.addi %mul3A_2, %add3A_34 : i32
    "tpu.region"() ({
      %run_scoped3A = tpu.sem_alloc : memref<!tpu.dma_semaphore, #tpu.memory_space<semaphore_mem>>
      %dma_start3A_96 = tpu.memref_slice %arg4[%add3A_35] : memref<320000xi32, #tpu.memory_space<hbm>> -> memref<80xi32, #tpu.memory_space<hbm>>
      %dma_start3A_97 = tpu.memref_slice %arg4[%add3A_35] : memref<320000xi32, #tpu.memory_space<hbm>> -> memref<80xi32, #tpu.memory_space<hbm>>
      tpu.enqueue_dma source(%dma_start3A_97 : memref<80xi32, #tpu.memory_space<hbm>>) target(%arg12 : memref<80xi32, #tpu.memory_space<vmem>>) target_semaphore(%run_scoped3A : memref<!tpu.dma_semaphore, #tpu.memory_space<semaphore_mem>>)
      %dma_wait3A_98 = tpu.memref_slice %arg4[%add3A_35] : memref<320000xi32, #tpu.memory_space<hbm>> -> memref<80xi32, #tpu.memory_space<hbm>>
      %dma_wait3A_99 = tpu.memref_slice %arg4[%add3A_35] : memref<320000xi32, #tpu.memory_space<hbm>> -> memref<80xi32, #tpu.memory_space<hbm>>
      tpu.wait_dma2 semaphore(%run_scoped3A : memref<!tpu.dma_semaphore, #tpu.memory_space<semaphore_mem>>) src(%dma_wait3A_99 : memref<80xi32, #tpu.memory_space<hbm>>) dst(%arg12 : memref<80xi32, #tpu.memory_space<vmem>>)
      tpu.yield
    }) : () -> ()
    "tpu.region"() ({
      %run_scoped3A = tpu.sem_alloc : memref<!tpu.dma_semaphore, #tpu.memory_space<semaphore_mem>>
      %dma_start3A_96 = tpu.memref_slice %arg5[%add3A_35] : memref<320000xi32, #tpu.memory_space<hbm>> -> memref<80xi32, #tpu.memory_space<hbm>>
      %dma_start3A_97 = tpu.memref_slice %arg5[%add3A_35] : memref<320000xi32, #tpu.memory_space<hbm>> -> memref<80xi32, #tpu.memory_space<hbm>>
      tpu.enqueue_dma source(%dma_start3A_97 : memref<80xi32, #tpu.memory_space<hbm>>) target(%arg17 : memref<80xi32, #tpu.memory_space<vmem>>) target_semaphore(%run_scoped3A : memref<!tpu.dma_semaphore, #tpu.memory_space<semaphore_mem>>)
      %dma_wait3A_98 = tpu.memref_slice %arg5[%add3A_35] : memref<320000xi32, #tpu.memory_space<hbm>> -> memref<80xi32, #tpu.memory_space<hbm>>
      %dma_wait3A_99 = tpu.memref_slice %arg5[%add3A_35] : memref<320000xi32, #tpu.memory_space<hbm>> -> memref<80xi32, #tpu.memory_space<hbm>>
      tpu.wait_dma2 semaphore(%run_scoped3A : memref<!tpu.dma_semaphore, #tpu.memory_space<semaphore_mem>>) src(%dma_wait3A_99 : memref<80xi32, #tpu.memory_space<hbm>>) dst(%arg17 : memref<80xi32, #tpu.memory_space<vmem>>)
      tpu.yield
    }) : () -> ()
    %dma_start3A_36 = arith.constant 0 : i32
    %dma_start3A_37 = arith.constant 0 : i32
    %dma_start3A_38 = tpu.memref_slice %arg2[%dma_start3A_36, %dma_start3A_37] : memref<10000x128xf32, #tpu.memory_space<hbm>> -> memref<10000x128xf32, #tpu.memory_space<hbm>>
    tpu.enqueue_indirect_dma source(%dma_start3A_38 : memref<10000x128xf32, #tpu.memory_space<hbm>>) target(%arg22 : memref<80x128xf32, #tpu.memory_space<vmem>>) offsets(%arg12 : memref<80xi32, #tpu.memory_space<vmem>>) semaphore(%arg32 : memref<!tpu.dma_semaphore, #tpu.memory_space<semaphore_mem>>)
    %dma_start3A_39 = arith.constant 0 : i32
    %dma_start3A_40 = arith.constant 0 : i32
    %dma_start3A_41 = tpu.memref_slice %arg3[%dma_start3A_39, %dma_start3A_40] : memref<10000x128xf32, #tpu.memory_space<hbm>> -> memref<10000x128xf32, #tpu.memory_space<hbm>>
    tpu.enqueue_indirect_dma source(%dma_start3A_41 : memref<10000x128xf32, #tpu.memory_space<hbm>>) target(%arg27 : memref<80x128xf32, #tpu.memory_space<vmem>>) offsets(%arg17 : memref<80xi32, #tpu.memory_space<vmem>>) semaphore(%arg32 : memref<!tpu.dma_semaphore, #tpu.memory_space<semaphore_mem>>)
    %scan3A = arith.constant 0 : i32
    %scan3A_42 = arith.constant 0 : i32
    %scan3A_43 = arith.constant 25 : i32
    %scan3A_44 = arith.addi %scan3A_42, %scan3A_43 : i32
    %scan3A_45 = arith.constant 1 : i32
    scf.for %scan3A_96 = %scan3A_42 to %scan3A_44 step %scan3A_45  : i32 {
      %mul3A_97 = arith.constant 5 : i32
      %mul3A_98 = arith.muli %mul3A_97, %scan3A_96 : i32
      %add3A_99 = arith.constant 0 : i32
      %add3A_100 = arith.addi %mul3A_98, %add3A_99 : i32
      %mul3A_101 = arith.constant 80 : i32
      %mul3A_102 = arith.muli %add3A_100, %mul3A_101 : i32
      %add3A_103 = arith.addi %mul3A_2, %mul3A_102 : i32
      %dma_wait3A_104 = arith.constant 0 : i32
      %dma_wait3A_105 = arith.constant 0 : i32
      %dma_wait3A_106 = tpu.memref_slice %arg2[%dma_wait3A_104, %dma_wait3A_105] : memref<10000x128xf32, #tpu.memory_space<hbm>> -> memref<10000x128xf32, #tpu.memory_space<hbm>>
      tpu.wait_indirect_dma semaphore(%arg28 : memref<!tpu.dma_semaphore, #tpu.memory_space<semaphore_mem>>) src(%dma_wait3A_106 : memref<10000x128xf32, #tpu.memory_space<hbm>>) dst(%arg18 : memref<80x128xf32, #tpu.memory_space<vmem>>)
      %dma_wait3A_107 = arith.constant 0 : i32
      %dma_wait3A_108 = arith.constant 0 : i32
      %dma_wait3A_109 = tpu.memref_slice %arg3[%dma_wait3A_107, %dma_wait3A_108] : memref<10000x128xf32, #tpu.memory_space<hbm>> -> memref<10000x128xf32, #tpu.memory_space<hbm>>
      tpu.wait_indirect_dma semaphore(%arg28 : memref<!tpu.dma_semaphore, #tpu.memory_space<semaphore_mem>>) src(%dma_wait3A_109 : memref<10000x128xf32, #tpu.memory_space<hbm>>) dst(%arg23 : memref<80x128xf32, #tpu.memory_space<vmem>>)
      %dma_start3A_110 = arith.constant 0 : i32
      %dma_start3A_111 = tpu.memref_slice %arg6[%add3A_103, %dma_start3A_110] : memref<320000x128xf32, #tpu.memory_space<hbm>> -> memref<80x128xf32, #tpu.memory_space<hbm>>
      %dma_start3A_112 = arith.constant 0 : i32
      %dma_start3A_113 = tpu.memref_slice %arg6[%add3A_103, %dma_start3A_112] : memref<320000x128xf32, #tpu.memory_space<hbm>> -> memref<80x128xf32, #tpu.memory_space<hbm>>
      tpu.enqueue_dma source(%arg18 : memref<80x128xf32, #tpu.memory_space<vmem>>) target(%dma_start3A_113 : memref<80x128xf32, #tpu.memory_space<hbm>>) target_semaphore(%arg33 : memref<!tpu.dma_semaphore, #tpu.memory_space<semaphore_mem>>)
      %dma_start3A_114 = arith.constant 0 : i32
      %dma_start3A_115 = tpu.memref_slice %arg7[%add3A_103, %dma_start3A_114] : memref<320000x128xf32, #tpu.memory_space<hbm>> -> memref<80x128xf32, #tpu.memory_space<hbm>>
      %dma_start3A_116 = arith.constant 0 : i32
      %dma_start3A_117 = tpu.memref_slice %arg7[%add3A_103, %dma_start3A_116] : memref<320000x128xf32, #tpu.memory_space<hbm>> -> memref<80x128xf32, #tpu.memory_space<hbm>>
      tpu.enqueue_dma source(%arg23 : memref<80x128xf32, #tpu.memory_space<vmem>>) target(%dma_start3A_117 : memref<80x128xf32, #tpu.memory_space<hbm>>) target_semaphore(%arg33 : memref<!tpu.dma_semaphore, #tpu.memory_space<semaphore_mem>>)
      %lt3A = arith.constant 24 : i32
      %lt3A_118 = arith.cmpi slt, %scan3A_96, %lt3A : i32
      %convert_element_type3A = arith.extui %lt3A_118 : i1 to i32
      %cond3A = arith.constant 0 : i32
      %cond3A_119 = arith.cmpi ne, %convert_element_type3A, %cond3A : i32
      scf.if %cond3A_119 {
        %add3A_224 = arith.constant 400 : i32
        %add3A_225 = arith.addi %add3A_103, %add3A_224 : i32
        "tpu.region"() ({
          %run_scoped3A = tpu.sem_alloc : memref<!tpu.dma_semaphore, #tpu.memory_space<semaphore_mem>>
          %dma_start3A_240 = tpu.memref_slice %arg4[%add3A_225] : memref<320000xi32, #tpu.memory_space<hbm>> -> memref<80xi32, #tpu.memory_space<hbm>>
          %dma_start3A_241 = tpu.memref_slice %arg4[%add3A_225] : memref<320000xi32, #tpu.memory_space<hbm>> -> memref<80xi32, #tpu.memory_space<hbm>>
          tpu.enqueue_dma source(%dma_start3A_241 : memref<80xi32, #tpu.memory_space<hbm>>) target(%arg8 : memref<80xi32, #tpu.memory_space<vmem>>) target_semaphore(%run_scoped3A : memref<!tpu.dma_semaphore, #tpu.memory_space<semaphore_mem>>)
          %dma_wait3A_242 = tpu.memref_slice %arg4[%add3A_225] : memref<320000xi32, #tpu.memory_space<hbm>> -> memref<80xi32, #tpu.memory_space<hbm>>
          %dma_wait3A_243 = tpu.memref_slice %arg4[%add3A_225] : memref<320000xi32, #tpu.memory_space<hbm>> -> memref<80xi32, #tpu.memory_space<hbm>>
          tpu.wait_dma2 semaphore(%run_scoped3A : memref<!tpu.dma_semaphore, #tpu.memory_space<semaphore_mem>>) src(%dma_wait3A_243 : memref<80xi32, #tpu.memory_space<hbm>>) dst(%arg8 : memref<80xi32, #tpu.memory_space<vmem>>)
          tpu.yield
        }) : () -> ()
        "tpu.region"() ({
          %run_scoped3A = tpu.sem_alloc : memref<!tpu.dma_semaphore, #tpu.memory_space<semaphore_mem>>
          %dma_start3A_240 = tpu.memref_slice %arg5[%add3A_225] : memref<320000xi32, #tpu.memory_space<hbm>> -> memref<80xi32, #tpu.memory_space<hbm>>
          %dma_start3A_241 = tpu.memref_slice %arg5[%add3A_225] : memref<320000xi32, #tpu.memory_space<hbm>> -> memref<80xi32, #tpu.memory_space<hbm>>
          tpu.enqueue_dma source(%dma_start3A_241 : memref<80xi32, #tpu.memory_space<hbm>>) target(%arg13 : memref<80xi32, #tpu.memory_space<vmem>>) target_semaphore(%run_scoped3A : memref<!tpu.dma_semaphore, #tpu.memory_space<semaphore_mem>>)
          %dma_wait3A_242 = tpu.memref_slice %arg5[%add3A_225] : memref<320000xi32, #tpu.memory_space<hbm>> -> memref<80xi32, #tpu.memory_space<hbm>>
          %dma_wait3A_243 = tpu.memref_slice %arg5[%add3A_225] : memref<320000xi32, #tpu.memory_space<hbm>> -> memref<80xi32, #tpu.memory_space<hbm>>
          tpu.wait_dma2 semaphore(%run_scoped3A : memref<!tpu.dma_semaphore, #tpu.memory_space<semaphore_mem>>) src(%dma_wait3A_243 : memref<80xi32, #tpu.memory_space<hbm>>) dst(%arg13 : memref<80xi32, #tpu.memory_space<vmem>>)
          tpu.yield
        }) : () -> ()
        %dma_wait3A_226 = arith.constant 0 : i32
        %dma_wait3A_227 = tpu.memref_slice %arg6[%add3A_103, %dma_wait3A_226] : memref<320000x128xf32, #tpu.memory_space<hbm>> -> memref<80x128xf32, #tpu.memory_space<hbm>>
        %dma_wait3A_228 = arith.constant 0 : i32
        %dma_wait3A_229 = tpu.memref_slice %arg6[%add3A_103, %dma_wait3A_228] : memref<320000x128xf32, #tpu.memory_space<hbm>> -> memref<80x128xf32, #tpu.memory_space<hbm>>
        tpu.wait_dma2 semaphore(%arg33 : memref<!tpu.dma_semaphore, #tpu.memory_space<semaphore_mem>>) src(%arg18 : memref<80x128xf32, #tpu.memory_space<vmem>>) dst(%dma_wait3A_229 : memref<80x128xf32, #tpu.memory_space<hbm>>)
        %dma_wait3A_230 = arith.constant 0 : i32
        %dma_wait3A_231 = tpu.memref_slice %arg7[%add3A_103, %dma_wait3A_230] : memref<320000x128xf32, #tpu.memory_space<hbm>> -> memref<80x128xf32, #tpu.memory_space<hbm>>
        %dma_wait3A_232 = arith.constant 0 : i32
        %dma_wait3A_233 = tpu.memref_slice %arg7[%add3A_103, %dma_wait3A_232] : memref<320000x128xf32, #tpu.memory_space<hbm>> -> memref<80x128xf32, #tpu.memory_space<hbm>>
        tpu.wait_dma2 semaphore(%arg33 : memref<!tpu.dma_semaphore, #tpu.memory_space<semaphore_mem>>) src(%arg23 : memref<80x128xf32, #tpu.memory_space<vmem>>) dst(%dma_wait3A_233 : memref<80x128xf32, #tpu.memory_space<hbm>>)
        %dma_start3A_234 = arith.constant 0 : i32
        %dma_start3A_235 = arith.constant 0 : i32
        %dma_start3A_236 = tpu.memref_slice %arg2[%dma_start3A_234, %dma_start3A_235] : memref<10000x128xf32, #tpu.memory_space<hbm>> -> memref<10000x128xf32, #tpu.memory_space<hbm>>
        tpu.enqueue_indirect_dma source(%dma_start3A_236 : memref<10000x128xf32, #tpu.memory_space<hbm>>) target(%arg18 : memref<80x128xf32, #tpu.memory_space<vmem>>) offsets(%arg8 : memref<80xi32, #tpu.memory_space<vmem>>) semaphore(%arg28 : memref<!tpu.dma_semaphore, #tpu.memory_space<semaphore_mem>>)
        %dma_start3A_237 = arith.constant 0 : i32
        %dma_start3A_238 = arith.constant 0 : i32
        %dma_start3A_239 = tpu.memref_slice %arg3[%dma_start3A_237, %dma_start3A_238] : memref<10000x128xf32, #tpu.memory_space<hbm>> -> memref<10000x128xf32, #tpu.memory_space<hbm>>
        tpu.enqueue_indirect_dma source(%dma_start3A_239 : memref<10000x128xf32, #tpu.memory_space<hbm>>) target(%arg23 : memref<80x128xf32, #tpu.memory_space<vmem>>) offsets(%arg13 : memref<80xi32, #tpu.memory_space<vmem>>) semaphore(%arg28 : memref<!tpu.dma_semaphore, #tpu.memory_space<semaphore_mem>>)
      } else {
      }
      %mul3A_120 = arith.constant 5 : i32
      %mul3A_121 = arith.muli %mul3A_120, %scan3A_96 : i32
      %add3A_122 = arith.constant 1 : i32
      %add3A_123 = arith.addi %mul3A_121, %add3A_122 : i32
      %mul3A_124 = arith.constant 80 : i32
      %mul3A_125 = arith.muli %add3A_123, %mul3A_124 : i32
      %add3A_126 = arith.addi %mul3A_2, %mul3A_125 : i32
      %dma_wait3A_127 = arith.constant 0 : i32
      %dma_wait3A_128 = arith.constant 0 : i32
      %dma_wait3A_129 = tpu.memref_slice %arg2[%dma_wait3A_127, %dma_wait3A_128] : memref<10000x128xf32, #tpu.memory_space<hbm>> -> memref<10000x128xf32, #tpu.memory_space<hbm>>
      tpu.wait_indirect_dma semaphore(%arg29 : memref<!tpu.dma_semaphore, #tpu.memory_space<semaphore_mem>>) src(%dma_wait3A_129 : memref<10000x128xf32, #tpu.memory_space<hbm>>) dst(%arg19 : memref<80x128xf32, #tpu.memory_space<vmem>>)
      %dma_wait3A_130 = arith.constant 0 : i32
      %dma_wait3A_131 = arith.constant 0 : i32
      %dma_wait3A_132 = tpu.memref_slice %arg3[%dma_wait3A_130, %dma_wait3A_131] : memref<10000x128xf32, #tpu.memory_space<hbm>> -> memref<10000x128xf32, #tpu.memory_space<hbm>>
      tpu.wait_indirect_dma semaphore(%arg29 : memref<!tpu.dma_semaphore, #tpu.memory_space<semaphore_mem>>) src(%dma_wait3A_132 : memref<10000x128xf32, #tpu.memory_space<hbm>>) dst(%arg24 : memref<80x128xf32, #tpu.memory_space<vmem>>)
      %dma_start3A_133 = arith.constant 0 : i32
      %dma_start3A_134 = tpu.memref_slice %arg6[%add3A_126, %dma_start3A_133] : memref<320000x128xf32, #tpu.memory_space<hbm>> -> memref<80x128xf32, #tpu.memory_space<hbm>>
      %dma_start3A_135 = arith.constant 0 : i32
      %dma_start3A_136 = tpu.memref_slice %arg6[%add3A_126, %dma_start3A_135] : memref<320000x128xf32, #tpu.memory_space<hbm>> -> memref<80x128xf32, #tpu.memory_space<hbm>>
      tpu.enqueue_dma source(%arg19 : memref<80x128xf32, #tpu.memory_space<vmem>>) target(%dma_start3A_136 : memref<80x128xf32, #tpu.memory_space<hbm>>) target_semaphore(%arg34 : memref<!tpu.dma_semaphore, #tpu.memory_space<semaphore_mem>>)
      %dma_start3A_137 = arith.constant 0 : i32
      %dma_start3A_138 = tpu.memref_slice %arg7[%add3A_126, %dma_start3A_137] : memref<320000x128xf32, #tpu.memory_space<hbm>> -> memref<80x128xf32, #tpu.memory_space<hbm>>
      %dma_start3A_139 = arith.constant 0 : i32
      %dma_start3A_140 = tpu.memref_slice %arg7[%add3A_126, %dma_start3A_139] : memref<320000x128xf32, #tpu.memory_space<hbm>> -> memref<80x128xf32, #tpu.memory_space<hbm>>
      tpu.enqueue_dma source(%arg24 : memref<80x128xf32, #tpu.memory_space<vmem>>) target(%dma_start3A_140 : memref<80x128xf32, #tpu.memory_space<hbm>>) target_semaphore(%arg34 : memref<!tpu.dma_semaphore, #tpu.memory_space<semaphore_mem>>)
      %lt3A_141 = arith.constant 24 : i32
      %lt3A_142 = arith.cmpi slt, %scan3A_96, %lt3A_141 : i32
      %convert_element_type3A_143 = arith.extui %lt3A_142 : i1 to i32
      %cond3A_144 = arith.constant 0 : i32
      %cond3A_145 = arith.cmpi ne, %convert_element_type3A_143, %cond3A_144 : i32
      scf.if %cond3A_145 {
        %add3A_224 = arith.constant 400 : i32
        %add3A_225 = arith.addi %add3A_126, %add3A_224 : i32
        "tpu.region"() ({
          %run_scoped3A = tpu.sem_alloc : memref<!tpu.dma_semaphore, #tpu.memory_space<semaphore_mem>>
          %dma_start3A_240 = tpu.memref_slice %arg4[%add3A_225] : memref<320000xi32, #tpu.memory_space<hbm>> -> memref<80xi32, #tpu.memory_space<hbm>>
          %dma_start3A_241 = tpu.memref_slice %arg4[%add3A_225] : memref<320000xi32, #tpu.memory_space<hbm>> -> memref<80xi32, #tpu.memory_space<hbm>>
          tpu.enqueue_dma source(%dma_start3A_241 : memref<80xi32, #tpu.memory_space<hbm>>) target(%arg9 : memref<80xi32, #tpu.memory_space<vmem>>) target_semaphore(%run_scoped3A : memref<!tpu.dma_semaphore, #tpu.memory_space<semaphore_mem>>)
          %dma_wait3A_242 = tpu.memref_slice %arg4[%add3A_225] : memref<320000xi32, #tpu.memory_space<hbm>> -> memref<80xi32, #tpu.memory_space<hbm>>
          %dma_wait3A_243 = tpu.memref_slice %arg4[%add3A_225] : memref<320000xi32, #tpu.memory_space<hbm>> -> memref<80xi32, #tpu.memory_space<hbm>>
          tpu.wait_dma2 semaphore(%run_scoped3A : memref<!tpu.dma_semaphore, #tpu.memory_space<semaphore_mem>>) src(%dma_wait3A_243 : memref<80xi32, #tpu.memory_space<hbm>>) dst(%arg9 : memref<80xi32, #tpu.memory_space<vmem>>)
          tpu.yield
        }) : () -> ()
        "tpu.region"() ({
          %run_scoped3A = tpu.sem_alloc : memref<!tpu.dma_semaphore, #tpu.memory_space<semaphore_mem>>
          %dma_start3A_240 = tpu.memref_slice %arg5[%add3A_225] : memref<320000xi32, #tpu.memory_space<hbm>> -> memref<80xi32, #tpu.memory_space<hbm>>
          %dma_start3A_241 = tpu.memref_slice %arg5[%add3A_225] : memref<320000xi32, #tpu.memory_space<hbm>> -> memref<80xi32, #tpu.memory_space<hbm>>
          tpu.enqueue_dma source(%dma_start3A_241 : memref<80xi32, #tpu.memory_space<hbm>>) target(%arg14 : memref<80xi32, #tpu.memory_space<vmem>>) target_semaphore(%run_scoped3A : memref<!tpu.dma_semaphore, #tpu.memory_space<semaphore_mem>>)
          %dma_wait3A_242 = tpu.memref_slice %arg5[%add3A_225] : memref<320000xi32, #tpu.memory_space<hbm>> -> memref<80xi32, #tpu.memory_space<hbm>>
          %dma_wait3A_243 = tpu.memref_slice %arg5[%add3A_225] : memref<320000xi32, #tpu.memory_space<hbm>> -> memref<80xi32, #tpu.memory_space<hbm>>
          tpu.wait_dma2 semaphore(%run_scoped3A : memref<!tpu.dma_semaphore, #tpu.memory_space<semaphore_mem>>) src(%dma_wait3A_243 : memref<80xi32, #tpu.memory_space<hbm>>) dst(%arg14 : memref<80xi32, #tpu.memory_space<vmem>>)
          tpu.yield
        }) : () -> ()
        %dma_wait3A_226 = arith.constant 0 : i32
        %dma_wait3A_227 = tpu.memref_slice %arg6[%add3A_126, %dma_wait3A_226] : memref<320000x128xf32, #tpu.memory_space<hbm>> -> memref<80x128xf32, #tpu.memory_space<hbm>>
        %dma_wait3A_228 = arith.constant 0 : i32
        %dma_wait3A_229 = tpu.memref_slice %arg6[%add3A_126, %dma_wait3A_228] : memref<320000x128xf32, #tpu.memory_space<hbm>> -> memref<80x128xf32, #tpu.memory_space<hbm>>
        tpu.wait_dma2 semaphore(%arg34 : memref<!tpu.dma_semaphore, #tpu.memory_space<semaphore_mem>>) src(%arg19 : memref<80x128xf32, #tpu.memory_space<vmem>>) dst(%dma_wait3A_229 : memref<80x128xf32, #tpu.memory_space<hbm>>)
        %dma_wait3A_230 = arith.constant 0 : i32
        %dma_wait3A_231 = tpu.memref_slice %arg7[%add3A_126, %dma_wait3A_230] : memref<320000x128xf32, #tpu.memory_space<hbm>> -> memref<80x128xf32, #tpu.memory_space<hbm>>
        %dma_wait3A_232 = arith.constant 0 : i32
        %dma_wait3A_233 = tpu.memref_slice %arg7[%add3A_126, %dma_wait3A_232] : memref<320000x128xf32, #tpu.memory_space<hbm>> -> memref<80x128xf32, #tpu.memory_space<hbm>>
        tpu.wait_dma2 semaphore(%arg34 : memref<!tpu.dma_semaphore, #tpu.memory_space<semaphore_mem>>) src(%arg24 : memref<80x128xf32, #tpu.memory_space<vmem>>) dst(%dma_wait3A_233 : memref<80x128xf32, #tpu.memory_space<hbm>>)
        %dma_start3A_234 = arith.constant 0 : i32
        %dma_start3A_235 = arith.constant 0 : i32
        %dma_start3A_236 = tpu.memref_slice %arg2[%dma_start3A_234, %dma_start3A_235] : memref<10000x128xf32, #tpu.memory_space<hbm>> -> memref<10000x128xf32, #tpu.memory_space<hbm>>
        tpu.enqueue_indirect_dma source(%dma_start3A_236 : memref<10000x128xf32, #tpu.memory_space<hbm>>) target(%arg19 : memref<80x128xf32, #tpu.memory_space<vmem>>) offsets(%arg9 : memref<80xi32, #tpu.memory_space<vmem>>) semaphore(%arg29 : memref<!tpu.dma_semaphore, #tpu.memory_space<semaphore_mem>>)
        %dma_start3A_237 = arith.constant 0 : i32
        %dma_start3A_238 = arith.constant 0 : i32
        %dma_start3A_239 = tpu.memref_slice %arg3[%dma_start3A_237, %dma_start3A_238] : memref<10000x128xf32, #tpu.memory_space<hbm>> -> memref<10000x128xf32, #tpu.memory_space<hbm>>
        tpu.enqueue_indirect_dma source(%dma_start3A_239 : memref<10000x128xf32, #tpu.memory_space<hbm>>) target(%arg24 : memref<80x128xf32, #tpu.memory_space<vmem>>) offsets(%arg14 : memref<80xi32, #tpu.memory_space<vmem>>) semaphore(%arg29 : memref<!tpu.dma_semaphore, #tpu.memory_space<semaphore_mem>>)
      } else {
      }
      %mul3A_146 = arith.constant 5 : i32
      %mul3A_147 = arith.muli %mul3A_146, %scan3A_96 : i32
      %add3A_148 = arith.constant 2 : i32
      %add3A_149 = arith.addi %mul3A_147, %add3A_148 : i32
      %mul3A_150 = arith.constant 80 : i32
      %mul3A_151 = arith.muli %add3A_149, %mul3A_150 : i32
      %add3A_152 = arith.addi %mul3A_2, %mul3A_151 : i32
      %dma_wait3A_153 = arith.constant 0 : i32
      %dma_wait3A_154 = arith.constant 0 : i32
      %dma_wait3A_155 = tpu.memref_slice %arg2[%dma_wait3A_153, %dma_wait3A_154] : memref<10000x128xf32, #tpu.memory_space<hbm>> -> memref<10000x128xf32, #tpu.memory_space<hbm>>
      tpu.wait_indirect_dma semaphore(%arg30 : memref<!tpu.dma_semaphore, #tpu.memory_space<semaphore_mem>>) src(%dma_wait3A_155 : memref<10000x128xf32, #tpu.memory_space<hbm>>) dst(%arg20 : memref<80x128xf32, #tpu.memory_space<vmem>>)
      %dma_wait3A_156 = arith.constant 0 : i32
      %dma_wait3A_157 = arith.constant 0 : i32
      %dma_wait3A_158 = tpu.memref_slice %arg3[%dma_wait3A_156, %dma_wait3A_157] : memref<10000x128xf32, #tpu.memory_space<hbm>> -> memref<10000x128xf32, #tpu.memory_space<hbm>>
      tpu.wait_indirect_dma semaphore(%arg30 : memref<!tpu.dma_semaphore, #tpu.memory_space<semaphore_mem>>) src(%dma_wait3A_158 : memref<10000x128xf32, #tpu.memory_space<hbm>>) dst(%arg25 : memref<80x128xf32, #tpu.memory_space<vmem>>)
      %dma_start3A_159 = arith.constant 0 : i32
      %dma_start3A_160 = tpu.memref_slice %arg6[%add3A_152, %dma_start3A_159] : memref<320000x128xf32, #tpu.memory_space<hbm>> -> memref<80x128xf32, #tpu.memory_space<hbm>>
      %dma_start3A_161 = arith.constant 0 : i32
      %dma_start3A_162 = tpu.memref_slice %arg6[%add3A_152, %dma_start3A_161] : memref<320000x128xf32, #tpu.memory_space<hbm>> -> memref<80x128xf32, #tpu.memory_space<hbm>>
      tpu.enqueue_dma source(%arg20 : memref<80x128xf32, #tpu.memory_space<vmem>>) target(%dma_start3A_162 : memref<80x128xf32, #tpu.memory_space<hbm>>) target_semaphore(%arg35 : memref<!tpu.dma_semaphore, #tpu.memory_space<semaphore_mem>>)
      %dma_start3A_163 = arith.constant 0 : i32
      %dma_start3A_164 = tpu.memref_slice %arg7[%add3A_152, %dma_start3A_163] : memref<320000x128xf32, #tpu.memory_space<hbm>> -> memref<80x128xf32, #tpu.memory_space<hbm>>
      %dma_start3A_165 = arith.constant 0 : i32
      %dma_start3A_166 = tpu.memref_slice %arg7[%add3A_152, %dma_start3A_165] : memref<320000x128xf32, #tpu.memory_space<hbm>> -> memref<80x128xf32, #tpu.memory_space<hbm>>
      tpu.enqueue_dma source(%arg25 : memref<80x128xf32, #tpu.memory_space<vmem>>) target(%dma_start3A_166 : memref<80x128xf32, #tpu.memory_space<hbm>>) target_semaphore(%arg35 : memref<!tpu.dma_semaphore, #tpu.memory_space<semaphore_mem>>)
      %lt3A_167 = arith.constant 24 : i32
      %lt3A_168 = arith.cmpi slt, %scan3A_96, %lt3A_167 : i32
      %convert_element_type3A_169 = arith.extui %lt3A_168 : i1 to i32
      %cond3A_170 = arith.constant 0 : i32
      %cond3A_171 = arith.cmpi ne, %convert_element_type3A_169, %cond3A_170 : i32
      scf.if %cond3A_171 {
        %add3A_224 = arith.constant 400 : i32
        %add3A_225 = arith.addi %add3A_152, %add3A_224 : i32
        "tpu.region"() ({
          %run_scoped3A = tpu.sem_alloc : memref<!tpu.dma_semaphore, #tpu.memory_space<semaphore_mem>>
          %dma_start3A_240 = tpu.memref_slice %arg4[%add3A_225] : memref<320000xi32, #tpu.memory_space<hbm>> -> memref<80xi32, #tpu.memory_space<hbm>>
          %dma_start3A_241 = tpu.memref_slice %arg4[%add3A_225] : memref<320000xi32, #tpu.memory_space<hbm>> -> memref<80xi32, #tpu.memory_space<hbm>>
          tpu.enqueue_dma source(%dma_start3A_241 : memref<80xi32, #tpu.memory_space<hbm>>) target(%arg10 : memref<80xi32, #tpu.memory_space<vmem>>) target_semaphore(%run_scoped3A : memref<!tpu.dma_semaphore, #tpu.memory_space<semaphore_mem>>)
          %dma_wait3A_242 = tpu.memref_slice %arg4[%add3A_225] : memref<320000xi32, #tpu.memory_space<hbm>> -> memref<80xi32, #tpu.memory_space<hbm>>
          %dma_wait3A_243 = tpu.memref_slice %arg4[%add3A_225] : memref<320000xi32, #tpu.memory_space<hbm>> -> memref<80xi32, #tpu.memory_space<hbm>>
          tpu.wait_dma2 semaphore(%run_scoped3A : memref<!tpu.dma_semaphore, #tpu.memory_space<semaphore_mem>>) src(%dma_wait3A_243 : memref<80xi32, #tpu.memory_space<hbm>>) dst(%arg10 : memref<80xi32, #tpu.memory_space<vmem>>)
          tpu.yield
        }) : () -> ()
        "tpu.region"() ({
          %run_scoped3A = tpu.sem_alloc : memref<!tpu.dma_semaphore, #tpu.memory_space<semaphore_mem>>
          %dma_start3A_240 = tpu.memref_slice %arg5[%add3A_225] : memref<320000xi32, #tpu.memory_space<hbm>> -> memref<80xi32, #tpu.memory_space<hbm>>
          %dma_start3A_241 = tpu.memref_slice %arg5[%add3A_225] : memref<320000xi32, #tpu.memory_space<hbm>> -> memref<80xi32, #tpu.memory_space<hbm>>
          tpu.enqueue_dma source(%dma_start3A_241 : memref<80xi32, #tpu.memory_space<hbm>>) target(%arg15 : memref<80xi32, #tpu.memory_space<vmem>>) target_semaphore(%run_scoped3A : memref<!tpu.dma_semaphore, #tpu.memory_space<semaphore_mem>>)
          %dma_wait3A_242 = tpu.memref_slice %arg5[%add3A_225] : memref<320000xi32, #tpu.memory_space<hbm>> -> memref<80xi32, #tpu.memory_space<hbm>>
          %dma_wait3A_243 = tpu.memref_slice %arg5[%add3A_225] : memref<320000xi32, #tpu.memory_space<hbm>> -> memref<80xi32, #tpu.memory_space<hbm>>
          tpu.wait_dma2 semaphore(%run_scoped3A : memref<!tpu.dma_semaphore, #tpu.memory_space<semaphore_mem>>) src(%dma_wait3A_243 : memref<80xi32, #tpu.memory_space<hbm>>) dst(%arg15 : memref<80xi32, #tpu.memory_space<vmem>>)
          tpu.yield
        }) : () -> ()
        %dma_wait3A_226 = arith.constant 0 : i32
        %dma_wait3A_227 = tpu.memref_slice %arg6[%add3A_152, %dma_wait3A_226] : memref<320000x128xf32, #tpu.memory_space<hbm>> -> memref<80x128xf32, #tpu.memory_space<hbm>>
        %dma_wait3A_228 = arith.constant 0 : i32
        %dma_wait3A_229 = tpu.memref_slice %arg6[%add3A_152, %dma_wait3A_228] : memref<320000x128xf32, #tpu.memory_space<hbm>> -> memref<80x128xf32, #tpu.memory_space<hbm>>
        tpu.wait_dma2 semaphore(%arg35 : memref<!tpu.dma_semaphore, #tpu.memory_space<semaphore_mem>>) src(%arg20 : memref<80x128xf32, #tpu.memory_space<vmem>>) dst(%dma_wait3A_229 : memref<80x128xf32, #tpu.memory_space<hbm>>)
        %dma_wait3A_230 = arith.constant 0 : i32
        %dma_wait3A_231 = tpu.memref_slice %arg7[%add3A_152, %dma_wait3A_230] : memref<320000x128xf32, #tpu.memory_space<hbm>> -> memref<80x128xf32, #tpu.memory_space<hbm>>
        %dma_wait3A_232 = arith.constant 0 : i32
        %dma_wait3A_233 = tpu.memref_slice %arg7[%add3A_152, %dma_wait3A_232] : memref<320000x128xf32, #tpu.memory_space<hbm>> -> memref<80x128xf32, #tpu.memory_space<hbm>>
        tpu.wait_dma2 semaphore(%arg35 : memref<!tpu.dma_semaphore, #tpu.memory_space<semaphore_mem>>) src(%arg25 : memref<80x128xf32, #tpu.memory_space<vmem>>) dst(%dma_wait3A_233 : memref<80x128xf32, #tpu.memory_space<hbm>>)
        %dma_start3A_234 = arith.constant 0 : i32
        %dma_start3A_235 = arith.constant 0 : i32
        %dma_start3A_236 = tpu.memref_slice %arg2[%dma_start3A_234, %dma_start3A_235] : memref<10000x128xf32, #tpu.memory_space<hbm>> -> memref<10000x128xf32, #tpu.memory_space<hbm>>
        tpu.enqueue_indirect_dma source(%dma_start3A_236 : memref<10000x128xf32, #tpu.memory_space<hbm>>) target(%arg20 : memref<80x128xf32, #tpu.memory_space<vmem>>) offsets(%arg10 : memref<80xi32, #tpu.memory_space<vmem>>) semaphore(%arg30 : memref<!tpu.dma_semaphore, #tpu.memory_space<semaphore_mem>>)
        %dma_start3A_237 = arith.constant 0 : i32
        %dma_start3A_238 = arith.constant 0 : i32
        %dma_start3A_239 = tpu.memref_slice %arg3[%dma_start3A_237, %dma_start3A_238] : memref<10000x128xf32, #tpu.memory_space<hbm>> -> memref<10000x128xf32, #tpu.memory_space<hbm>>
        tpu.enqueue_indirect_dma source(%dma_start3A_239 : memref<10000x128xf32, #tpu.memory_space<hbm>>) target(%arg25 : memref<80x128xf32, #tpu.memory_space<vmem>>) offsets(%arg15 : memref<80xi32, #tpu.memory_space<vmem>>) semaphore(%arg30 : memref<!tpu.dma_semaphore, #tpu.memory_space<semaphore_mem>>)
      } else {
      }
      %mul3A_172 = arith.constant 5 : i32
      %mul3A_173 = arith.muli %mul3A_172, %scan3A_96 : i32
      %add3A_174 = arith.constant 3 : i32
      %add3A_175 = arith.addi %mul3A_173, %add3A_174 : i32
      %mul3A_176 = arith.constant 80 : i32
      %mul3A_177 = arith.muli %add3A_175, %mul3A_176 : i32
      %add3A_178 = arith.addi %mul3A_2, %mul3A_177 : i32
      %dma_wait3A_179 = arith.constant 0 : i32
      %dma_wait3A_180 = arith.constant 0 : i32
      %dma_wait3A_181 = tpu.memref_slice %arg2[%dma_wait3A_179, %dma_wait3A_180] : memref<10000x128xf32, #tpu.memory_space<hbm>> -> memref<10000x128xf32, #tpu.memory_space<hbm>>
      tpu.wait_indirect_dma semaphore(%arg31 : memref<!tpu.dma_semaphore, #tpu.memory_space<semaphore_mem>>) src(%dma_wait3A_181 : memref<10000x128xf32, #tpu.memory_space<hbm>>) dst(%arg21 : memref<80x128xf32, #tpu.memory_space<vmem>>)
      %dma_wait3A_182 = arith.constant 0 : i32
      %dma_wait3A_183 = arith.constant 0 : i32
      %dma_wait3A_184 = tpu.memref_slice %arg3[%dma_wait3A_182, %dma_wait3A_183] : memref<10000x128xf32, #tpu.memory_space<hbm>> -> memref<10000x128xf32, #tpu.memory_space<hbm>>
      tpu.wait_indirect_dma semaphore(%arg31 : memref<!tpu.dma_semaphore, #tpu.memory_space<semaphore_mem>>) src(%dma_wait3A_184 : memref<10000x128xf32, #tpu.memory_space<hbm>>) dst(%arg26 : memref<80x128xf32, #tpu.memory_space<vmem>>)
      %dma_start3A_185 = arith.constant 0 : i32
      %dma_start3A_186 = tpu.memref_slice %arg6[%add3A_178, %dma_start3A_185] : memref<320000x128xf32, #tpu.memory_space<hbm>> -> memref<80x128xf32, #tpu.memory_space<hbm>>
      %dma_start3A_187 = arith.constant 0 : i32
      %dma_start3A_188 = tpu.memref_slice %arg6[%add3A_178, %dma_start3A_187] : memref<320000x128xf32, #tpu.memory_space<hbm>> -> memref<80x128xf32, #tpu.memory_space<hbm>>
      tpu.enqueue_dma source(%arg21 : memref<80x128xf32, #tpu.memory_space<vmem>>) target(%dma_start3A_188 : memref<80x128xf32, #tpu.memory_space<hbm>>) target_semaphore(%arg36 : memref<!tpu.dma_semaphore, #tpu.memory_space<semaphore_mem>>)
      %dma_start3A_189 = arith.constant 0 : i32
      %dma_start3A_190 = tpu.memref_slice %arg7[%add3A_178, %dma_start3A_189] : memref<320000x128xf32, #tpu.memory_space<hbm>> -> memref<80x128xf32, #tpu.memory_space<hbm>>
      %dma_start3A_191 = arith.constant 0 : i32
      %dma_start3A_192 = tpu.memref_slice %arg7[%add3A_178, %dma_start3A_191] : memref<320000x128xf32, #tpu.memory_space<hbm>> -> memref<80x128xf32, #tpu.memory_space<hbm>>
      tpu.enqueue_dma source(%arg26 : memref<80x128xf32, #tpu.memory_space<vmem>>) target(%dma_start3A_192 : memref<80x128xf32, #tpu.memory_space<hbm>>) target_semaphore(%arg36 : memref<!tpu.dma_semaphore, #tpu.memory_space<semaphore_mem>>)
      %lt3A_193 = arith.constant 24 : i32
      %lt3A_194 = arith.cmpi slt, %scan3A_96, %lt3A_193 : i32
      %convert_element_type3A_195 = arith.extui %lt3A_194 : i1 to i32
      %cond3A_196 = arith.constant 0 : i32
      %cond3A_197 = arith.cmpi ne, %convert_element_type3A_195, %cond3A_196 : i32
      scf.if %cond3A_197 {
        %add3A_224 = arith.constant 400 : i32
        %add3A_225 = arith.addi %add3A_178, %add3A_224 : i32
        "tpu.region"() ({
          %run_scoped3A = tpu.sem_alloc : memref<!tpu.dma_semaphore, #tpu.memory_space<semaphore_mem>>
          %dma_start3A_240 = tpu.memref_slice %arg4[%add3A_225] : memref<320000xi32, #tpu.memory_space<hbm>> -> memref<80xi32, #tpu.memory_space<hbm>>
          %dma_start3A_241 = tpu.memref_slice %arg4[%add3A_225] : memref<320000xi32, #tpu.memory_space<hbm>> -> memref<80xi32, #tpu.memory_space<hbm>>
          tpu.enqueue_dma source(%dma_start3A_241 : memref<80xi32, #tpu.memory_space<hbm>>) target(%arg11 : memref<80xi32, #tpu.memory_space<vmem>>) target_semaphore(%run_scoped3A : memref<!tpu.dma_semaphore, #tpu.memory_space<semaphore_mem>>)
          %dma_wait3A_242 = tpu.memref_slice %arg4[%add3A_225] : memref<320000xi32, #tpu.memory_space<hbm>> -> memref<80xi32, #tpu.memory_space<hbm>>
          %dma_wait3A_243 = tpu.memref_slice %arg4[%add3A_225] : memref<320000xi32, #tpu.memory_space<hbm>> -> memref<80xi32, #tpu.memory_space<hbm>>
          tpu.wait_dma2 semaphore(%run_scoped3A : memref<!tpu.dma_semaphore, #tpu.memory_space<semaphore_mem>>) src(%dma_wait3A_243 : memref<80xi32, #tpu.memory_space<hbm>>) dst(%arg11 : memref<80xi32, #tpu.memory_space<vmem>>)
          tpu.yield
        }) : () -> ()
        "tpu.region"() ({
          %run_scoped3A = tpu.sem_alloc : memref<!tpu.dma_semaphore, #tpu.memory_space<semaphore_mem>>
          %dma_start3A_240 = tpu.memref_slice %arg5[%add3A_225] : memref<320000xi32, #tpu.memory_space<hbm>> -> memref<80xi32, #tpu.memory_space<hbm>>
          %dma_start3A_241 = tpu.memref_slice %arg5[%add3A_225] : memref<320000xi32, #tpu.memory_space<hbm>> -> memref<80xi32, #tpu.memory_space<hbm>>
          tpu.enqueue_dma source(%dma_start3A_241 : memref<80xi32, #tpu.memory_space<hbm>>) target(%arg16 : memref<80xi32, #tpu.memory_space<vmem>>) target_semaphore(%run_scoped3A : memref<!tpu.dma_semaphore, #tpu.memory_space<semaphore_mem>>)
          %dma_wait3A_242 = tpu.memref_slice %arg5[%add3A_225] : memref<320000xi32, #tpu.memory_space<hbm>> -> memref<80xi32, #tpu.memory_space<hbm>>
          %dma_wait3A_243 = tpu.memref_slice %arg5[%add3A_225] : memref<320000xi32, #tpu.memory_space<hbm>> -> memref<80xi32, #tpu.memory_space<hbm>>
          tpu.wait_dma2 semaphore(%run_scoped3A : memref<!tpu.dma_semaphore, #tpu.memory_space<semaphore_mem>>) src(%dma_wait3A_243 : memref<80xi32, #tpu.memory_space<hbm>>) dst(%arg16 : memref<80xi32, #tpu.memory_space<vmem>>)
          tpu.yield
        }) : () -> ()
        %dma_wait3A_226 = arith.constant 0 : i32
        %dma_wait3A_227 = tpu.memref_slice %arg6[%add3A_178, %dma_wait3A_226] : memref<320000x128xf32, #tpu.memory_space<hbm>> -> memref<80x128xf32, #tpu.memory_space<hbm>>
        %dma_wait3A_228 = arith.constant 0 : i32
        %dma_wait3A_229 = tpu.memref_slice %arg6[%add3A_178, %dma_wait3A_228] : memref<320000x128xf32, #tpu.memory_space<hbm>> -> memref<80x128xf32, #tpu.memory_space<hbm>>
        tpu.wait_dma2 semaphore(%arg36 : memref<!tpu.dma_semaphore, #tpu.memory_space<semaphore_mem>>) src(%arg21 : memref<80x128xf32, #tpu.memory_space<vmem>>) dst(%dma_wait3A_229 : memref<80x128xf32, #tpu.memory_space<hbm>>)
        %dma_wait3A_230 = arith.constant 0 : i32
        %dma_wait3A_231 = tpu.memref_slice %arg7[%add3A_178, %dma_wait3A_230] : memref<320000x128xf32, #tpu.memory_space<hbm>> -> memref<80x128xf32, #tpu.memory_space<hbm>>
        %dma_wait3A_232 = arith.constant 0 : i32
        %dma_wait3A_233 = tpu.memref_slice %arg7[%add3A_178, %dma_wait3A_232] : memref<320000x128xf32, #tpu.memory_space<hbm>> -> memref<80x128xf32, #tpu.memory_space<hbm>>
        tpu.wait_dma2 semaphore(%arg36 : memref<!tpu.dma_semaphore, #tpu.memory_space<semaphore_mem>>) src(%arg26 : memref<80x128xf32, #tpu.memory_space<vmem>>) dst(%dma_wait3A_233 : memref<80x128xf32, #tpu.memory_space<hbm>>)
        %dma_start3A_234 = arith.constant 0 : i32
        %dma_start3A_235 = arith.constant 0 : i32
        %dma_start3A_236 = tpu.memref_slice %arg2[%dma_start3A_234, %dma_start3A_235] : memref<10000x128xf32, #tpu.memory_space<hbm>> -> memref<10000x128xf32, #tpu.memory_space<hbm>>
        tpu.enqueue_indirect_dma source(%dma_start3A_236 : memref<10000x128xf32, #tpu.memory_space<hbm>>) target(%arg21 : memref<80x128xf32, #tpu.memory_space<vmem>>) offsets(%arg11 : memref<80xi32, #tpu.memory_space<vmem>>) semaphore(%arg31 : memref<!tpu.dma_semaphore, #tpu.memory_space<semaphore_mem>>)
        %dma_start3A_237 = arith.constant 0 : i32
        %dma_start3A_238 = arith.constant 0 : i32
        %dma_start3A_239 = tpu.memref_slice %arg3[%dma_start3A_237, %dma_start3A_238] : memref<10000x128xf32, #tpu.memory_space<hbm>> -> memref<10000x128xf32, #tpu.memory_space<hbm>>
        tpu.enqueue_indirect_dma source(%dma_start3A_239 : memref<10000x128xf32, #tpu.memory_space<hbm>>) target(%arg26 : memref<80x128xf32, #tpu.memory_space<vmem>>) offsets(%arg16 : memref<80xi32, #tpu.memory_space<vmem>>) semaphore(%arg31 : memref<!tpu.dma_semaphore, #tpu.memory_space<semaphore_mem>>)
      } else {
      }
      %mul3A_198 = arith.constant 5 : i32
      %mul3A_199 = arith.muli %mul3A_198, %scan3A_96 : i32
      %add3A_200 = arith.constant 4 : i32
      %add3A_201 = arith.addi %mul3A_199, %add3A_200 : i32
      %mul3A_202 = arith.constant 80 : i32
      %mul3A_203 = arith.muli %add3A_201, %mul3A_202 : i32
      %add3A_204 = arith.addi %mul3A_2, %mul3A_203 : i32
      %dma_wait3A_205 = arith.constant 0 : i32
      %dma_wait3A_206 = arith.constant 0 : i32
      %dma_wait3A_207 = tpu.memref_slice %arg2[%dma_wait3A_205, %dma_wait3A_206] : memref<10000x128xf32, #tpu.memory_space<hbm>> -> memref<10000x128xf32, #tpu.memory_space<hbm>>
      tpu.wait_indirect_dma semaphore(%arg32 : memref<!tpu.dma_semaphore, #tpu.memory_space<semaphore_mem>>) src(%dma_wait3A_207 : memref<10000x128xf32, #tpu.memory_space<hbm>>) dst(%arg22 : memref<80x128xf32, #tpu.memory_space<vmem>>)
      %dma_wait3A_208 = arith.constant 0 : i32
      %dma_wait3A_209 = arith.constant 0 : i32
      %dma_wait3A_210 = tpu.memref_slice %arg3[%dma_wait3A_208, %dma_wait3A_209] : memref<10000x128xf32, #tpu.memory_space<hbm>> -> memref<10000x128xf32, #tpu.memory_space<hbm>>
      tpu.wait_indirect_dma semaphore(%arg32 : memref<!tpu.dma_semaphore, #tpu.memory_space<semaphore_mem>>) src(%dma_wait3A_210 : memref<10000x128xf32, #tpu.memory_space<hbm>>) dst(%arg27 : memref<80x128xf32, #tpu.memory_space<vmem>>)
      %dma_start3A_211 = arith.constant 0 : i32
      %dma_start3A_212 = tpu.memref_slice %arg6[%add3A_204, %dma_start3A_211] : memref<320000x128xf32, #tpu.memory_space<hbm>> -> memref<80x128xf32, #tpu.memory_space<hbm>>
      %dma_start3A_213 = arith.constant 0 : i32
      %dma_start3A_214 = tpu.memref_slice %arg6[%add3A_204, %dma_start3A_213] : memref<320000x128xf32, #tpu.memory_space<hbm>> -> memref<80x128xf32, #tpu.memory_space<hbm>>
      tpu.enqueue_dma source(%arg22 : memref<80x128xf32, #tpu.memory_space<vmem>>) target(%dma_start3A_214 : memref<80x128xf32, #tpu.memory_space<hbm>>) target_semaphore(%arg37 : memref<!tpu.dma_semaphore, #tpu.memory_space<semaphore_mem>>)
      %dma_start3A_215 = arith.constant 0 : i32
      %dma_start3A_216 = tpu.memref_slice %arg7[%add3A_204, %dma_start3A_215] : memref<320000x128xf32, #tpu.memory_space<hbm>> -> memref<80x128xf32, #tpu.memory_space<hbm>>
      %dma_start3A_217 = arith.constant 0 : i32
      %dma_start3A_218 = tpu.memref_slice %arg7[%add3A_204, %dma_start3A_217] : memref<320000x128xf32, #tpu.memory_space<hbm>> -> memref<80x128xf32, #tpu.memory_space<hbm>>
      tpu.enqueue_dma source(%arg27 : memref<80x128xf32, #tpu.memory_space<vmem>>) target(%dma_start3A_218 : memref<80x128xf32, #tpu.memory_space<hbm>>) target_semaphore(%arg37 : memref<!tpu.dma_semaphore, #tpu.memory_space<semaphore_mem>>)
      %lt3A_219 = arith.constant 24 : i32
      %lt3A_220 = arith.cmpi slt, %scan3A_96, %lt3A_219 : i32
      %convert_element_type3A_221 = arith.extui %lt3A_220 : i1 to i32
      %cond3A_222 = arith.constant 0 : i32
      %cond3A_223 = arith.cmpi ne, %convert_element_type3A_221, %cond3A_222 : i32
      scf.if %cond3A_223 {
        %add3A_224 = arith.constant 400 : i32
        %add3A_225 = arith.addi %add3A_204, %add3A_224 : i32
        "tpu.region"() ({
          %run_scoped3A = tpu.sem_alloc : memref<!tpu.dma_semaphore, #tpu.memory_space<semaphore_mem>>
          %dma_start3A_240 = tpu.memref_slice %arg4[%add3A_225] : memref<320000xi32, #tpu.memory_space<hbm>> -> memref<80xi32, #tpu.memory_space<hbm>>
          %dma_start3A_241 = tpu.memref_slice %arg4[%add3A_225] : memref<320000xi32, #tpu.memory_space<hbm>> -> memref<80xi32, #tpu.memory_space<hbm>>
          tpu.enqueue_dma source(%dma_start3A_241 : memref<80xi32, #tpu.memory_space<hbm>>) target(%arg12 : memref<80xi32, #tpu.memory_space<vmem>>) target_semaphore(%run_scoped3A : memref<!tpu.dma_semaphore, #tpu.memory_space<semaphore_mem>>)
          %dma_wait3A_242 = tpu.memref_slice %arg4[%add3A_225] : memref<320000xi32, #tpu.memory_space<hbm>> -> memref<80xi32, #tpu.memory_space<hbm>>
          %dma_wait3A_243 = tpu.memref_slice %arg4[%add3A_225] : memref<320000xi32, #tpu.memory_space<hbm>> -> memref<80xi32, #tpu.memory_space<hbm>>
          tpu.wait_dma2 semaphore(%run_scoped3A : memref<!tpu.dma_semaphore, #tpu.memory_space<semaphore_mem>>) src(%dma_wait3A_243 : memref<80xi32, #tpu.memory_space<hbm>>) dst(%arg12 : memref<80xi32, #tpu.memory_space<vmem>>)
          tpu.yield
        }) : () -> ()
        "tpu.region"() ({
          %run_scoped3A = tpu.sem_alloc : memref<!tpu.dma_semaphore, #tpu.memory_space<semaphore_mem>>
          %dma_start3A_240 = tpu.memref_slice %arg5[%add3A_225] : memref<320000xi32, #tpu.memory_space<hbm>> -> memref<80xi32, #tpu.memory_space<hbm>>
          %dma_start3A_241 = tpu.memref_slice %arg5[%add3A_225] : memref<320000xi32, #tpu.memory_space<hbm>> -> memref<80xi32, #tpu.memory_space<hbm>>
          tpu.enqueue_dma source(%dma_start3A_241 : memref<80xi32, #tpu.memory_space<hbm>>) target(%arg17 : memref<80xi32, #tpu.memory_space<vmem>>) target_semaphore(%run_scoped3A : memref<!tpu.dma_semaphore, #tpu.memory_space<semaphore_mem>>)
          %dma_wait3A_242 = tpu.memref_slice %arg5[%add3A_225] : memref<320000xi32, #tpu.memory_space<hbm>> -> memref<80xi32, #tpu.memory_space<hbm>>
          %dma_wait3A_243 = tpu.memref_slice %arg5[%add3A_225] : memref<320000xi32, #tpu.memory_space<hbm>> -> memref<80xi32, #tpu.memory_space<hbm>>
          tpu.wait_dma2 semaphore(%run_scoped3A : memref<!tpu.dma_semaphore, #tpu.memory_space<semaphore_mem>>) src(%dma_wait3A_243 : memref<80xi32, #tpu.memory_space<hbm>>) dst(%arg17 : memref<80xi32, #tpu.memory_space<vmem>>)
          tpu.yield
        }) : () -> ()
        %dma_wait3A_226 = arith.constant 0 : i32
        %dma_wait3A_227 = tpu.memref_slice %arg6[%add3A_204, %dma_wait3A_226] : memref<320000x128xf32, #tpu.memory_space<hbm>> -> memref<80x128xf32, #tpu.memory_space<hbm>>
        %dma_wait3A_228 = arith.constant 0 : i32
        %dma_wait3A_229 = tpu.memref_slice %arg6[%add3A_204, %dma_wait3A_228] : memref<320000x128xf32, #tpu.memory_space<hbm>> -> memref<80x128xf32, #tpu.memory_space<hbm>>
        tpu.wait_dma2 semaphore(%arg37 : memref<!tpu.dma_semaphore, #tpu.memory_space<semaphore_mem>>) src(%arg22 : memref<80x128xf32, #tpu.memory_space<vmem>>) dst(%dma_wait3A_229 : memref<80x128xf32, #tpu.memory_space<hbm>>)
        %dma_wait3A_230 = arith.constant 0 : i32
        %dma_wait3A_231 = tpu.memref_slice %arg7[%add3A_204, %dma_wait3A_230] : memref<320000x128xf32, #tpu.memory_space<hbm>> -> memref<80x128xf32, #tpu.memory_space<hbm>>
        %dma_wait3A_232 = arith.constant 0 : i32
        %dma_wait3A_233 = tpu.memref_slice %arg7[%add3A_204, %dma_wait3A_232] : memref<320000x128xf32, #tpu.memory_space<hbm>> -> memref<80x128xf32, #tpu.memory_space<hbm>>
        tpu.wait_dma2 semaphore(%arg37 : memref<!tpu.dma_semaphore, #tpu.memory_space<semaphore_mem>>) src(%arg27 : memref<80x128xf32, #tpu.memory_space<vmem>>) dst(%dma_wait3A_233 : memref<80x128xf32, #tpu.memory_space<hbm>>)
        %dma_start3A_234 = arith.constant 0 : i32
        %dma_start3A_235 = arith.constant 0 : i32
        %dma_start3A_236 = tpu.memref_slice %arg2[%dma_start3A_234, %dma_start3A_235] : memref<10000x128xf32, #tpu.memory_space<hbm>> -> memref<10000x128xf32, #tpu.memory_space<hbm>>
        tpu.enqueue_indirect_dma source(%dma_start3A_236 : memref<10000x128xf32, #tpu.memory_space<hbm>>) target(%arg22 : memref<80x128xf32, #tpu.memory_space<vmem>>) offsets(%arg12 : memref<80xi32, #tpu.memory_space<vmem>>) semaphore(%arg32 : memref<!tpu.dma_semaphore, #tpu.memory_space<semaphore_mem>>)
        %dma_start3A_237 = arith.constant 0 : i32
        %dma_start3A_238 = arith.constant 0 : i32
        %dma_start3A_239 = tpu.memref_slice %arg3[%dma_start3A_237, %dma_start3A_238] : memref<10000x128xf32, #tpu.memory_space<hbm>> -> memref<10000x128xf32, #tpu.memory_space<hbm>>
        tpu.enqueue_indirect_dma source(%dma_start3A_239 : memref<10000x128xf32, #tpu.memory_space<hbm>>) target(%arg27 : memref<80x128xf32, #tpu.memory_space<vmem>>) offsets(%arg17 : memref<80xi32, #tpu.memory_space<vmem>>) semaphore(%arg32 : memref<!tpu.dma_semaphore, #tpu.memory_space<semaphore_mem>>)
      } else {
      }
    }
    %scan3A_46 = arith.constant 25 : i32
    %add3A_47 = arith.constant 9600 : i32
    %add3A_48 = arith.addi %mul3A_2, %add3A_47 : i32
    %dma_wait3A = arith.constant 0 : i32
    %dma_wait3A_49 = tpu.memref_slice %arg6[%add3A_48, %dma_wait3A] : memref<320000x128xf32, #tpu.memory_space<hbm>> -> memref<80x128xf32, #tpu.memory_space<hbm>>
    %dma_wait3A_50 = arith.constant 0 : i32
    %dma_wait3A_51 = tpu.memref_slice %arg6[%add3A_48, %dma_wait3A_50] : memref<320000x128xf32, #tpu.memory_space<hbm>> -> memref<80x128xf32, #tpu.memory_space<hbm>>
    tpu.wait_dma2 semaphore(%arg33 : memref<!tpu.dma_semaphore, #tpu.memory_space<semaphore_mem>>) src(%arg18 : memref<80x128xf32, #tpu.memory_space<vmem>>) dst(%dma_wait3A_51 : memref<80x128xf32, #tpu.memory_space<hbm>>)
    %dma_wait3A_52 = arith.constant 0 : i32
    %dma_wait3A_53 = tpu.memref_slice %arg7[%add3A_48, %dma_wait3A_52] : memref<320000x128xf32, #tpu.memory_space<hbm>> -> memref<80x128xf32, #tpu.memory_space<hbm>>
    %dma_wait3A_54 = arith.constant 0 : i32
    %dma_wait3A_55 = tpu.memref_slice %arg7[%add3A_48, %dma_wait3A_54] : memref<320000x128xf32, #tpu.memory_space<hbm>> -> memref<80x128xf32, #tpu.memory_space<hbm>>
    tpu.wait_dma2 semaphore(%arg33 : memref<!tpu.dma_semaphore, #tpu.memory_space<semaphore_mem>>) src(%arg23 : memref<80x128xf32, #tpu.memory_space<vmem>>) dst(%dma_wait3A_55 : memref<80x128xf32, #tpu.memory_space<hbm>>)
    %add3A_56 = arith.constant 9680 : i32
    %add3A_57 = arith.addi %mul3A_2, %add3A_56 : i32
    %dma_wait3A_58 = arith.constant 0 : i32
    %dma_wait3A_59 = tpu.memref_slice %arg6[%add3A_57, %dma_wait3A_58] : memref<320000x128xf32, #tpu.memory_space<hbm>> -> memref<80x128xf32, #tpu.memory_space<hbm>>
    %dma_wait3A_60 = arith.constant 0 : i32
    %dma_wait3A_61 = tpu.memref_slice %arg6[%add3A_57, %dma_wait3A_60] : memref<320000x128xf32, #tpu.memory_space<hbm>> -> memref<80x128xf32, #tpu.memory_space<hbm>>
    tpu.wait_dma2 semaphore(%arg34 : memref<!tpu.dma_semaphore, #tpu.memory_space<semaphore_mem>>) src(%arg19 : memref<80x128xf32, #tpu.memory_space<vmem>>) dst(%dma_wait3A_61 : memref<80x128xf32, #tpu.memory_space<hbm>>)
    %dma_wait3A_62 = arith.constant 0 : i32
    %dma_wait3A_63 = tpu.memref_slice %arg7[%add3A_57, %dma_wait3A_62] : memref<320000x128xf32, #tpu.memory_space<hbm>> -> memref<80x128xf32, #tpu.memory_space<hbm>>
    %dma_wait3A_64 = arith.constant 0 : i32
    %dma_wait3A_65 = tpu.memref_slice %arg7[%add3A_57, %dma_wait3A_64] : memref<320000x128xf32, #tpu.memory_space<hbm>> -> memref<80x128xf32, #tpu.memory_space<hbm>>
    tpu.wait_dma2 semaphore(%arg34 : memref<!tpu.dma_semaphore, #tpu.memory_space<semaphore_mem>>) src(%arg24 : memref<80x128xf32, #tpu.memory_space<vmem>>) dst(%dma_wait3A_65 : memref<80x128xf32, #tpu.memory_space<hbm>>)
    %add3A_66 = arith.constant 9760 : i32
    %add3A_67 = arith.addi %mul3A_2, %add3A_66 : i32
    %dma_wait3A_68 = arith.constant 0 : i32
    %dma_wait3A_69 = tpu.memref_slice %arg6[%add3A_67, %dma_wait3A_68] : memref<320000x128xf32, #tpu.memory_space<hbm>> -> memref<80x128xf32, #tpu.memory_space<hbm>>
    %dma_wait3A_70 = arith.constant 0 : i32
    %dma_wait3A_71 = tpu.memref_slice %arg6[%add3A_67, %dma_wait3A_70] : memref<320000x128xf32, #tpu.memory_space<hbm>> -> memref<80x128xf32, #tpu.memory_space<hbm>>
    tpu.wait_dma2 semaphore(%arg35 : memref<!tpu.dma_semaphore, #tpu.memory_space<semaphore_mem>>) src(%arg20 : memref<80x128xf32, #tpu.memory_space<vmem>>) dst(%dma_wait3A_71 : memref<80x128xf32, #tpu.memory_space<hbm>>)
    %dma_wait3A_72 = arith.constant 0 : i32
    %dma_wait3A_73 = tpu.memref_slice %arg7[%add3A_67, %dma_wait3A_72] : memref<320000x128xf32, #tpu.memory_space<hbm>> -> memref<80x128xf32, #tpu.memory_space<hbm>>
    %dma_wait3A_74 = arith.constant 0 : i32
    %dma_wait3A_75 = tpu.memref_slice %arg7[%add3A_67, %dma_wait3A_74] : memref<320000x128xf32, #tpu.memory_space<hbm>> -> memref<80x128xf32, #tpu.memory_space<hbm>>
    tpu.wait_dma2 semaphore(%arg35 : memref<!tpu.dma_semaphore, #tpu.memory_space<semaphore_mem>>) src(%arg25 : memref<80x128xf32, #tpu.memory_space<vmem>>) dst(%dma_wait3A_75 : memref<80x128xf32, #tpu.memory_space<hbm>>)
    %add3A_76 = arith.constant 9840 : i32
    %add3A_77 = arith.addi %mul3A_2, %add3A_76 : i32
    %dma_wait3A_78 = arith.constant 0 : i32
    %dma_wait3A_79 = tpu.memref_slice %arg6[%add3A_77, %dma_wait3A_78] : memref<320000x128xf32, #tpu.memory_space<hbm>> -> memref<80x128xf32, #tpu.memory_space<hbm>>
    %dma_wait3A_80 = arith.constant 0 : i32
    %dma_wait3A_81 = tpu.memref_slice %arg6[%add3A_77, %dma_wait3A_80] : memref<320000x128xf32, #tpu.memory_space<hbm>> -> memref<80x128xf32, #tpu.memory_space<hbm>>
    tpu.wait_dma2 semaphore(%arg36 : memref<!tpu.dma_semaphore, #tpu.memory_space<semaphore_mem>>) src(%arg21 : memref<80x128xf32, #tpu.memory_space<vmem>>) dst(%dma_wait3A_81 : memref<80x128xf32, #tpu.memory_space<hbm>>)
    %dma_wait3A_82 = arith.constant 0 : i32
    %dma_wait3A_83 = tpu.memref_slice %arg7[%add3A_77, %dma_wait3A_82] : memref<320000x128xf32, #tpu.memory_space<hbm>> -> memref<80x128xf32, #tpu.memory_space<hbm>>
    %dma_wait3A_84 = arith.constant 0 : i32
    %dma_wait3A_85 = tpu.memref_slice %arg7[%add3A_77, %dma_wait3A_84] : memref<320000x128xf32, #tpu.memory_space<hbm>> -> memref<80x128xf32, #tpu.memory_space<hbm>>
    tpu.wait_dma2 semaphore(%arg36 : memref<!tpu.dma_semaphore, #tpu.memory_space<semaphore_mem>>) src(%arg26 : memref<80x128xf32, #tpu.memory_space<vmem>>) dst(%dma_wait3A_85 : memref<80x128xf32, #tpu.memory_space<hbm>>)
    %add3A_86 = arith.constant 9920 : i32
    %add3A_87 = arith.addi %mul3A_2, %add3A_86 : i32
    %dma_wait3A_88 = arith.constant 0 : i32
    %dma_wait3A_89 = tpu.memref_slice %arg6[%add3A_87, %dma_wait3A_88] : memref<320000x128xf32, #tpu.memory_space<hbm>> -> memref<80x128xf32, #tpu.memory_space<hbm>>
    %dma_wait3A_90 = arith.constant 0 : i32
    %dma_wait3A_91 = tpu.memref_slice %arg6[%add3A_87, %dma_wait3A_90] : memref<320000x128xf32, #tpu.memory_space<hbm>> -> memref<80x128xf32, #tpu.memory_space<hbm>>
    tpu.wait_dma2 semaphore(%arg37 : memref<!tpu.dma_semaphore, #tpu.memory_space<semaphore_mem>>) src(%arg22 : memref<80x128xf32, #tpu.memory_space<vmem>>) dst(%dma_wait3A_91 : memref<80x128xf32, #tpu.memory_space<hbm>>)
    %dma_wait3A_92 = arith.constant 0 : i32
    %dma_wait3A_93 = tpu.memref_slice %arg7[%add3A_87, %dma_wait3A_92] : memref<320000x128xf32, #tpu.memory_space<hbm>> -> memref<80x128xf32, #tpu.memory_space<hbm>>
    %dma_wait3A_94 = arith.constant 0 : i32
    %dma_wait3A_95 = tpu.memref_slice %arg7[%add3A_87, %dma_wait3A_94] : memref<320000x128xf32, #tpu.memory_space<hbm>> -> memref<80x128xf32, #tpu.memory_space<hbm>>
    tpu.wait_dma2 semaphore(%arg37 : memref<!tpu.dma_semaphore, #tpu.memory_space<semaphore_mem>>) src(%arg27 : memref<80x128xf32, #tpu.memory_space<vmem>>) dst(%dma_wait3A_95 : memref<80x128xf32, #tpu.memory_space<hbm>>)
    return
  }
}

module attributes {stable_mosaic.version = 14 : i64} {
  func.func @_final_kernel(%arg0: i32, %arg1: memref<2000x128xf32, #tpu.memory_space<vmem>>, %arg2: memref<2000x128xf32, #tpu.memory_space<vmem>>, %arg3: memref<128x128xf32, #tpu.memory_space<vmem>>, %arg4: memref<1x128xf32, #tpu.memory_space<vmem>>, %arg5: memref<128x128xf32, #tpu.memory_space<vmem>>, %arg6: memref<1x128xf32, #tpu.memory_space<vmem>>, %arg7: memref<2000x128xf32, #tpu.memory_space<vmem>>) attributes {dimension_semantics = [#tpu.dimension_semantics<arbitrary>], iteration_bounds = array<i64: 5>, scalar_prefetch = 0 : i64, scratch_operands = 0 : i64, tpu.core_type = #tpu.core_type<tc>, window_params = [{transform_indices = @transform_0, window_bounds = array<i64: 2000, 128>}, {transform_indices = @transform_1, window_bounds = array<i64: 2000, 128>}, {pipeline_mode = #tpu.pipeline_mode<synchronous>, transform_indices = @transform_2, window_bounds = array<i64: 128, 128>}, {pipeline_mode = #tpu.pipeline_mode<synchronous>, transform_indices = @transform_3, window_bounds = array<i64: 1, 128>}, {pipeline_mode = #tpu.pipeline_mode<synchronous>, transform_indices = @transform_4, window_bounds = array<i64: 128, 128>}, {pipeline_mode = #tpu.pipeline_mode<synchronous>, transform_indices = @transform_5, window_bounds = array<i64: 1, 128>}, {transform_indices = @transform_6, window_bounds = array<i64: 2000, 128>}]} {
    %get3A = arith.constant 0 : index
    %get3A_0 = arith.constant 0 : index
    %get3A_1 = vector.load %arg2[%get3A, %get3A_0] : memref<2000x128xf32, #tpu.memory_space<vmem>>, vector<2000x128xf32>
    %add3A = arith.constant 1.000000e-16 : f32
    %add3A_2 = vector.broadcast %add3A : f32 to vector<2000x128xf32>
    %add3A_3 = arith.addf %get3A_1, %add3A_2 : vector<2000x128xf32>
    %get3A_4 = arith.constant 0 : index
    %get3A_5 = arith.constant 0 : index
    %get3A_6 = vector.load %arg1[%get3A_4, %get3A_5] : memref<2000x128xf32, #tpu.memory_space<vmem>>, vector<2000x128xf32>
    %div3A = arith.divf %get3A_6, %add3A_3 : vector<2000x128xf32>
    %max3A = arith.constant 0.000000e+00 : f32
    %max3A_7 = vector.broadcast %max3A : f32 to vector<2000x128xf32>
    %max3A_8 = arith.maximumf %div3A, %max3A_7 : vector<2000x128xf32>
    %get3A_9 = arith.constant 0 : index
    %get3A_10 = arith.constant 0 : index
    %get3A_11 = vector.load %arg3[%get3A_9, %get3A_10] : memref<128x128xf32, #tpu.memory_space<vmem>>, vector<128x128xf32>
    %dot_general3A = arith.constant dense<0.000000e+00> : vector<2000x128xf32>
    %dot_general3A_12 = tpu.matmul %max3A_8, %get3A_11, %dot_general3A {dimension_numbers = #tpu.dot_dimension_numbers<[1], [0], [0], [1], [0, 0, 1, 1], [], []>, transpose_lhs_hint = false} : vector<2000x128xf32>, vector<128x128xf32>, vector<2000x128xf32> -> vector<2000x128xf32>
    %get3A_13 = arith.constant 0 : index
    %get3A_14 = arith.constant 0 : index
    %get3A_15 = vector.load %arg4[%get3A_13, %get3A_14] : memref<1x128xf32, #tpu.memory_space<vmem>>, vector<1x128xf32>
    %add3A_16 = vector.broadcast %get3A_15 : vector<1x128xf32> to vector<2000x128xf32>
    %add3A_17 = arith.addf %dot_general3A_12, %add3A_16 : vector<2000x128xf32>
    %add3A_18 = arith.addf %add3A_17, %max3A_8 : vector<2000x128xf32>
    %max3A_19 = arith.constant 0.000000e+00 : f32
    %max3A_20 = vector.broadcast %max3A_19 : f32 to vector<2000x128xf32>
    %max3A_21 = arith.maximumf %add3A_18, %max3A_20 : vector<2000x128xf32>
    %get3A_22 = arith.constant 0 : index
    %get3A_23 = arith.constant 0 : index
    %get3A_24 = vector.load %arg5[%get3A_22, %get3A_23] : memref<128x128xf32, #tpu.memory_space<vmem>>, vector<128x128xf32>
    %dot_general3A_25 = arith.constant dense<0.000000e+00> : vector<2000x128xf32>
    %dot_general3A_26 = tpu.matmul %max3A_21, %get3A_24, %dot_general3A_25 {dimension_numbers = #tpu.dot_dimension_numbers<[1], [0], [0], [1], [0, 0, 1, 1], [], []>, transpose_lhs_hint = false} : vector<2000x128xf32>, vector<128x128xf32>, vector<2000x128xf32> -> vector<2000x128xf32>
    %get3A_27 = arith.constant 0 : index
    %get3A_28 = arith.constant 0 : index
    %get3A_29 = vector.load %arg6[%get3A_27, %get3A_28] : memref<1x128xf32, #tpu.memory_space<vmem>>, vector<1x128xf32>
    %add3A_30 = vector.broadcast %get3A_29 : vector<1x128xf32> to vector<2000x128xf32>
    %add3A_31 = arith.addf %dot_general3A_26, %add3A_30 : vector<2000x128xf32>
    %add3A_32 = arith.addf %add3A_31, %max3A_21 : vector<2000x128xf32>
    %max3A_33 = arith.constant 0.000000e+00 : f32
    %max3A_34 = vector.broadcast %max3A_33 : f32 to vector<2000x128xf32>
    %max3A_35 = arith.maximumf %add3A_32, %max3A_34 : vector<2000x128xf32>
    %swap3A = arith.constant 0 : index
    %swap3A_36 = arith.constant 0 : index
    %swap3A_37 = vector.load %arg7[%swap3A, %swap3A_36] : memref<2000x128xf32, #tpu.memory_space<vmem>>, vector<2000x128xf32>
    tpu.vector_store %arg7[%swap3A, %swap3A_36], %max3A_35 {strides = array<i32>} : memref<2000x128xf32, #tpu.memory_space<vmem>>, vector<2000x128xf32>,
    return
  }
  func.func @transform_0(%arg0: i32) -> (i32, i32) {
    %c0_i32 = arith.constant 0 : i32
    %c0_i32_0 = arith.constant 0 : i32
    return %arg0, %c0_i32 : i32, i32
  }
  func.func @transform_1(%arg0: i32) -> (i32, i32) {
    %c0_i32 = arith.constant 0 : i32
    %c0_i32_0 = arith.constant 0 : i32
    return %arg0, %c0_i32 : i32, i32
  }
  func.func @transform_2(%arg0: i32) -> (i32, i32) {
    %c0_i32 = arith.constant 0 : i32
    %c0_i32_0 = arith.constant 0 : i32
    %c0_i32_1 = arith.constant 0 : i32
    return %c0_i32, %c0_i32_0 : i32, i32
  }
  func.func @transform_3(%arg0: i32) -> (i32, i32) {
    %c0_i32 = arith.constant 0 : i32
    %c0_i32_0 = arith.constant 0 : i32
    %c0_i32_1 = arith.constant 0 : i32
    return %c0_i32, %c0_i32_0 : i32, i32
  }
  func.func @transform_4(%arg0: i32) -> (i32, i32) {
    %c0_i32 = arith.constant 0 : i32
    %c0_i32_0 = arith.constant 0 : i32
    %c0_i32_1 = arith.constant 0 : i32
    return %c0_i32, %c0_i32_0 : i32, i32
  }
  func.func @transform_5(%arg0: i32) -> (i32, i32) {
    %c0_i32 = arith.constant 0 : i32
    %c0_i32_0 = arith.constant 0 : i32
    %c0_i32_1 = arith.constant 0 : i32
    return %c0_i32, %c0_i32_0 : i32, i32
  }
  func.func @transform_6(%arg0: i32) -> (i32, i32) {
    %c0_i32 = arith.constant 0 : i32
    %c0_i32_0 = arith.constant 0 : i32
    return %arg0, %c0_i32 : i32, i32
  }
}

module attributes {stable_mosaic.version = 14 : i64} {
  func.func @_edge_kernel(%arg0: i32, %arg1: memref<1280x128xf32, #tpu.memory_space<vmem>>, %arg2: memref<1280x128xf32, #tpu.memory_space<vmem>>, %arg3: memref<1280x16xf32, #tpu.memory_space<vmem>>, %arg4: memref<128x256xbf16, #tpu.memory_space<vmem>>, %arg5: memref<128x256xbf16, #tpu.memory_space<vmem>>, %arg6: memref<16x256xf32, #tpu.memory_space<vmem>>, %arg7: memref<1x256xf32, #tpu.memory_space<vmem>>, %arg8: memref<128x8xf32, #tpu.memory_space<vmem>>, %arg9: memref<1x8xf32, #tpu.memory_space<vmem>>, %arg10: memref<128x128xbf16, #tpu.memory_space<vmem>>, %arg11: memref<1x128xf32, #tpu.memory_space<vmem>>, %arg12: memref<8x128xf32, #tpu.memory_space<vmem>>, %arg13: memref<1280x128xf32, #tpu.memory_space<vmem>>, %arg14: memref<1280x128xf32, #tpu.memory_space<vmem>>) attributes {dimension_semantics = [#tpu.dimension_semantics<arbitrary>], iteration_bounds = array<i64: 250>, scalar_prefetch = 0 : i64, scratch_operands = 0 : i64, tpu.core_type = #tpu.core_type<tc>, window_params = [{transform_indices = @transform_0, window_bounds = array<i64: 1280, 128>}, {transform_indices = @transform_1, window_bounds = array<i64: 1280, 128>}, {transform_indices = @transform_2, window_bounds = array<i64: 1280, 16>}, {pipeline_mode = #tpu.pipeline_mode<synchronous>, transform_indices = @transform_3, window_bounds = array<i64: 128, 256>}, {pipeline_mode = #tpu.pipeline_mode<synchronous>, transform_indices = @transform_4, window_bounds = array<i64: 128, 256>}, {pipeline_mode = #tpu.pipeline_mode<synchronous>, transform_indices = @transform_5, window_bounds = array<i64: 16, 256>}, {pipeline_mode = #tpu.pipeline_mode<synchronous>, transform_indices = @transform_6, window_bounds = array<i64: 1, 256>}, {pipeline_mode = #tpu.pipeline_mode<synchronous>, transform_indices = @transform_7, window_bounds = array<i64: 128, 8>}, {pipeline_mode = #tpu.pipeline_mode<synchronous>, transform_indices = @transform_8, window_bounds = array<i64: 1, 8>}, {pipeline_mode = #tpu.pipeline_mode<synchronous>, transform_indices = @transform_9, window_bounds = array<i64: 128, 128>}, {pipeline_mode = #tpu.pipeline_mode<synchronous>, transform_indices = @transform_10, window_bounds = array<i64: 1, 128>}, {pipeline_mode = #tpu.pipeline_mode<synchronous>, transform_indices = @transform_11, window_bounds = array<i64: 8, 128>}, {transform_indices = @transform_12, window_bounds = array<i64: 1280, 128>}, {transform_indices = @transform_13, window_bounds = array<i64: 1280, 128>}]} {
    %get3A = arith.constant 0 : index
    %get3A_0 = arith.constant 0 : index
    %get3A_1 = vector.load %arg1[%get3A, %get3A_0] : memref<1280x128xf32, #tpu.memory_space<vmem>>, vector<1280x128xf32>
    %convert_element_type3A = arith.truncf %get3A_1 : vector<1280x128xf32> to vector<1280x128xbf16>
    %get3A_2 = arith.constant 0 : index
    %get3A_3 = arith.constant 0 : index
    %get3A_4 = vector.load %arg4[%get3A_2, %get3A_3] : memref<128x256xbf16, #tpu.memory_space<vmem>>, vector<128x256xbf16>
    %dot_general3A = arith.constant dense<0.000000e+00> : vector<1280x256xf32>
    %dot_general3A_5 = tpu.matmul %convert_element_type3A, %get3A_4, %dot_general3A {dimension_numbers = #tpu.dot_dimension_numbers<[1], [0], [0], [1], [0, 0, 1, 1], [], []>, transpose_lhs_hint = false} : vector<1280x128xbf16>, vector<128x256xbf16>, vector<1280x256xf32> -> vector<1280x256xf32>
    %get3A_6 = arith.constant 0 : index
    %get3A_7 = arith.constant 0 : index
    %get3A_8 = vector.load %arg2[%get3A_6, %get3A_7] : memref<1280x128xf32, #tpu.memory_space<vmem>>, vector<1280x128xf32>
    %convert_element_type3A_9 = arith.truncf %get3A_8 : vector<1280x128xf32> to vector<1280x128xbf16>
    %get3A_10 = arith.constant 0 : index
    %get3A_11 = arith.constant 0 : index
    %get3A_12 = vector.load %arg5[%get3A_10, %get3A_11] : memref<128x256xbf16, #tpu.memory_space<vmem>>, vector<128x256xbf16>
    %dot_general3A_13 = arith.constant dense<0.000000e+00> : vector<1280x256xf32>
    %dot_general3A_14 = tpu.matmul %convert_element_type3A_9, %get3A_12, %dot_general3A_13 {dimension_numbers = #tpu.dot_dimension_numbers<[1], [0], [0], [1], [0, 0, 1, 1], [], []>, transpose_lhs_hint = false} : vector<1280x128xbf16>, vector<128x256xbf16>, vector<1280x256xf32> -> vector<1280x256xf32>
    %add3A = arith.addf %dot_general3A_5, %dot_general3A_14 : vector<1280x256xf32>
    %get3A_15 = arith.constant 0 : index
    %get3A_16 = arith.constant 0 : index
    %get3A_17 = vector.load %arg3[%get3A_15, %get3A_16] : memref<1280x16xf32, #tpu.memory_space<vmem>>, vector<1280x16xf32>
    %get3A_18 = arith.constant 0 : index
    %get3A_19 = arith.constant 0 : index
    %get3A_20 = vector.load %arg6[%get3A_18, %get3A_19] : memref<16x256xf32, #tpu.memory_space<vmem>>, vector<16x256xf32>
    %dot_general3A_21 = arith.constant dense<0.000000e+00> : vector<1280x256xf32>
    %dot_general3A_22 = tpu.matmul %get3A_17, %get3A_20, %dot_general3A_21 {dimension_numbers = #tpu.dot_dimension_numbers<[1], [0], [0], [1], [0, 0, 1, 1], [], []>, transpose_lhs_hint = false} : vector<1280x16xf32>, vector<16x256xf32>, vector<1280x256xf32> -> vector<1280x256xf32>
    %add3A_23 = arith.addf %add3A, %dot_general3A_22 : vector<1280x256xf32>
    %get3A_24 = arith.constant 0 : index
    %get3A_25 = arith.constant 0 : index
    %get3A_26 = vector.load %arg7[%get3A_24, %get3A_25] : memref<1x256xf32, #tpu.memory_space<vmem>>, vector<1x256xf32>
    %add3A_27 = vector.broadcast %get3A_26 : vector<1x256xf32> to vector<1280x256xf32>
    %add3A_28 = arith.addf %add3A_23, %add3A_27 : vector<1280x256xf32>
    %max3A = arith.constant 0.000000e+00 : f32
    %max3A_29 = vector.broadcast %max3A : f32 to vector<1280x256xf32>
    %max3A_30 = arith.maximumf %add3A_28, %max3A_29 : vector<1280x256xf32>
    %slice3A = vector.extract_strided_slice %max3A_30 {offsets = [0, 0], sizes = [1280, 128], strides = [1, 1]} : vector<1280x256xf32> to vector<1280x128xf32>
    %slice3A_31 = vector.extract_strided_slice %max3A_30 {offsets = [0, 128], sizes = [1280, 128], strides = [1, 1]} : vector<1280x256xf32> to vector<1280x128xf32>
    %get3A_32 = arith.constant 0 : index
    %get3A_33 = arith.constant 0 : index
    %get3A_34 = vector.load %arg8[%get3A_32, %get3A_33] : memref<128x8xf32, #tpu.memory_space<vmem>>, vector<128x8xf32>
    %dot_general3A_35 = arith.constant dense<0.000000e+00> : vector<1280x8xf32>
    %dot_general3A_36 = tpu.matmul %slice3A, %get3A_34, %dot_general3A_35 {dimension_numbers = #tpu.dot_dimension_numbers<[1], [0], [0], [1], [0, 0, 1, 1], [], []>, transpose_lhs_hint = false} : vector<1280x128xf32>, vector<128x8xf32>, vector<1280x8xf32> -> vector<1280x8xf32>
    %get3A_37 = arith.constant 0 : index
    %get3A_38 = arith.constant 0 : index
    %get3A_39 = vector.load %arg9[%get3A_37, %get3A_38] : memref<1x8xf32, #tpu.memory_space<vmem>>, vector<1x8xf32>
    %add3A_40 = vector.broadcast %get3A_39 : vector<1x8xf32> to vector<1280x8xf32>
    %add3A_41 = arith.addf %dot_general3A_36, %add3A_40 : vector<1280x8xf32>
    %exp3A = math.exp %add3A_41 : vector<1280x8xf32>
    %convert_element_type3A_42 = arith.truncf %slice3A_31 : vector<1280x128xf32> to vector<1280x128xbf16>
    %get3A_43 = arith.constant 0 : index
    %get3A_44 = arith.constant 0 : index
    %get3A_45 = vector.load %arg10[%get3A_43, %get3A_44] : memref<128x128xbf16, #tpu.memory_space<vmem>>, vector<128x128xbf16>
    %dot_general3A_46 = arith.constant dense<0.000000e+00> : vector<1280x128xf32>
    %dot_general3A_47 = tpu.matmul %convert_element_type3A_42, %get3A_45, %dot_general3A_46 {dimension_numbers = #tpu.dot_dimension_numbers<[1], [0], [0], [1], [0, 0, 1, 1], [], []>, transpose_lhs_hint = false} : vector<1280x128xbf16>, vector<128x128xbf16>, vector<1280x128xf32> -> vector<1280x128xf32>
    %get3A_48 = arith.constant 0 : index
    %get3A_49 = arith.constant 0 : index
    %get3A_50 = vector.load %arg11[%get3A_48, %get3A_49] : memref<1x128xf32, #tpu.memory_space<vmem>>, vector<1x128xf32>
    %add3A_51 = vector.broadcast %get3A_50 : vector<1x128xf32> to vector<1280x128xf32>
    %add3A_52 = arith.addf %dot_general3A_47, %add3A_51 : vector<1280x128xf32>
    %add3A_53 = arith.addf %add3A_52, %slice3A_31 : vector<1280x128xf32>
    %get3A_54 = arith.constant 0 : index
    %get3A_55 = arith.constant 0 : index
    %get3A_56 = vector.load %arg12[%get3A_54, %get3A_55] : memref<8x128xf32, #tpu.memory_space<vmem>>, vector<8x128xf32>
    %dot_general3A_57 = arith.constant dense<0.000000e+00> : vector<1280x128xf32>
    %dot_general3A_58 = tpu.matmul %exp3A, %get3A_56, %dot_general3A_57 {dimension_numbers = #tpu.dot_dimension_numbers<[1], [0], [0], [1], [0, 0, 1, 1], [], []>, transpose_lhs_hint = false} : vector<1280x8xf32>, vector<8x128xf32>, vector<1280x128xf32> -> vector<1280x128xf32>
    %mul3A = arith.mulf %add3A_53, %dot_general3A_58 : vector<1280x128xf32>
    %swap3A = arith.constant 0 : index
    %swap3A_59 = arith.constant 0 : index
    %swap3A_60 = vector.load %arg13[%swap3A, %swap3A_59] : memref<1280x128xf32, #tpu.memory_space<vmem>>, vector<1280x128xf32>
    tpu.vector_store %arg13[%swap3A, %swap3A_59], %mul3A {strides = array<i32>} : memref<1280x128xf32, #tpu.memory_space<vmem>>, vector<1280x128xf32>,
    %swap3A_61 = arith.constant 0 : index
    %swap3A_62 = arith.constant 0 : index
    %swap3A_63 = vector.load %arg14[%swap3A_61, %swap3A_62] : memref<1280x128xf32, #tpu.memory_space<vmem>>, vector<1280x128xf32>
    tpu.vector_store %arg14[%swap3A_61, %swap3A_62], %dot_general3A_58 {strides = array<i32>} : memref<1280x128xf32, #tpu.memory_space<vmem>>, vector<1280x128xf32>,
    return
  }
  func.func @transform_0(%arg0: i32) -> (i32, i32) {
    %c0_i32 = arith.constant 0 : i32
    %c0_i32_0 = arith.constant 0 : i32
    return %arg0, %c0_i32 : i32, i32
  }
  func.func @transform_1(%arg0: i32) -> (i32, i32) {
    %c0_i32 = arith.constant 0 : i32
    %c0_i32_0 = arith.constant 0 : i32
    return %arg0, %c0_i32 : i32, i32
  }
  func.func @transform_2(%arg0: i32) -> (i32, i32) {
    %c0_i32 = arith.constant 0 : i32
    %c0_i32_0 = arith.constant 0 : i32
    return %arg0, %c0_i32 : i32, i32
  }
  func.func @transform_3(%arg0: i32) -> (i32, i32) {
    %c0_i32 = arith.constant 0 : i32
    %c0_i32_0 = arith.constant 0 : i32
    %c0_i32_1 = arith.constant 0 : i32
    return %c0_i32, %c0_i32_0 : i32, i32
  }
  func.func @transform_4(%arg0: i32) -> (i32, i32) {
    %c0_i32 = arith.constant 0 : i32
    %c0_i32_0 = arith.constant 0 : i32
    %c0_i32_1 = arith.constant 0 : i32
    return %c0_i32, %c0_i32_0 : i32, i32
  }
  func.func @transform_5(%arg0: i32) -> (i32, i32) {
    %c0_i32 = arith.constant 0 : i32
    %c0_i32_0 = arith.constant 0 : i32
    %c0_i32_1 = arith.constant 0 : i32
    return %c0_i32, %c0_i32_0 : i32, i32
  }
  func.func @transform_6(%arg0: i32) -> (i32, i32) {
    %c0_i32 = arith.constant 0 : i32
    %c0_i32_0 = arith.constant 0 : i32
    %c0_i32_1 = arith.constant 0 : i32
    return %c0_i32, %c0_i32_0 : i32, i32
  }
  func.func @transform_7(%arg0: i32) -> (i32, i32) {
    %c0_i32 = arith.constant 0 : i32
    %c0_i32_0 = arith.constant 0 : i32
    %c0_i32_1 = arith.constant 0 : i32
    return %c0_i32, %c0_i32_0 : i32, i32
  }
  func.func @transform_8(%arg0: i32) -> (i32, i32) {
    %c0_i32 = arith.constant 0 : i32
    %c0_i32_0 = arith.constant 0 : i32
    %c0_i32_1 = arith.constant 0 : i32
    return %c0_i32, %c0_i32_0 : i32, i32
  }
  func.func @transform_9(%arg0: i32) -> (i32, i32) {
    %c0_i32 = arith.constant 0 : i32
    %c0_i32_0 = arith.constant 0 : i32
    %c0_i32_1 = arith.constant 0 : i32
    return %c0_i32, %c0_i32_0 : i32, i32
  }
  func.func @transform_10(%arg0: i32) -> (i32, i32) {
    %c0_i32 = arith.constant 0 : i32
    %c0_i32_0 = arith.constant 0 : i32
    %c0_i32_1 = arith.constant 0 : i32
    return %c0_i32, %c0_i32_0 : i32, i32
  }
  func.func @transform_11(%arg0: i32) -> (i32, i32) {
    %c0_i32 = arith.constant 0 : i32
    %c0_i32_0 = arith.constant 0 : i32
    %c0_i32_1 = arith.constant 0 : i32
    return %c0_i32, %c0_i32_0 : i32, i32
  }
  func.func @transform_12(%arg0: i32) -> (i32, i32) {
    %c0_i32 = arith.constant 0 : i32
    %c0_i32_0 = arith.constant 0 : i32
    return %arg0, %c0_i32 : i32, i32
  }
  func.func @transform_13(%arg0: i32) -> (i32, i32) {
    %c0_i32 = arith.constant 0 : i32
    %c0_i32_0 = arith.constant 0 : i32
    return %arg0, %c0_i32 : i32, i32
  }
}

</mosaic_0001>

<sc_bundles>
// kernel: kernel.6.cloned.1.call-start
scs
__scs_entry_jumppad:
0x0: {  	(pc) =	sbr.rel $0x88, $3  }
0x1: {  	(tag) =	ssettag $0x0;
	lr =	simm.s32 $0x1  }
0x2: {  	[smem:$0x3F90] =	sst lr;
	_ =	strace $0xD0000000  }
0x3: {  	_ = 	snop  }
0x4: {  	_ = 	snop  }
0x5: {  	_ = 	snop  }
0x6: {  	_ = 	snop  }
0x7: {  	_ = 	snop  }
__scs_overlays_trampoline_lowered:
0x8: {  	[smem:$0x3F9F] =	sst s0  }
0x9: {  	[smem:$0x3FA0] =	sst s1  }
0xa: {  	[smem:$0x3FA1] =	sst s2  }
0xb: {  	[smem:$0x3FA2] =	sst s3  }
0xc: {  	[smem:$0x3FA3] =	sst s4  }
0xd: {  	[smem:$0x3FA4] =	sst s5  }
0xe: {  	[smem:$0x3FA5] =	sst s6  }
0xf: {  	[smem:$0x3FA6] =	sst s7  }
0x10: {  	[smem:$0x3FA7] =	sst s8  }
0x11: {  	[smem:$0x3FA8] =	sst s9;
	s0 =	simm.s32 @!p0 $0x0  }
0x12: {  	s1 =	sld [smem:$0x3F8E];
	s0 =	simm.s32 @p0 $0x1  }
0x13: {  	[smem:$0x3FA9] =	sst s0;
	s0 =	simm.s32 @!p1 $0x0  }
0x14: {  	s2 =	sld [smem:$0x3F8D];
	s0 =	simm.s32 @p1 $0x1  }
0x15: {  	[smem:$0x3FAA] =	sst s0;
	s0 =	simm.s32 @!p2 $0x0  }
0x16: {  	s3 =	sld [smem:$0x3FDB];
	s0 =	simm.s32 @p2 $0x1  }
0x17: {  	s4 =	simm.s32 $0x1BF5;
	[smem:$0x3FAC] =	sst s0  }
0x18: {  	s0 =	sld [smem:$0x3F8F];
	_ =	swait.ge [sflag:s4], $0x0  }
0x19: {  	s7 =	sld [smem:$0x3F90]  }
0x1a: {  	s8 =	sadd.s32 $0xFFFFE003, lr  }
0x1b: {  	s9 =	sadd.s32 $0xFFFFFEF7, lr;
	s5 =	simm.s32 $0xFFFFFFFF;
	p2 =	slt.u32 s8, $0xFFFFF086  }
0x1c: {  	p1 =	slt.u32 s9, $0xF7A;
	s5 =	simm.s32 @!p2 $0x0  }
0x1d: {  	s5 =	simm.s32 @p1 $0x1;
	p0 =	seq.s32 s7, s2  }
0x1e: {  	s7 =	smul.u32 @!p0 $0xF7A, s2;
	p2 =	seq.s32 @!p0 s5, $0x0  }
0x1f: {  	s9 =	smul.u32 $0xF7A, s1;
	s8 =	simm.s32 @!p0 $0x1BF5;
	p2 =	por !p2, p0  }
0x20: {  	[sflag:s8] =	ssyncset.s32 @!p0 $0xFFFFF086;
	s6 =	sadd.s32 @!p0 s3, s7;
	s7 =	simm.s32 @!p0 $0x108  }
0x21: {  	s3 =	sadd.s32 s3, s9;
	s6 =	sadd.s32 @!p0 $0x88, s6;
	s7 =	simm.s32 @p2 $0x1082  }
0x22: {  	[simem:s7], [sflag:s8] =	dma.local @!p0 [hbm:s6], $0xF7A  }
0x23: {  	s9 =	sor.u32 $0xD0000000, s2;
	s6 =	simm.s32 $0x108;
	_ =	swait.ge @!p0 [sflag:s8], $0x0  }
0x24: {  	s3 =	sadd.s32 $0x88, s3;
	s6 =	simm.s32 @!p1 $0x1082;
	[sflag:s4] =	ssyncset.s32 $0xFFFFF086  }
0x25: {  	[simem:s6], [sflag:s4] =	dma.local [hbm:s3], $0xF7A  }
0x26: {  	[smem:$0x3F90] =	sst s1;
	(tag) =	ssettag s2;
	_ =	strace s9  }
0x27: {  	s1 =	sld [smem:$0x3FA0]  }
0x28: {  	s2 =	sld [smem:$0x3FA1]  }
0x29: {  	s4 =	sld [smem:$0x3FA3]  }
0x2a: {  	p0 =	seq.s32 s5, $0x0;
	s5 =	sld [smem:$0x3FA4]  }
0x2b: {  	s6 =	sld [smem:$0x3FA5]  }
0x2c: {  	s7 =	sld [smem:$0x3FA6]  }
0x2d: {  	s3 =	simm.s32 $0x108;
	s8 =	sld [smem:$0x3FA7]  }
0x2e: {  	s3 =	simm.s32 @!p0 $0x1082;
	s9 =	sld [smem:$0x3FA8]  }
0x2f: {  	lr =	sadd.s32 s0, s3;
	s0 =	sld [smem:$0x3F9F]  }
0x30: {  	s3 =	sld [smem:$0x3FA2]  }
0x31: {  	[smem:$0x3FAB] =	sst s10  }
0x32: {  	s10 =	sld [smem:$0x3FA9];
	_ =	sdelay $0x3  }
0x33: {  	p0 =	seq.s32 s10, $0x1;
	s10 =	sld [smem:$0x3FAB];
	_ =	sdelay $0x3  }
0x34: {  	[smem:$0x3FAB] =	sst s10  }
0x35: {  	s10 =	sld [smem:$0x3FAA];
	_ =	sdelay $0x3  }
0x36: {  	p1 =	seq.s32 s10, $0x1;
	s10 =	sld [smem:$0x3FAB];
	_ =	sdelay $0x3  }
0x37: {  	[smem:$0x3FAB] =	sst s10  }
0x38: {  	s10 =	sld [smem:$0x3FAC]  }
0x39: {  	_ = 	snop;
	(pc) =	sbr.ind lr, $3  }
0x3a: {  	_ = 	snop  }
0x3b: {  	_ = 	snop  }
0x3c: {  	p2 =	seq.s32 s10, $0x1;
	s10 =	sld [smem:$0x3FAB]  }
0x3d: {  	_ =	shalt  }
0x3e: {  	_ =	shalt  }
0x3f: {  	_ =	shalt  }
0x40: {  	_ =	shalt  }
0x41: {  	_ =	shalt  }
0x42: {  	_ =	shalt  }
0x43: {  	_ =	shalt  }
0x44: {  	_ =	shalt  }
0x45: {  	_ =	shalt  }
0x46: {  	_ =	shalt  }
0x47: {  	_ =	shalt  }
0x48: {  	_ =	shalt  }
0x49: {  	_ =	shalt  }
0x4a: {  	_ =	shalt  }
0x4b: {  	_ =	shalt  }
0x4c: {  	_ =	shalt  }
0x4d: {  	_ =	shalt  }
0x4e: {  	_ =	shalt  }
0x4f: {  	_ =	shalt  }
0x50: {  	_ =	shalt  }
0x51: {  	_ =	shalt  }
0x52: {  	_ =	shalt  }
0x53: {  	_ =	shalt  }
0x54: {  	_ =	shalt  }
0x55: {  	_ =	shalt  }
0x56: {  	_ =	shalt  }
0x57: {  	_ =	shalt  }
0x58: {  	_ =	shalt  }
0x59: {  	_ =	shalt  }
0x5a: {  	_ =	shalt  }
0x5b: {  	_ =	shalt  }
0x5c: {  	_ =	shalt  }
0x5d: {  	_ =	shalt  }
0x5e: {  	_ =	shalt  }
0x5f: {  	_ =	shalt  }
0x60: {  	_ =	shalt  }
0x61: {  	_ =	shalt  }
0x62: {  	_ =	shalt  }
0x63: {  	_ =	shalt  }
0x64: {  	_ =	shalt  }
0x65: {  	_ =	shalt  }
0x66: {  	_ =	shalt  }
0x67: {  	_ =	shalt  }
0x68: {  	_ =	shalt  }
0x69: {  	_ =	shalt  }
0x6a: {  	_ =	shalt  }
0x6b: {  	_ =	shalt  }
0x6c: {  	_ =	shalt  }
0x6d: {  	_ =	shalt  }
0x6e: {  	_ =	shalt  }
0x6f: {  	_ =	shalt  }
0x70: {  	_ =	shalt  }
0x71: {  	_ =	shalt  }
0x72: {  	_ =	shalt  }
0x73: {  	_ =	shalt  }
0x74: {  	_ =	shalt  }
0x75: {  	_ =	shalt  }
0x76: {  	_ =	shalt  }
0x77: {  	_ =	shalt  }
0x78: {  	_ =	shalt  }
0x79: {  	_ =	shalt  }
0x7a: {  	_ =	shalt  }
0x7b: {  	_ =	shalt  }
0x7c: {  	_ =	shalt  }
0x7d: {  	_ =	shalt  }
0x7e: {  	_ =	shalt  }
0x7f: {  	_ =	shalt  }
0x80: {  	_ =	shalt  }
0x81: {  	_ =	shalt  }
0x82: {  	_ =	shalt  }
0x83: {  	_ =	shalt  }
0x84: {  	_ =	shalt  }
0x85: {  	_ =	shalt  }
0x86: {  	_ =	shalt  }
0x87: {  	_ =	shalt  }
.Lfunc_end0:
.L_simem_size_0:
called_computation.1_lowered:
.L_overlay_start_0:
0x88: {  	s2 =	sld [smem:$0x3FD9]  }
0x89: {  	s3 =	sld [smem:$0x3FFE];
	_ =	sdelay $0x1  }
0x8a: {  	s1 =	srdreg.scid  }
0x8b: {  	s0 =	sand.u32 $0x1, s1  }
0x8c: {  	s17 =	sshll.u32 s0, $0xA;
	s2 =	sadd.s32 s3, s2  }
0x8d: {  	s2 =	sadd.s32 s2, s17  }
0x8e: {  	[smem:$0x3FB7] =	sst s2  }
0x8f: {  	_ = 	snop  }
0x90: {  	s18 =	sld [smem:$0x3FC9]  }
0x91: {  	s4 =	sld [smem:$0x3FC8]  }
0x92: {  	s5 =	sld [smem:$0x3FD0];
	(tm) =	ssettm $0x1  }
0x93: {  	s19 =	sld [smem:$0x3FFB];
	_ =	sdelay $0x3  }
0x94: {  	_ =	strace s19  }
0x95: {  	s2 =	sld [smem:$0x3FFC];
	_ =	sdelay $0x3  }
0x96: {  	_ =	strace s2  }
0x97: {  	s2 =	sld [smem:$0x3FFD];
	_ =	sdelay $0x3  }
0x98: {  	_ =	strace s2  }
0x99: {  	_ =	strace $0x8FFFFFFF  }
0x9a: {  	s20 =	sld [smem:$0x3FDB];
	_ =	sdelay $0x1  }
0x9b: {  	s6 =	simm.s32 $_scs_section_size  }
0x9c: {  	s7 =	simm.s32 $_size__tile_overlayer_lowered;
	s8 =	simm.s32 $_tile_overlayer_lowered  }
0x9d: {  	s9 =	simm.s32 $0x1BFF;
	s21 =	sshll.u32 s8, $0x1;
	s6 =	sadd.s32 s6, s20  }
0x9e: {  	s22 =	simm.s32 $0x0;
	s7 =	sshll.u32 s7, $0x1;
	s8 =	sadd.s32 s21, s6  }
0x9f: {  	[timem:s22], [sflag:s9] =	dma.local [hbm:s8], s7  }
0xa0: {  	_ =	swait.ge [sflag:s9], s7  }
0xa1: {  	s7 =	ssub.s32 $0x0, s7;
	[sflag:s9] =	ssyncset.done $0x0  }
0xa2: {  	[sflag:s9] =	ssyncadd.s32 s7;
	_ =	sdelay $0x1  }
0xa3: {  	s23 =	simm.s32 $0x1B8B  }
0xa4: {  	_ =	swait.ge [sflag:s23], $0x1  }
0xa5: {  	[sflag:s23] =	ssyncset.done $0x0  }
0xa6: {  	[sflag:s23] =	ssyncadd.s32 $0xFFFFFFFF  }
0xa7: {  	s7 =	sld [smem:$0x0]  }
0xa8: {  	s8 =	sand.u32 $0xFFFFFFFE, s1  }
0xa9: {  	p0 =	sne.s32 s1, s8  }
0xaa: {  	s8 =	sshll.u32 @p0 s8, $0xE  }
0xab: {  	s8 =	sadd.s32 @p0 $0x11B8D, s8;
	s9 =	sshll.u32 @p0 s7, $0x11  }
0xac: {  	s8 =	sor.u32 @p0 s9, s8  }
0xad: {  	[sflag:s8] =	ssyncadd.remote.s32 @p0 $0x1;
	_ =	sdelay $0x1  }
0xae: {  	s8 =	simm.s32 @p0 $0x1B8D  }
0xaf: {  	_ =	swait.eq @p0 [sflag:s8], $0x1  }
0xb0: {  	[sflag:s8] =	ssyncadd.s32 @p0 $0xFFFFFFFF  }
0xb1: {  	s9 =	sshll.u32 @!p0 s1, $0xE  }
0xb2: {  	s9 =	sor.u32 @!p0 $0x4000, s9;
	s8 =	simm.s32 @!p0 $0x1B8D  }
0xb3: {  	s7 =	sshll.u32 @!p0 s7, $0x11;
	s9 =	sadd.s32 @!p0 $0x11B8D, s9;
	_ =	swait.eq @!p0 [sflag:s8], $0x1  }
0xb4: {  	s7 =	sor.u32 @!p0 s7, s9;
	[sflag:s8] =	ssyncadd.s32 @!p0 $0xFFFFFFFF  }
0xb5: {  	s25 =	simm.s32 $0x1B8E;
	s24 =	sld [smem:$0x3FFE];
	[sflag:s7] =	ssyncadd.remote.s32 @!p0 $0x1  }
0xb6: {  	s26 =	simm.s32 $execute0_lowered;
	[smem:$0x3FD2] =	sst s25  }
0xb7: {  	s8 =	sshll.u32 s26, $0x1;
	_ =	strace $0x80000049;
	[dreg:$0x1] =	wrdreg $0xFFFFFFFF  }
0xb8: {  	s28 =	simm.s32 $_size_execute0_lowered;
	s6 =	sadd.s32 s6, s8;
	[dreg:$0x0] =	wrdreg $0x0  }
0xb9: {  	s8 =	sshll.u32 s28, $0x1;
	[dreg:$0x2] =	wrdreg s6  }
0xba: {  	[dreg:$0x3] =	wrdreg s8  }
0xbb: {  	[dreg:$0x4] =	wrdreg $0xC0  }
0xbc: {  	_ =	task [dreg:s22], $0x5FFFF  }
0xbd: {  	[dreg:$0x1] =	wrdreg $0xFFFFFFFF  }
0xbe: {  	[dreg:$0x0] =	wrdreg $0x60  }
0xbf: {  	[dreg:$0x2] =	wrdreg s18  }
0xc0: {  	[dreg:$0x3] =	wrdreg s4  }
0xc1: {  	[dreg:$0x4] =	wrdreg s5  }
0xc2: {  	[dreg:$0x5] =	wrdreg s24  }
0xc3: {  	[dreg:$0x6] =	wrdreg $0xA  }
0xc4: {  	_ =	task.clear_ibuf [dreg:s22], $0x7FFFF;
	_ =	strace $0x90000049  }
0xc5: {  	s29 =	simm.s32 $0xA;
	_ =	strace $0x8000004B  }
0xc6: {  	_ =	swait.ge [sflag:s29], $0x1  }
0xc7: {  	[sflag:s29] =	ssyncadd.s32 $0xFFFFFFFF  }
0xc8: {  	_ =	strace $0x9000004B  }
0xc9: {  	_ =	sfence  }
0xca: {  	s30 =	sld [smem:$0x0];
	_ =	sdelay $0x2  }
0xcb: {  	s31 =	sshll.u32 s1, $0xD;
	s1 =	sshrl.u32 s1, $0x2  }
0xcc: {  	s4 =	sand.u32 $0x4000, s31;
	s1 =	sadd.s32 s1, s30  }
0xcd: {  	s0 =	sor.u32 s4, s0;
	s1 =	sshll.u32 s1, $0x11  }
0xce: {  	s0 =	sor.u32 s1, s0  }
0xcf: {  	s0 =	sadd.s32 $0x8F2B, s0  }
0xd0: {  	[sflag:s0] =	ssyncadd.remote.s32 $0x1  }
0xd1: {  	_ =	sfence.sel $0xFFFF  }
0xd2: {  	[dreg:$0x0] =	wrdreg $0xFFFFFFFF;
	(pc) =	sbr.abs _section_cstart, $3  }
0xd3: {  	[dreg:$0x1] =	wrdreg $0xFFFFFFFF  }
0xd4: {  	_ =	task.clear_ibuf [dreg:s22], $0x2FFFF;
	_ =	strace $0x9FFFFFFF  }
0xd5: {  	(tm) =	ssettm $0x7FFFFFFF  }
tec
execute0_lowered:
.L_overlay_start_1:
0x0: {  	(tag) =	ssettag $0x1  }
0x1: {  	s2 =	rddreg [dreg:$0x0]  }
0x2: {  	s3 =	rddreg [dreg:$0x1]  }
0x3: {  	s10 =	rddreg [dreg:$0x2]  }
0x4: {  	s0 =	rddreg [dreg:$0x3];
	s9 =	stileid.u32  }
0x5: {  	s1 =	srdreg.scid;
	s5 =	simm.s32 $0x0;
	s30 =	simm.s32 $0xB  }
0x6: {  	s1 =	sand.u32 $0x1, s1;
	s4 =	sshll.u32 s9, $0x1;
	s6 =	smul.u32 $0x4E200, s9  }
0x7: {  	[smem:$0x7FF] =	sst s5;
	s7 =	ssub.s32 $0x2, s1;
	s31 =	smul.u32 $0x2710, s1  }
0x8: {  	s4 =	sor.u32 s1, s4;
	s1 =	smul.u32 $0x27100, s1;
	s19 =	sshrl.u32 s7, $0x1  }
0x9: {  	s11 =	sadd.s32 $0x3200, s0;
	s0 =	sadd.s32 s6, s0;
	s6 =	ssub.s32 s7, s19  }
0xa: {  	s4 =	smul.u32 $0x2710, s4;
	s0 =	sadd.s32 s1, s0;
	s15 =	smax.u32 s6, $0x1  }
0xb: {  	_ =	strace $0x8000004A;
	s16 =	sadd.s32 $0xD600, s0;
	[dreg:$0xf] =	wrdreg s15  }
0xc: {  	s4 =	sshrl.u32 s4, $0x3;
	s0 =	sadd.s32 $0x4EF600, s0;
	[dreg:$0x10] =	wrdreg s16  }
0xd: {  	s29 =	simm.s32 $0x480;
	s20 =	sadd.s32 s10, s4;
	[dreg:$0x11] =	wrdreg s0  }
0xe: {  	s21 =	sadd.s32 $0xA, s4;
	s8 =	sadd.s32 s11, s4;
	[dreg:$0x5] =	wrdreg s20  }
0xf: {  	s25 =	smul.u32 $0x4E20, s9;
	[dreg:$0x6] =	wrdreg s8;
	s22 =	sadd.s32 s10, s21  }
0x10: {  	s23 =	sadd.s32 $0x14, s4;
	s7 =	sadd.s32 s11, s21;
	[dreg:$0x7] =	wrdreg s22  }
0x11: {  	s9 =	simm.s32 $0x200;
	s24 =	sadd.s32 s10, s23;
	[dreg:$0x8] =	wrdreg s7  }
0x12: {  	s26 =	sadd.s32 $0x1E, s4;
	s8 =	sadd.s32 s11, s23;
	[dreg:$0x9] =	wrdreg s24  }
0x13: {  	s4 =	sadd.s32 $0x28, s4;
	s12 =	sadd.s32 s10, s26;
	[dreg:$0xa] =	wrdreg s8  }
0x14: {  	s16 =	simm.s32 $0x1;
	s13 =	sadd.s32 s10, s4;
	[dreg:$0xb] =	wrdreg s12  }
0x15: {  	s4 =	sadd.s32 s11, s4;
	s23 =	smov.u32 s11;
	[dreg:$0xd] =	wrdreg s13  }
0x16: {  	s8 =	sadd.s32 s11, s26;
	s7 =	sadd.s32 s31, s25;
	[dreg:$0xe] =	wrdreg s4  }
0x17: {  	s12 =	simm.s32 $0xA500;
	s13 =	simm.s32 $0x16D00;
	s4 =	simm.s32 $0x3  }
0x18: {  	[dreg:$0xc] =	wrdreg s8;
	s14 =	sadd.s32 $0x2D0, s7;
	s18 =	sadd.s32 $0x280, s7  }
0x19: {  	s19 =	sadd.s32 $0x230, s7;
	s21 =	sadd.s32 $0x1E0, s7;
	s31 =	sadd.s32 $0x190, s7  }
0x1a: {  	s7 =	simm.s32 $0x5;
	s8 =	simm.s32 $0x0;
	s1 =	sshrl.u32 s14, $0x3  }
0x1b: {  	s0 =	sshrl.u32 s18, $0x3;
	[dreg:$0x16] =	wrdreg s31;
	s17 =	sadd.s32 s1, s11  }
0x1c: {  	s22 =	sshrl.u32 s21, $0x3;
	s1 =	sadd.s32 s1, s10;
	[dreg:$0x12] =	wrdreg s17  }
.Ltmp0:
0x1d: {  	s20 =	sadd.s32 s0, s11;
	[dreg:$0x13] =	wrdreg s1;
	(pc) =	sbr.rel .LBB2_1-.Ltmp0, $4  }
0x1e: {  	s0 =	sadd.s32 s0, s10;
	s26 =	sadd.s32 s22, s11;
	[dreg:$0x14] =	wrdreg s20  }
0x1f: {  	s28 =	sadd.s32 s22, s10;
	s1 =	sshrl.u32 s19, $0x3;
	[dreg:$0x15] =	wrdreg s0  }
0x20: {  	s0 =	simm.s32 $0x50;
	s17 =	simm.s32 $0x2;
	s24 =	sadd.s32 s1, s11  }
0x21: {  	s25 =	sadd.s32 s1, s10;
	s1 =	simm.s32 $0x4;
	s10 =	simm.s32 $0xA  }
.LBB2_4:
0x22: {  	s6 =	simm.s32 $0x6  }
0x23: {  	_ =	swait.ge [sflag:s6], $0x2800  }
0x24: {  	[sflag:s6] =	ssyncset.done $0x0  }
0x25: {  	[sflag:s6] =	ssyncadd.s32 $0xFFFFD800  }
0x26: {  	_ =	swait.ge [sflag:s6], $0x2800  }
0x27: {  	[sflag:s6] =	ssyncset.done $0x0  }
0x28: {  	s20 =	simm.s32 $0x7;
	[sflag:s6] =	ssyncadd.s32 $0xFFFFD800  }
0x29: {  	_ =	swait.ge [sflag:s20], $0x2800  }
0x2a: {  	[sflag:s20] =	ssyncset.done $0x0  }
0x2b: {  	[sflag:s20] =	ssyncadd.s32 $0xFFFFD800  }
0x2c: {  	_ =	swait.ge [sflag:s20], $0x2800  }
0x2d: {  	[sflag:s20] =	ssyncset.done $0x0  }
0x2e: {  	s21 =	simm.s32 $0x8;
	[sflag:s20] =	ssyncadd.s32 $0xFFFFD800  }
0x2f: {  	_ =	swait.ge [sflag:s21], $0x2800  }
0x30: {  	[sflag:s21] =	ssyncset.done $0x0  }
0x31: {  	[sflag:s21] =	ssyncadd.s32 $0xFFFFD800  }
0x32: {  	_ =	swait.ge [sflag:s21], $0x2800  }
0x33: {  	[sflag:s21] =	ssyncset.done $0x0  }
0x34: {  	s22 =	simm.s32 $0x9;
	[sflag:s21] =	ssyncadd.s32 $0xFFFFD800  }
0x35: {  	_ =	swait.ge [sflag:s22], $0x2800  }
0x36: {  	[sflag:s22] =	ssyncset.done $0x0  }
0x37: {  	[sflag:s22] =	ssyncadd.s32 $0xFFFFD800  }
0x38: {  	_ =	swait.ge [sflag:s22], $0x2800  }
0x39: {  	[sflag:s22] =	ssyncset.done $0x0  }
0x3a: {  	[sflag:s22] =	ssyncadd.s32 $0xFFFFD800  }
0x3b: {  	_ =	swait.ge [sflag:s10], $0x2800  }
0x3c: {  	[sflag:s10] =	ssyncset.done $0x0  }
0x3d: {  	[sflag:s10] =	ssyncadd.s32 $0xFFFFD800  }
0x3e: {  	_ =	swait.ge [sflag:s10], $0x2800  }
0x3f: {  	s8 =	rddreg [dreg:$0x17]  }
0x40: {  	s31 =	rddreg [dreg:$0xf];
	s8 =	sadd.s32 $0x1, s8  }
0x41: {  	p0 =	sne.s32 s8, s31  }
.Ltmp1:
0x42: {  	_ = 	snop;
	(pc) =	sbr.rel @!p0 .LBB2_5-.Ltmp1, $3  }
0x43: {  	_ =	sdelay $0x1  }
0x44: {  	[sflag:s10] =	ssyncset.done $0x0  }
0x45: {  	[sflag:s10] =	ssyncadd.s32 $0xFFFFD800  }
.LBB2_1:
0x46: {  	[dreg:$0x17] =	wrdreg s8  }
0x47: {  	s6 =	rddreg [dreg:$0x5]  }
0x48: {  	[tilespmem:s5], [sflag:$0xB] =	stream.linear.gather [hbm4b:s6+s5], $0x50, $0x38;
	[tilespmem:$0x19500] =	vst v63  }
0x49: {  	_ =	swait.ge [sflag:s30], $0x50  }
0x4a: {  	[sflag:s30] =	ssyncset.done $0x0  }
0x4b: {  	s19 =	simm.s32 $0x280;
	s18 =	rddreg [dreg:$0x6];
	[sflag:s30] =	ssyncadd.s32 $0xFFFFFFB0  }
0x4c: {  	[tilespmem:s19], [sflag:$0xB] =	stream.linear.gather [hbm4b:s18+s5], $0x50, $0x38;
	[tilespmem:$0x19500] =	vst v63  }
0x4d: {  	_ =	swait.ge [sflag:s30], $0x50  }
0x4e: {  	[sflag:s30] =	ssyncset.done $0x0  }
0x4f: {  	s20 =	simm.s32 $0x500;
	[sflag:s30] =	ssyncadd.s32 $0xFFFFFFB0  }
0x50: {  	[tilespmem:s20], [sflag:$0x1] =	stream.indirect.gather [hbm4b:s2+s0], $0x80, s5, s0, $0xb8;
	[tilespmem:$0x19500] =	vst v63  }
0x51: {  	s21 =	simm.s32 $0xCD00  }
0x52: {  	[tilespmem:s21], [sflag:$0x1] =	stream.indirect.gather [hbm4b:s3+s0], $0x80, s19, s0, $0xb8;
	[tilespmem:$0x19500] =	vst v63  }
0x53: {  	s31 =	simm.s32 $0x80;
	s22 =	rddreg [dreg:$0x7]  }
0x54: {  	[tilespmem:s31], [sflag:$0xB] =	stream.linear.gather [hbm4b:s22+s5], $0x50, $0x38;
	[tilespmem:$0x19500] =	vst v63  }
0x55: {  	_ =	swait.ge [sflag:s30], $0x50  }
0x56: {  	[sflag:s30] =	ssyncset.done $0x0  }
0x57: {  	s11 =	simm.s32 $0x300;
	s14 =	rddreg [dreg:$0x8];
	[sflag:s30] =	ssyncadd.s32 $0xFFFFFFB0  }
0x58: {  	[tilespmem:s11], [sflag:$0xB] =	stream.linear.gather [hbm4b:s14+s5], $0x50, $0x38;
	[tilespmem:$0x19500] =	vst v63  }
0x59: {  	_ =	swait.ge [sflag:s30], $0x50  }
0x5a: {  	[sflag:s30] =	ssyncset.done $0x0  }
0x5b: {  	s15 =	simm.s32 $0x2D00;
	[sflag:s30] =	ssyncadd.s32 $0xFFFFFFB0  }
0x5c: {  	[tilespmem:s15], [sflag:$0x2] =	stream.indirect.gather [hbm4b:s2+s0], $0x80, s31, s0, $0xb8;
	[tilespmem:$0x19500] =	vst v63  }
0x5d: {  	s18 =	simm.s32 $0xF500  }
0x5e: {  	[tilespmem:s18], [sflag:$0x2] =	stream.indirect.gather [hbm4b:s3+s0], $0x80, s11, s0, $0xb8;
	[tilespmem:$0x19500] =	vst v63  }
0x5f: {  	s20 =	simm.s32 $0x100;
	s19 =	rddreg [dreg:$0x9]  }
0x60: {  	[tilespmem:s20], [sflag:$0xB] =	stream.linear.gather [hbm4b:s19+s5], $0x50, $0x38;
	[tilespmem:$0x19500] =	vst v63  }
0x61: {  	_ =	swait.ge [sflag:s30], $0x50  }
0x62: {  	[sflag:s30] =	ssyncset.done $0x0  }
0x63: {  	s22 =	simm.s32 $0x380;
	s21 =	rddreg [dreg:$0xa];
	[sflag:s30] =	ssyncadd.s32 $0xFFFFFFB0  }
0x64: {  	[tilespmem:s22], [sflag:$0xB] =	stream.linear.gather [hbm4b:s21+s5], $0x50, $0x38;
	[tilespmem:$0x19500] =	vst v63  }
0x65: {  	_ =	swait.ge [sflag:s30], $0x50  }
0x66: {  	[sflag:s30] =	ssyncset.done $0x0  }
0x67: {  	s31 =	simm.s32 $0x5500;
	[sflag:s30] =	ssyncadd.s32 $0xFFFFFFB0  }
0x68: {  	[tilespmem:s31], [sflag:$0x3] =	stream.indirect.gather [hbm4b:s2+s0], $0x80, s20, s0, $0xb8;
	[tilespmem:$0x19500] =	vst v63  }
0x69: {  	s8 =	simm.s32 $0x11D00  }
0x6a: {  	[tilespmem:s8], [sflag:$0x3] =	stream.indirect.gather [hbm4b:s3+s0], $0x80, s22, s0, $0xb8;
	[tilespmem:$0x19500] =	vst v63  }
0x6b: {  	s15 =	simm.s32 $0x180;
	s14 =	rddreg [dreg:$0xb]  }
0x6c: {  	[tilespmem:s15], [sflag:$0xB] =	stream.linear.gather [hbm4b:s14+s5], $0x50, $0x38;
	[tilespmem:$0x19500] =	vst v63  }
0x6d: {  	_ =	swait.ge [sflag:s30], $0x50  }
0x6e: {  	[sflag:s30] =	ssyncset.done $0x0  }
0x6f: {  	s19 =	simm.s32 $0x400;
	s18 =	rddreg [dreg:$0xc];
	[sflag:s30] =	ssyncadd.s32 $0xFFFFFFB0  }
0x70: {  	[tilespmem:s19], [sflag:$0xB] =	stream.linear.gather [hbm4b:s18+s5], $0x50, $0x38;
	[tilespmem:$0x19500] =	vst v63  }
0x71: {  	_ =	swait.ge [sflag:s30], $0x50  }
0x72: {  	[sflag:s30] =	ssyncset.done $0x0  }
0x73: {  	s20 =	simm.s32 $0x7D00;
	[sflag:s30] =	ssyncadd.s32 $0xFFFFFFB0  }
0x74: {  	[tilespmem:s20], [sflag:$0x4] =	stream.indirect.gather [hbm4b:s2+s0], $0x80, s15, s0, $0xb8;
	[tilespmem:$0x19500] =	vst v63  }
0x75: {  	s21 =	simm.s32 $0x14500  }
0x76: {  	[tilespmem:s21], [sflag:$0x4] =	stream.indirect.gather [hbm4b:s3+s0], $0x80, s19, s0, $0xb8;
	[tilespmem:$0x19500] =	vst v63  }
0x77: {  	s22 =	rddreg [dreg:$0xd]  }
0x78: {  	[tilespmem:s9], [sflag:$0xB] =	stream.linear.gather [hbm4b:s22+s5], $0x50, $0x38;
	[tilespmem:$0x19500] =	vst v63  }
0x79: {  	_ =	swait.ge [sflag:s30], $0x50  }
0x7a: {  	[sflag:s30] =	ssyncset.done $0x0  }
0x7b: {  	s31 =	rddreg [dreg:$0xe];
	[sflag:s30] =	ssyncadd.s32 $0xFFFFFFB0  }
0x7c: {  	[tilespmem:s29], [sflag:$0xB] =	stream.linear.gather [hbm4b:s31+s5], $0x50, $0x38;
	[tilespmem:$0x19500] =	vst v63  }
0x7d: {  	_ =	swait.ge [sflag:s30], $0x50  }
0x7e: {  	[sflag:s30] =	ssyncset.done $0x0  }
0x7f: {  	[sflag:s30] =	ssyncadd.s32 $0xFFFFFFB0  }
0x80: {  	[tilespmem:s12], [sflag:$0x5] =	stream.indirect.gather [hbm4b:s2+s0], $0x80, s9, s0, $0xb8;
	[tilespmem:$0x19500] =	vst v63  }
0x81: {  	s14 =	simm.s32 $0x0;
	s15 =	simm.s32 $0x0;
	s11 =	rddreg [dreg:$0x16]  }
0x82: {  	[tilespmem:s13], [sflag:$0x5] =	stream.indirect.gather [hbm4b:s3+s0], $0x80, s29, s0, $0xb8;
	[tilespmem:$0x19500] =	vst v63  }
.LBB2_2:
0x83: {  	_ =	swait.ge [sflag:s16], $0x2800  }
0x84: {  	[sflag:s16] =	ssyncset.done $0x0  }
0x85: {  	[sflag:s16] =	ssyncadd.s32 $0xFFFFD800  }
0x86: {  	s22 =	simm.s32 $0x500;
	s18 =	simm.s32 $0xCD00;
	_ =	swait.ge [sflag:s16], $0x2800  }
0x87: {  	p0 =	seq.s32 s15, $0x25800;
	[sflag:s16] =	ssyncset.done $0x0;
	s6 =	rddreg [dreg:$0x10]  }
0x88: {  	s8 =	rddreg [dreg:$0x11];
	[sflag:s16] =	ssyncadd.s32 $0xFFFFD800;
	s31 =	sadd.s32 s15, s6  }
0x89: {  	[hbm4b:s31+s5] =	stream.linear.scatter [tilespmem:s22], [sflag:$0x6], $0x2800, $0x38;
	[tilespmem:$0x19500] =	vst v63  }
0x8a: {  	s21 =	sshrl.u32 @!p0 s11, $0x3;
	s8 =	sadd.s32 s15, s8;
	s6 =	rddreg [dreg:$0x2]  }
0x8b: {  	[hbm4b:s8+s5] =	stream.linear.scatter [tilespmem:s18], [sflag:$0x6], $0x2800, $0x38;
	[tilespmem:$0x19500] =	vst v63  }
0x8c: {  	s20 =	simm.s32 @!p0 $0x0;
	s6 =	sadd.s32 @!p0 s6, s21  }
0x8d: {  	[tilespmem:s20], [sflag:$0xB] =	stream.linear.gather @!p0 [hbm4b:s6+s20], $0x50, $0x38;
	[tilespmem:$0x19500] =	vst v63  }
0x8e: {  	s6 =	simm.s32 @!p0 $0xB  }
0x8f: {  	_ =	swait.ge @!p0 [sflag:s6], $0x50  }
0x90: {  	[sflag:s6] =	ssyncset.done @!p0 $0x0  }
0x91: {  	s21 =	sadd.s32 @!p0 s23, s21;
	s18 =	simm.s32 @!p0 $0x280;
	[sflag:s6] =	ssyncadd.s32 @!p0 $0xFFFFFFB0  }
0x92: {  	[tilespmem:s18], [sflag:$0xB] =	stream.linear.gather @!p0 [hbm4b:s21+s20], $0x50, $0x38;
	[tilespmem:$0x19500] =	vst v63  }
0x93: {  	_ =	swait.ge @!p0 [sflag:s6], $0x50  }
0x94: {  	[sflag:s6] =	ssyncset.done @!p0 $0x0  }
0x95: {  	s21 =	simm.s32 @!p0 $0x6;
	[sflag:s6] =	ssyncadd.s32 @!p0 $0xFFFFFFB0  }
0x96: {  	_ =	swait.ge @!p0 [sflag:s21], $0x2800  }
0x97: {  	[sflag:s21] =	ssyncset.done @!p0 $0x0  }
0x98: {  	[sflag:s21] =	ssyncadd.s32 @!p0 $0xFFFFD800  }
0x99: {  	_ =	swait.ge @!p0 [sflag:s21], $0x2800  }
0x9a: {  	[sflag:s21] =	ssyncset.done @!p0 $0x0  }
0x9b: {  	s19 =	simm.s32 @!p0 $0x500;
	[sflag:s21] =	ssyncadd.s32 @!p0 $0xFFFFD800;
	s21 =	simm.s32 @!p0 $0x50  }
0x9c: {  	[tilespmem:s19], [sflag:$0x1] =	stream.indirect.gather @!p0 [hbm4b:s2+s21], $0x80, s20, s21, $0xb8;
	[tilespmem:$0x19500] =	vst v63  }
0x9d: {  	s19 =	simm.s32 @!p0 $0xCD00  }
0x9e: {  	[tilespmem:s19], [sflag:$0x1] =	stream.indirect.gather @!p0 [hbm4b:s3+s21], $0x80, s18, s21, $0xb8;
	[tilespmem:$0x19500] =	vst v63  }
0x9f: {  	_ =	swait.ge [sflag:s17], $0x2800  }
0xa0: {  	[sflag:s17] =	ssyncset.done $0x0  }
0xa1: {  	[sflag:s17] =	ssyncadd.s32 $0xFFFFD800  }
0xa2: {  	_ =	swait.ge [sflag:s17], $0x2800  }
0xa3: {  	[sflag:s17] =	ssyncset.done $0x0  }
0xa4: {  	s22 =	simm.s32 $0x2D00;
	s19 =	sadd.s32 $0x500, s31;
	[sflag:s17] =	ssyncadd.s32 $0xFFFFD800  }
0xa5: {  	[hbm4b:s19+s5] =	stream.linear.scatter [tilespmem:s22], [sflag:$0x7], $0x2800, $0x38;
	[tilespmem:$0x19500] =	vst v63  }
0xa6: {  	s19 =	sadd.s32 $0x500, s8;
	s22 =	simm.s32 $0xF500  }
0xa7: {  	[hbm4b:s19+s5] =	stream.linear.scatter [tilespmem:s22], [sflag:$0x7], $0x2800, $0x38;
	[tilespmem:$0x19500] =	vst v63  }
0xa8: {  	s18 =	sadd.s32 @!p0 s14, s28;
	s19 =	simm.s32 @!p0 $0x80  }
0xa9: {  	[tilespmem:s19], [sflag:$0xB] =	stream.linear.gather @!p0 [hbm4b:s18+s20], $0x50, $0x38;
	[tilespmem:$0x19500] =	vst v63  }
0xaa: {  	_ =	swait.ge @!p0 [sflag:s6], $0x50  }
0xab: {  	[sflag:s6] =	ssyncset.done @!p0 $0x0  }
0xac: {  	s22 =	simm.s32 @!p0 $0x300;
	s18 =	sadd.s32 @!p0 s14, s26;
	[sflag:s6] =	ssyncadd.s32 @!p0 $0xFFFFFFB0  }
0xad: {  	[tilespmem:s22], [sflag:$0xB] =	stream.linear.gather @!p0 [hbm4b:s18+s20], $0x50, $0x38;
	[tilespmem:$0x19500] =	vst v63  }
0xae: {  	_ =	swait.ge @!p0 [sflag:s6], $0x50  }
0xaf: {  	[sflag:s6] =	ssyncset.done @!p0 $0x0  }
0xb0: {  	s18 =	simm.s32 @!p0 $0x7;
	[sflag:s6] =	ssyncadd.s32 @!p0 $0xFFFFFFB0  }
0xb1: {  	_ =	swait.ge @!p0 [sflag:s18], $0x2800  }
0xb2: {  	[sflag:s18] =	ssyncset.done @!p0 $0x0  }
0xb3: {  	[sflag:s18] =	ssyncadd.s32 @!p0 $0xFFFFD800  }
0xb4: {  	_ =	swait.ge @!p0 [sflag:s18], $0x2800  }
0xb5: {  	[sflag:s18] =	ssyncset.done @!p0 $0x0  }
0xb6: {  	[sflag:s18] =	ssyncadd.s32 @!p0 $0xFFFFD800;
	s18 =	simm.s32 @!p0 $0x2D00  }
0xb7: {  	[tilespmem:s18], [sflag:$0x2] =	stream.indirect.gather @!p0 [hbm4b:s2+s21], $0x80, s19, s21, $0xb8;
	[tilespmem:$0x19500] =	vst v63  }
0xb8: {  	s18 =	simm.s32 @!p0 $0xF500  }
0xb9: {  	[tilespmem:s18], [sflag:$0x2] =	stream.indirect.gather @!p0 [hbm4b:s3+s21], $0x80, s22, s21, $0xb8;
	[tilespmem:$0x19500] =	vst v63  }
0xba: {  	_ =	swait.ge [sflag:s4], $0x2800  }
0xbb: {  	[sflag:s4] =	ssyncset.done $0x0  }
0xbc: {  	[sflag:s4] =	ssyncadd.s32 $0xFFFFD800  }
0xbd: {  	_ =	swait.ge [sflag:s4], $0x2800  }
0xbe: {  	[sflag:s4] =	ssyncset.done $0x0  }
0xbf: {  	s19 =	sadd.s32 $0xA00, s31;
	s22 =	simm.s32 $0x5500;
	[sflag:s4] =	ssyncadd.s32 $0xFFFFD800  }
0xc0: {  	[hbm4b:s19+s5] =	stream.linear.scatter [tilespmem:s22], [sflag:$0x8], $0x2800, $0x38;
	[tilespmem:$0x19500] =	vst v63  }
0xc1: {  	s19 =	sadd.s32 $0xA00, s8;
	s22 =	simm.s32 $0x11D00  }
0xc2: {  	[hbm4b:s19+s5] =	stream.linear.scatter [tilespmem:s22], [sflag:$0x8], $0x2800, $0x38;
	[tilespmem:$0x19500] =	vst v63  }
0xc3: {  	s18 =	sadd.s32 @!p0 s14, s25;
	s19 =	simm.s32 @!p0 $0x100  }
0xc4: {  	[tilespmem:s19], [sflag:$0xB] =	stream.linear.gather @!p0 [hbm4b:s18+s20], $0x50, $0x38;
	[tilespmem:$0x19500] =	vst v63  }
0xc5: {  	_ =	swait.ge @!p0 [sflag:s6], $0x50  }
0xc6: {  	[sflag:s6] =	ssyncset.done @!p0 $0x0  }
0xc7: {  	s22 =	simm.s32 @!p0 $0x380;
	s18 =	sadd.s32 @!p0 s14, s24;
	[sflag:s6] =	ssyncadd.s32 @!p0 $0xFFFFFFB0  }
0xc8: {  	[tilespmem:s22], [sflag:$0xB] =	stream.linear.gather @!p0 [hbm4b:s18+s20], $0x50, $0x38;
	[tilespmem:$0x19500] =	vst v63  }
0xc9: {  	_ =	swait.ge @!p0 [sflag:s6], $0x50  }
0xca: {  	[sflag:s6] =	ssyncset.done @!p0 $0x0  }
0xcb: {  	s18 =	simm.s32 @!p0 $0x8;
	[sflag:s6] =	ssyncadd.s32 @!p0 $0xFFFFFFB0  }
0xcc: {  	_ =	swait.ge @!p0 [sflag:s18], $0x2800  }
0xcd: {  	[sflag:s18] =	ssyncset.done @!p0 $0x0  }
0xce: {  	[sflag:s18] =	ssyncadd.s32 @!p0 $0xFFFFD800  }
0xcf: {  	_ =	swait.ge @!p0 [sflag:s18], $0x2800  }
0xd0: {  	[sflag:s18] =	ssyncset.done @!p0 $0x0  }
0xd1: {  	[sflag:s18] =	ssyncadd.s32 @!p0 $0xFFFFD800;
	s18 =	simm.s32 @!p0 $0x5500  }
0xd2: {  	[tilespmem:s18], [sflag:$0x3] =	stream.indirect.gather @!p0 [hbm4b:s2+s21], $0x80, s19, s21, $0xb8;
	[tilespmem:$0x19500] =	vst v63  }
0xd3: {  	s18 =	simm.s32 @!p0 $0x11D00  }
0xd4: {  	[tilespmem:s18], [sflag:$0x3] =	stream.indirect.gather @!p0 [hbm4b:s3+s21], $0x80, s22, s21, $0xb8;
	[tilespmem:$0x19500] =	vst v63  }
0xd5: {  	_ =	swait.ge [sflag:s1], $0x2800  }
0xd6: {  	[sflag:s1] =	ssyncset.done $0x0  }
0xd7: {  	[sflag:s1] =	ssyncadd.s32 $0xFFFFD800  }
0xd8: {  	_ =	swait.ge [sflag:s1], $0x2800  }
0xd9: {  	[sflag:s1] =	ssyncset.done $0x0  }
0xda: {  	s19 =	sadd.s32 $0xF00, s31;
	s22 =	simm.s32 $0x7D00;
	[sflag:s1] =	ssyncadd.s32 $0xFFFFD800  }
0xdb: {  	[hbm4b:s19+s5] =	stream.linear.scatter [tilespmem:s22], [sflag:$0x9], $0x2800, $0x38;
	[tilespmem:$0x19500] =	vst v63  }
0xdc: {  	s18 =	rddreg [dreg:$0x15];
	s19 =	sadd.s32 $0xF00, s8;
	s22 =	simm.s32 $0x14500  }
0xdd: {  	[hbm4b:s19+s5] =	stream.linear.scatter [tilespmem:s22], [sflag:$0x9], $0x2800, $0x38;
	[tilespmem:$0x19500] =	vst v63  }
0xde: {  	s18 =	sadd.s32 @!p0 s14, s18;
	s19 =	simm.s32 @!p0 $0x180  }
0xdf: {  	[tilespmem:s19], [sflag:$0xB] =	stream.linear.gather @!p0 [hbm4b:s18+s20], $0x50, $0x38;
	[tilespmem:$0x19500] =	vst v63  }
0xe0: {  	_ =	swait.ge @!p0 [sflag:s6], $0x50  }
0xe1: {  	[sflag:s6] =	ssyncset.done @!p0 $0x0;
	s18 =	rddreg [dreg:$0x14]  }
0xe2: {  	s22 =	simm.s32 @!p0 $0x400;
	[sflag:s6] =	ssyncadd.s32 @!p0 $0xFFFFFFB0;
	s18 =	sadd.s32 @!p0 s14, s18  }
0xe3: {  	[tilespmem:s22], [sflag:$0xB] =	stream.linear.gather @!p0 [hbm4b:s18+s20], $0x50, $0x38;
	[tilespmem:$0x19500] =	vst v63  }
0xe4: {  	_ =	swait.ge @!p0 [sflag:s6], $0x50  }
0xe5: {  	[sflag:s6] =	ssyncset.done @!p0 $0x0  }
0xe6: {  	[sflag:s6] =	ssyncadd.s32 @!p0 $0xFFFFFFB0;
	s6 =	simm.s32 @!p0 $0x9  }
0xe7: {  	_ =	swait.ge @!p0 [sflag:s6], $0x2800  }
0xe8: {  	[sflag:s6] =	ssyncset.done @!p0 $0x0  }
0xe9: {  	[sflag:s6] =	ssyncadd.s32 @!p0 $0xFFFFD800  }
0xea: {  	_ =	swait.ge @!p0 [sflag:s6], $0x2800  }
0xeb: {  	[sflag:s6] =	ssyncset.done @!p0 $0x0  }
0xec: {  	[sflag:s6] =	ssyncadd.s32 @!p0 $0xFFFFD800;
	s6 =	simm.s32 @!p0 $0x7D00  }
0xed: {  	[tilespmem:s6], [sflag:$0x4] =	stream.indirect.gather @!p0 [hbm4b:s2+s21], $0x80, s19, s21, $0xb8;
	[tilespmem:$0x19500] =	vst v63  }
0xee: {  	s6 =	simm.s32 @!p0 $0x14500  }
0xef: {  	[tilespmem:s6], [sflag:$0x4] =	stream.indirect.gather @!p0 [hbm4b:s3+s21], $0x80, s22, s21, $0xb8;
	[tilespmem:$0x19500] =	vst v63  }
0xf0: {  	_ =	swait.ge [sflag:s7], $0x2800  }
0xf1: {  	[sflag:s7] =	ssyncset.done $0x0  }
0xf2: {  	[sflag:s7] =	ssyncadd.s32 $0xFFFFD800  }
0xf3: {  	_ =	swait.ge [sflag:s7], $0x2800  }
.Ltmp2:
0xf4: {  	[sflag:s7] =	ssyncset.done $0x0;
	(pc) =	sbr.rel @p0 .LBB2_4-.Ltmp2, $4  }
0xf5: {  	s22 =	sadd.s32 $0x1400, s31;
	[sflag:s7] =	ssyncadd.s32 $0xFFFFD800  }
0xf6: {  	[hbm4b:s22+s5] =	stream.linear.scatter [tilespmem:s12], [sflag:$0xA], $0x2800, $0x38;
	[tilespmem:$0x19500] =	vst v63  }
0xf7: {  	s31 =	sadd.s32 $0x1400, s8  }
0xf8: {  	[hbm4b:s31+s5] =	stream.linear.scatter [tilespmem:s13], [sflag:$0xA], $0x2800, $0x38;
	[tilespmem:$0x19500] =	vst v63  }
0xf9: {  	s6 =	rddreg [dreg:$0x13]  }
0xfa: {  	s6 =	sadd.s32 s14, s6  }
0xfb: {  	[tilespmem:s9], [sflag:$0xB] =	stream.linear.gather [hbm4b:s6+s5], $0x50, $0x38;
	[tilespmem:$0x19500] =	vst v63  }
0xfc: {  	_ =	swait.ge [sflag:s30], $0x50  }
0xfd: {  	[sflag:s30] =	ssyncset.done $0x0;
	s31 =	rddreg [dreg:$0x12]  }
0xfe: {  	[sflag:s30] =	ssyncadd.s32 $0xFFFFFFB0;
	s6 =	sadd.s32 s14, s31  }
0xff: {  	[tilespmem:s29], [sflag:$0xB] =	stream.linear.gather [hbm4b:s6+s5], $0x50, $0x38;
	[tilespmem:$0x19500] =	vst v63  }
0x100: {  	_ =	swait.ge [sflag:s30], $0x50  }
0x101: {  	[sflag:s30] =	ssyncset.done $0x0  }
0x102: {  	[sflag:s30] =	ssyncadd.s32 $0xFFFFFFB0  }
0x103: {  	_ =	swait.ge [sflag:s10], $0x2800  }
0x104: {  	[sflag:s10] =	ssyncset.done $0x0  }
0x105: {  	[sflag:s10] =	ssyncadd.s32 $0xFFFFD800  }
0x106: {  	_ =	swait.ge [sflag:s10], $0x2800  }
.Ltmp3:
0x107: {  	[sflag:s10] =	ssyncset.done $0x0;
	(pc) =	sbr.rel .LBB2_2-.Ltmp3, $4  }
0x108: {  	[sflag:s10] =	ssyncadd.s32 $0xFFFFD800  }
0x109: {  	[tilespmem:s12], [sflag:$0x5] =	stream.indirect.gather [hbm4b:s2+s0], $0x80, s9, s0, $0xb8;
	[tilespmem:$0x19500] =	vst v63  }
0x10a: {  	s15 =	sadd.s32 $0x1900, s15;
	s11 =	sadd.s32 $0x190, s11;
	s14 =	sadd.s32 $0x32, s14  }
0x10b: {  	[tilespmem:s13], [sflag:$0x5] =	stream.indirect.gather [hbm4b:s3+s0], $0x80, s29, s0, $0xb8;
	[tilespmem:$0x19500] =	vst v63  }
.LBB2_5:
0x10c: {  	_ =	sfence.sel $0x180000  }
0x10d: {  	[bflag:$0x0] =	sbarrier.arrive $0xFFFF  }
0x10e: {  	_ =	strace $0x9000004A  }
0x10f: {  	s0 =	stileid.u32;
	[bflag:$0x2] =	sbarrier.arrive $0xFFFF  }
0x110: {  	p0 =	sne.s32 s0, $0x0;
	s0 =	rddreg [dreg:$0x4]  }
0x111: {  	s0 =	sadd.s32 @!p0 $0x100000, s0  }
0x112: {  	[sflag:s0] =	ssyncadd.tile.s32 @!p0 $0x1;
	_ =	shalt  }
.Lfunc_end2:
_tile_overlayer_lowered:
.L_overlay_start_2:
0x113: {  	(tag) =	ssettag $0x2  }
0x114: {  	s0 =	rddreg [dreg:$0x0];
	s2 =	stileid.u32  }
0x115: {  	s1 =	rddreg [dreg:$0x1];
	p0 =	sne.s32 s2, $0x0  }
0x116: {  	s3 =	rddreg [dreg:$0x2];
	[bflag:$0x3] =	sbarrier.arrive $0xFFFF;
	s2 =	simm.s32 @!p0 $0x1C0B  }
0x117: {  	[timem:s3], [sflag:s2] =	dma.local @!p0 [hbm:s0], s1  }
0x118: {  	s0 =	simm.s32 @!p0 $0xB  }
0x119: {  	_ =	swait.ge @!p0 [sflag:s0], s1  }
0x11a: {  	s1 =	ssub.s32 @!p0 $0x0, s1;
	[sflag:s0] =	ssyncset.done @!p0 $0x0  }
0x11b: {  	[sflag:s0] =	ssyncadd.s32 @!p0 s1  }
0x11c: {  	[bflag:$0x3] =	sbarrier.arrive $0xFFFF  }
0x11d: {  	_ =	shalt  }

// kernel: kernel.9.cloned.1.call-start
scs
__scs_entry_jumppad:
0x0: {  	(pc) =	sbr.rel $0x88, $3  }
0x1: {  	(tag) =	ssettag $0x0;
	lr =	simm.s32 $0x1  }
0x2: {  	[smem:$0x3F90] =	sst lr;
	_ =	strace $0xD0000000  }
0x3: {  	_ = 	snop  }
0x4: {  	_ = 	snop  }
0x5: {  	_ = 	snop  }
0x6: {  	_ = 	snop  }
0x7: {  	_ = 	snop  }
__scs_overlays_trampoline_lowered:
0x8: {  	[smem:$0x3F9F] =	sst s0  }
0x9: {  	[smem:$0x3FA0] =	sst s1  }
0xa: {  	[smem:$0x3FA1] =	sst s2  }
0xb: {  	[smem:$0x3FA2] =	sst s3  }
0xc: {  	[smem:$0x3FA3] =	sst s4  }
0xd: {  	[smem:$0x3FA4] =	sst s5  }
0xe: {  	[smem:$0x3FA5] =	sst s6  }
0xf: {  	[smem:$0x3FA6] =	sst s7  }
0x10: {  	[smem:$0x3FA7] =	sst s8  }
0x11: {  	[smem:$0x3FA8] =	sst s9;
	s0 =	simm.s32 @!p0 $0x0  }
0x12: {  	s1 =	sld [smem:$0x3F8E];
	s0 =	simm.s32 @p0 $0x1  }
0x13: {  	[smem:$0x3FA9] =	sst s0;
	s0 =	simm.s32 @!p1 $0x0  }
0x14: {  	s2 =	sld [smem:$0x3F8D];
	s0 =	simm.s32 @p1 $0x1  }
0x15: {  	[smem:$0x3FAA] =	sst s0;
	s0 =	simm.s32 @!p2 $0x0  }
0x16: {  	s3 =	sld [smem:$0x3FDB];
	s0 =	simm.s32 @p2 $0x1  }
0x17: {  	s4 =	simm.s32 $0x1BF5;
	[smem:$0x3FAC] =	sst s0  }
0x18: {  	s0 =	sld [smem:$0x3F8F];
	_ =	swait.ge [sflag:s4], $0x0  }
0x19: {  	s7 =	sld [smem:$0x3F90]  }
0x1a: {  	s8 =	sadd.s32 $0xFFFFE003, lr  }
0x1b: {  	s9 =	sadd.s32 $0xFFFFFEF7, lr;
	s5 =	simm.s32 $0xFFFFFFFF;
	p2 =	slt.u32 s8, $0xFFFFF086  }
0x1c: {  	p1 =	slt.u32 s9, $0xF7A;
	s5 =	simm.s32 @!p2 $0x0  }
0x1d: {  	s5 =	simm.s32 @p1 $0x1;
	p0 =	seq.s32 s7, s2  }
0x1e: {  	s7 =	smul.u32 @!p0 $0xF7A, s2;
	p2 =	seq.s32 @!p0 s5, $0x0  }
0x1f: {  	s9 =	smul.u32 $0xF7A, s1;
	s8 =	simm.s32 @!p0 $0x1BF5;
	p2 =	por !p2, p0  }
0x20: {  	[sflag:s8] =	ssyncset.s32 @!p0 $0xFFFFF086;
	s6 =	sadd.s32 @!p0 s3, s7;
	s7 =	simm.s32 @!p0 $0x108  }
0x21: {  	s3 =	sadd.s32 s3, s9;
	s6 =	sadd.s32 @!p0 $0x88, s6;
	s7 =	simm.s32 @p2 $0x1082  }
0x22: {  	[simem:s7], [sflag:s8] =	dma.local @!p0 [hbm:s6], $0xF7A  }
0x23: {  	s9 =	sor.u32 $0xD0000000, s2;
	s6 =	simm.s32 $0x108;
	_ =	swait.ge @!p0 [sflag:s8], $0x0  }
0x24: {  	s3 =	sadd.s32 $0x88, s3;
	s6 =	simm.s32 @!p1 $0x1082;
	[sflag:s4] =	ssyncset.s32 $0xFFFFF086  }
0x25: {  	[simem:s6], [sflag:s4] =	dma.local [hbm:s3], $0xF7A  }
0x26: {  	[smem:$0x3F90] =	sst s1;
	(tag) =	ssettag s2;
	_ =	strace s9  }
0x27: {  	s1 =	sld [smem:$0x3FA0]  }
0x28: {  	s2 =	sld [smem:$0x3FA1]  }
0x29: {  	s4 =	sld [smem:$0x3FA3]  }
0x2a: {  	p0 =	seq.s32 s5, $0x0;
	s5 =	sld [smem:$0x3FA4]  }
0x2b: {  	s6 =	sld [smem:$0x3FA5]  }
0x2c: {  	s7 =	sld [smem:$0x3FA6]  }
0x2d: {  	s3 =	simm.s32 $0x108;
	s8 =	sld [smem:$0x3FA7]  }
0x2e: {  	s3 =	simm.s32 @!p0 $0x1082;
	s9 =	sld [smem:$0x3FA8]  }
0x2f: {  	lr =	sadd.s32 s0, s3;
	s0 =	sld [smem:$0x3F9F]  }
0x30: {  	s3 =	sld [smem:$0x3FA2]  }
0x31: {  	[smem:$0x3FAB] =	sst s10  }
0x32: {  	s10 =	sld [smem:$0x3FA9];
	_ =	sdelay $0x3  }
0x33: {  	p0 =	seq.s32 s10, $0x1;
	s10 =	sld [smem:$0x3FAB];
	_ =	sdelay $0x3  }
0x34: {  	[smem:$0x3FAB] =	sst s10  }
0x35: {  	s10 =	sld [smem:$0x3FAA];
	_ =	sdelay $0x3  }
0x36: {  	p1 =	seq.s32 s10, $0x1;
	s10 =	sld [smem:$0x3FAB];
	_ =	sdelay $0x3  }
0x37: {  	[smem:$0x3FAB] =	sst s10  }
0x38: {  	s10 =	sld [smem:$0x3FAC]  }
0x39: {  	_ = 	snop;
	(pc) =	sbr.ind lr, $3  }
0x3a: {  	_ = 	snop  }
0x3b: {  	_ = 	snop  }
0x3c: {  	p2 =	seq.s32 s10, $0x1;
	s10 =	sld [smem:$0x3FAB]  }
0x3d: {  	_ =	shalt  }
0x3e: {  	_ =	shalt  }
0x3f: {  	_ =	shalt  }
0x40: {  	_ =	shalt  }
0x41: {  	_ =	shalt  }
0x42: {  	_ =	shalt  }
0x43: {  	_ =	shalt  }
0x44: {  	_ =	shalt  }
0x45: {  	_ =	shalt  }
0x46: {  	_ =	shalt  }
0x47: {  	_ =	shalt  }
0x48: {  	_ =	shalt  }
0x49: {  	_ =	shalt  }
0x4a: {  	_ =	shalt  }
0x4b: {  	_ =	shalt  }
0x4c: {  	_ =	shalt  }
0x4d: {  	_ =	shalt  }
0x4e: {  	_ =	shalt  }
0x4f: {  	_ =	shalt  }
0x50: {  	_ =	shalt  }
0x51: {  	_ =	shalt  }
0x52: {  	_ =	shalt  }
0x53: {  	_ =	shalt  }
0x54: {  	_ =	shalt  }
0x55: {  	_ =	shalt  }
0x56: {  	_ =	shalt  }
0x57: {  	_ =	shalt  }
0x58: {  	_ =	shalt  }
0x59: {  	_ =	shalt  }
0x5a: {  	_ =	shalt  }
0x5b: {  	_ =	shalt  }
0x5c: {  	_ =	shalt  }
0x5d: {  	_ =	shalt  }
0x5e: {  	_ =	shalt  }
0x5f: {  	_ =	shalt  }
0x60: {  	_ =	shalt  }
0x61: {  	_ =	shalt  }
0x62: {  	_ =	shalt  }
0x63: {  	_ =	shalt  }
0x64: {  	_ =	shalt  }
0x65: {  	_ =	shalt  }
0x66: {  	_ =	shalt  }
0x67: {  	_ =	shalt  }
0x68: {  	_ =	shalt  }
0x69: {  	_ =	shalt  }
0x6a: {  	_ =	shalt  }
0x6b: {  	_ =	shalt  }
0x6c: {  	_ =	shalt  }
0x6d: {  	_ =	shalt  }
0x6e: {  	_ =	shalt  }
0x6f: {  	_ =	shalt  }
0x70: {  	_ =	shalt  }
0x71: {  	_ =	shalt  }
0x72: {  	_ =	shalt  }
0x73: {  	_ =	shalt  }
0x74: {  	_ =	shalt  }
0x75: {  	_ =	shalt  }
0x76: {  	_ =	shalt  }
0x77: {  	_ =	shalt  }
0x78: {  	_ =	shalt  }
0x79: {  	_ =	shalt  }
0x7a: {  	_ =	shalt  }
0x7b: {  	_ =	shalt  }
0x7c: {  	_ =	shalt  }
0x7d: {  	_ =	shalt  }
0x7e: {  	_ =	shalt  }
0x7f: {  	_ =	shalt  }
0x80: {  	_ =	shalt  }
0x81: {  	_ =	shalt  }
0x82: {  	_ =	shalt  }
0x83: {  	_ =	shalt  }
0x84: {  	_ =	shalt  }
0x85: {  	_ =	shalt  }
0x86: {  	_ =	shalt  }
0x87: {  	_ =	shalt  }
.Lfunc_end0:
.L_simem_size_0:
called_computation.2_lowered:
.L_overlay_start_0:
0x88: {  	s2 =	sld [smem:$0x3FD9]  }
0x89: {  	s3 =	sld [smem:$0x3FFE];
	_ =	sdelay $0x1  }
0x8a: {  	s1 =	srdreg.scid  }
0x8b: {  	s0 =	sand.u32 $0x1, s1  }
0x8c: {  	s17 =	sshll.u32 s0, $0xA;
	s2 =	sadd.s32 s3, s2  }
0x8d: {  	s2 =	sadd.s32 s2, s17  }
0x8e: {  	[smem:$0x3FB7] =	sst s2  }
0x8f: {  	_ = 	snop  }
0x90: {  	s2 =	sld [smem:$0x3FD0];
	(tm) =	ssettm $0x1  }
0x91: {  	s18 =	sld [smem:$0x3FFB];
	_ =	sdelay $0x3  }
0x92: {  	_ =	strace s18  }
0x93: {  	s3 =	sld [smem:$0x3FFC];
	_ =	sdelay $0x3  }
0x94: {  	_ =	strace s3  }
0x95: {  	s3 =	sld [smem:$0x3FFD];
	_ =	sdelay $0x3  }
0x96: {  	_ =	strace s3  }
0x97: {  	_ =	strace $0x8FFFFFFF  }
0x98: {  	s19 =	sld [smem:$0x3FDB];
	_ =	sdelay $0x1  }
0x99: {  	s4 =	simm.s32 $_scs_section_size  }
0x9a: {  	s5 =	simm.s32 $_size__tile_overlayer_lowered;
	s6 =	simm.s32 $_tile_overlayer_lowered  }
0x9b: {  	s22 =	simm.s32 $0x1BFF;
	s21 =	sshll.u32 s6, $0x1;
	s3 =	sadd.s32 s4, s19  }
0x9c: {  	s7 =	simm.s32 $0x0;
	s20 =	sshll.u32 s5, $0x1;
	s5 =	sadd.s32 s21, s3  }
0x9d: {  	[timem:s7], [sflag:s22] =	dma.local [hbm:s5], s20  }
0x9e: {  	_ =	swait.ge [sflag:s22], s20  }
0x9f: {  	s4 =	ssub.s32 $0x0, s20;
	[sflag:s22] =	ssyncset.done $0x0  }
0xa0: {  	[sflag:s22] =	ssyncadd.s32 s4;
	_ =	sdelay $0x1  }
0xa1: {  	s23 =	simm.s32 $0x1B8B  }
0xa2: {  	_ =	swait.ge [sflag:s23], $0x1  }
0xa3: {  	[sflag:s23] =	ssyncset.done $0x0  }
0xa4: {  	s25 =	simm.s32 $0x1B8E;
	s24 =	sld [smem:$0x3FFE];
	[sflag:s23] =	ssyncadd.s32 $0xFFFFFFFF  }
0xa5: {  	s26 =	simm.s32 $execute0_lowered;
	[smem:$0x3FD2] =	sst s25  }
0xa6: {  	s5 =	sshll.u32 s26, $0x1;
	_ =	strace $0x8000004C;
	[dreg:$0x1] =	wrdreg $0xFFFFFFFF  }
0xa7: {  	s28 =	simm.s32 $_size_execute0_lowered;
	s3 =	sadd.s32 s3, s5;
	[dreg:$0x0] =	wrdreg $0x0  }
0xa8: {  	s5 =	sshll.u32 s28, $0x1;
	[dreg:$0x2] =	wrdreg s3  }
0xa9: {  	[dreg:$0x3] =	wrdreg s5  }
0xaa: {  	[dreg:$0x4] =	wrdreg $0xC0  }
0xab: {  	_ =	task [dreg:s7], $0x5FFFF  }
0xac: {  	[dreg:$0x1] =	wrdreg $0xFFFFFFFF  }
0xad: {  	[dreg:$0x0] =	wrdreg $0x60  }
0xae: {  	[dreg:$0x2] =	wrdreg s24  }
0xaf: {  	[dreg:$0x3] =	wrdreg s2  }
0xb0: {  	[dreg:$0x4] =	wrdreg $0x6A000  }
0xb1: {  	[dreg:$0x5] =	wrdreg $0x9  }
0xb2: {  	_ =	task.clear_ibuf [dreg:s7], $0x6FFFF;
	_ =	strace $0x9000004C  }
0xb3: {  	s29 =	simm.s32 $0x9;
	_ =	strace $0x8000004E  }
0xb4: {  	_ =	swait.ge [sflag:s29], $0x1  }
0xb5: {  	[sflag:s29] =	ssyncadd.s32 $0xFFFFFFFF  }
0xb6: {  	_ =	strace $0x9000004E  }
0xb7: {  	_ =	sfence  }
0xb8: {  	s30 =	sld [smem:$0x0];
	_ =	sdelay $0x2  }
0xb9: {  	s31 =	sshll.u32 s1, $0xD;
	s1 =	sshrl.u32 s1, $0x2  }
0xba: {  	s3 =	sand.u32 $0x4000, s31;
	s1 =	sadd.s32 s1, s30  }
0xbb: {  	s0 =	sor.u32 s3, s0;
	s1 =	sshll.u32 s1, $0x11  }
0xbc: {  	s0 =	sor.u32 s1, s0  }
0xbd: {  	s0 =	sadd.s32 $0x8F2B, s0  }
0xbe: {  	[sflag:s0] =	ssyncadd.remote.s32 $0x1  }
0xbf: {  	_ =	sfence.sel $0xFFFF  }
0xc0: {  	[dreg:$0x0] =	wrdreg $0xFFFFFFFF;
	(pc) =	sbr.abs _section_cstart, $3  }
0xc1: {  	[dreg:$0x1] =	wrdreg $0xFFFFFFFF  }
0xc2: {  	_ =	task.clear_ibuf [dreg:s7], $0x2FFFF;
	_ =	strace $0x9FFFFFFF  }
0xc3: {  	(tm) =	ssettm $0x7FFFFFFF  }
tec
execute0_lowered:
.L_overlay_start_1:
0x0: {  	(tag) =	ssettag $0x1  }
0x1: {  	s0 =	rddreg [dreg:$0x0]  }
0x2: {  	s7 =	rddreg [dreg:$0x1]  }
0x3: {  	s1 =	rddreg [dreg:$0x2];
	s2 =	simm.s32 $0x0;
	s3 =	srdreg.scid  }
0x4: {  	s20 =	stileid.u32;
	s15 =	simm.s32 $0x30;
	s16 =	simm.s32 $0x6900  }
0x5: {  	s17 =	simm.s32 $0x5100;
	s18 =	simm.s32 $0x5;
	s21 =	simm.s32 $0x2900  }
0x6: {  	s22 =	simm.s32 $0x1;
	s23 =	simm.s32 $0x50;
	s24 =	simm.s32 $0x6  }
0x7: {  	s25 =	simm.s32 $0x3;
	s28 =	simm.s32 $0x4;
	s29 =	simm.s32 $0x6  }
0x8: {  	s30 =	simm.s32 $0x0;
	[smem:$0x7FF] =	sst s2;
	s5 =	smul.u32 $0x4E20, s20  }
0x9: {  	s9 =	sadd.s32 $0xEB3600, s0;
	s19 =	sand.u32 $0x1, s3;
	s11 =	smul.u32 $0x4E200, s20  }
0xa: {  	s8 =	sadd.s32 $0x1395600, s0;
	s12 =	sadd.s32 $0x3200, s0;
	s14 =	smul.u32 $0x9C4, s20  }
0xb: {  	s0 =	sadd.s32 $0xD000, s0;
	s31 =	smul.u32 $0x2700, s20;
	p0 =	sne.s32 s20, $0x0  }
0xc: {  	_ =	strace $0x8000004D;
	s3 =	ssub.s32 $0x2, s19;
	p2 =	seq.s32 s19, $0x0  }
0xd: {  	p1 =	sne.s32 s19, $0x0;
	s19 =	simm.s32 $0x100;
	s4 =	sshrl.u32 s3, $0x1  }
0xe: {  	s26 =	sshrl.u32 s5, $0x3;
	s13 =	sadd.s32 $0x50, s5;
	s5 =	sadd.s32 s8, s11  }
0xf: {  	s0 =	smov.u32 @p2 s7;
	s24 =	simm.s32 @!p2 $0x5;
	s10 =	ssub.s32 s3, s4  }
0x10: {  	s3 =	smul.u32 $0x270, s20;
	s4 =	sadd.s32 s12, s26;
	s6 =	sshrl.u32 s13, $0x3  }
0x11: {  	s13 =	sshll.u32 s13, $0x4;
	s20 =	simm.s32 $0x80;
	s26 =	simm.s32 $0x2  }
0x12: {  	s6 =	sadd.s32 s12, s6;
	s8 =	sadd.s32 s8, s13;
	s10 =	smax.u32 s10, $0x1  }
0x13: {  	s12 =	sadd.s32 s14, s12;
	[dreg:$0x4] =	wrdreg s8;
	s8 =	sadd.s32 s9, s11  }
0x14: {  	s9 =	sadd.s32 s9, s13;
	s11 =	sadd.s32 $0x27000, s0;
	s12 =	sadd.s32 $0x1E, s12  }
0x15: {  	v0 =	vimm.f32 $0.0e+00;
	v1 =	vlaneseq.u32;
	s13 =	sadd.s32 s31, s0;
	s14 =	sadd.s32 $0x20, s3;
	[dreg:$0x5] =	wrdreg s9  }
.LBB2_1:
0x16: {  	s0 =	simm.s32 $0x0;
	s31 =	simm.s32 $0x200  }
.LBB2_2:
0x17: {  	p2 =	sne.s32 s31, $0x5E00;
	[tilespmem:s0+$0x5170] =	vst v0  }
0x18: {  	[tilespmem:s0+$0x5100] =	vst v0  }
0x19: {  	[tilespmem:s0+$0x5110] =	vst v0  }
.Ltmp0:
0x1a: {  	[tilespmem:s0+$0x5120] =	vst v0;
	(pc) =	sbr.rel @p2 .LBB2_2-.Ltmp0, $4  }
0x1b: {  	[tilespmem:s0+$0x5130] =	vst v0  }
0x1c: {  	[tilespmem:s0+$0x5140] =	vst v0  }
0x1d: {  	[tilespmem:s0+$0x5150] =	vst v0  }
0x1e: {  	[tilespmem:s0+$0x5160] =	vst v0;
	s0 =	sshra.s32 s31, $0x2;
	s31 =	sadd.s32 $0x200, s31  }
0x1f: {  	[tilespmem:s0+$0x5170] =	vst v0  }
0x20: {  	[tilespmem:s0+$0x5100] =	vst v0  }
0x21: {  	[tilespmem:s0+$0x5110] =	vst v0  }
0x22: {  	[tilespmem:s0+$0x5120] =	vst v0  }
0x23: {  	[tilespmem:s0+$0x5130] =	vst v0  }
0x24: {  	[tilespmem:s0+$0x5140] =	vst v0  }
0x25: {  	[tilespmem:s0+$0x5150] =	vst v0;
	s7 =	sadd.s32 $0x0, s3  }
0x26: {  	[tilespmem:s0+$0x5160] =	vst v0;
	v2 =	vor.u32 s7, v1;
	s31 =	sadd.s32 $0x20, s7  }
0x27: {  	s7 =	sadd.s32 $0x10, s7;
	[tilespmem:$0x6900] =	vst v2;
	v2 =	vor.u32 s31, v1  }
0x28: {  	v3 =	vor.u32 s7, v1;
	[tilespmem:$0x6920] =	vst v2  }
0x29: {  	[tilespmem:$0x6910] =	vst v3  }
0x2a: {  	[spmem:s1] =	stream.indirect.scatter [tilespmem:s17], [sflag:$0x5], $0x80, s16, s15, $0xb8;
	[tilespmem:$0x1A280] =	vst v63  }
0x2b: {  	s0 =	simm.s32 $0x30;
	_ =	swait.ge [sflag:s18], $0x1800  }
.LBB2_4:
0x2c: {  	s7 =	sadd.s32 s0, s3;
	[sflag:s18] =	ssyncset.done $0x0;
	p2 =	sne.s32 s0, $0x240  }
.Ltmp1:
0x2d: {  	v2 =	vor.u32 s7, v1;
	s31 =	sadd.s32 $0x20, s7;
	[sflag:s18] =	ssyncadd.s32 $0xFFFFE800;
	(pc) =	sbr.rel @p2 .LBB2_4-.Ltmp1, $4  }
0x2e: {  	s0 =	sadd.s32 $0x30, s0;
	s7 =	sadd.s32 $0x10, s7;
	[tilespmem:$0x6900] =	vst v2;
	v2 =	vor.u32 s31, v1  }
0x2f: {  	v3 =	vor.u32 s7, v1;
	[tilespmem:$0x6920] =	vst v2  }
0x30: {  	[tilespmem:$0x6910] =	vst v3;
	[spmem:s1] =	stream.indirect.scatter [tilespmem:s17], [sflag:$0x5], $0x80, s16, s15, $0xb8  }
0x31: {  	_ =	swait.ge [sflag:s18], $0x1800  }
0x32: {  	[sflag:s18] =	ssyncset.done $0x0;
	v2 =	vlaneseq.u32 @!p0  }
0x33: {  	[sflag:s18] =	ssyncadd.s32 $0xFFFFE800;
	v2 =	vor.u32 @!p0 $0x2700, v2  }
0x34: {  	s0 =	simm.s32 @!p0 $0x10;
	s7 =	simm.s32 @!p0 $0x6980;
	s31 =	simm.s32 @!p0 $0x5100;
	[tilespmem:$0x6980] =	vst @!p0 v2  }
0x35: {  	[spmem:s1] =	stream.indirect.scatter @!p0 [tilespmem:s31], [sflag:$0x5], $0x80, s7, s0, $0xb8;
	[tilespmem:$0x1A280] =	vst v63  }
0x36: {  	s0 =	simm.s32 @!p0 $0x5  }
0x37: {  	_ =	swait.ge @!p0 [sflag:s0], $0x800  }
0x38: {  	[sflag:s0] =	ssyncset.done @!p0 $0x0  }
0x39: {  	[sflag:s0] =	ssyncadd.s32 @!p0 $0xFFFFF800  }
.Ltmp2:
0x3a: {  	[bflag:$0x0] =	sbarrier.arrive $0xFFFF;
	(pc) =	sbr.rel @p1 .LBB2_9-.Ltmp2, $4  }
0x3b: {  	[tilespmem:s2], [sflag:$0x5] =	stream.linear.gather [hbm4b:s4+s2], $0x50, $0x38;
	[tilespmem:$0x1A280] =	vst v63  }
0x3c: {  	_ =	swait.ge [sflag:s18], $0x50  }
0x3d: {  	[sflag:s18] =	ssyncset.done $0x0  }
0x3e: {  	s0 =	simm.s32 $0x0;
	[sflag:s18] =	ssyncadd.s32 $0xFFFFFFB0  }
0x3f: {  	[tilespmem:s19], [sflag:$0x1] =	stream.linear.gather [hbm4b:s8+s0], $0x2800, $0x38;
	[tilespmem:$0x1A280] =	vst v63  }
0x40: {  	_ = 	snop  }
0x41: {  	[tilespmem:s20], [sflag:$0x5] =	stream.linear.gather [hbm4b:s6+s0], $0x50, $0x38;
	[tilespmem:$0x1A280] =	vst v63  }
0x42: {  	_ =	swait.ge [sflag:s18], $0x50  }
0x43: {  	[sflag:s18] =	ssyncset.done $0x0  }
0x44: {  	s7 =	rddreg [dreg:$0x5];
	[sflag:s18] =	ssyncadd.s32 $0xFFFFFFB0  }
0x45: {  	[tilespmem:s21], [sflag:$0x2] =	stream.linear.gather [hbm4b:s7+s0], $0x2800, $0x38;
	[tilespmem:$0x1A280] =	vst v63  }
0x46: {  	_ =	swait.ge [sflag:s22], $0x2800  }
0x47: {  	[sflag:s22] =	ssyncset.done $0x0  }
0x48: {  	[sflag:s22] =	ssyncadd.s32 $0xFFFFD800  }
0x49: {  	[spmem:s1] =	stream.indirect.scatter.add.f32 [tilespmem:s19], [sflag:$0x3], $0x80, s2, s23, $0xb8;
	[tilespmem:$0x1A280] =	vst v63  }
0x4a: {  	_ =	swait.ge [sflag:s25], $0x2800  }
0x4b: {  	[sflag:s25] =	ssyncset.done $0x0  }
0x4c: {  	s7 =	sadd.s32 $0xFFFFFFF6, s12;
	[sflag:s25] =	ssyncadd.s32 $0xFFFFD800  }
0x4d: {  	[tilespmem:s2], [sflag:$0x5] =	stream.linear.gather [hbm4b:s7+s2], $0x50, $0x38;
	[tilespmem:$0x1A280] =	vst v63  }
0x4e: {  	_ =	swait.ge [sflag:s18], $0x50  }
0x4f: {  	s0 =	sadd.s32 $0x0, s8;
	[sflag:s18] =	ssyncset.done $0x0  }
0x50: {  	s9 =	sadd.s32 $0xA00, s0;
	[sflag:s18] =	ssyncadd.s32 $0xFFFFFFB0  }
0x51: {  	[tilespmem:s19], [sflag:$0x1] =	stream.linear.gather [hbm4b:s9+s2], $0x2800, $0x38;
	[tilespmem:$0x1A280] =	vst v63  }
0x52: {  	_ =	swait.ge [sflag:s26], $0x2800  }
0x53: {  	[sflag:s26] =	ssyncset.done $0x0  }
0x54: {  	[sflag:s26] =	ssyncadd.s32 $0xFFFFD800  }
0x55: {  	[spmem:s1] =	stream.indirect.scatter.add.f32 [tilespmem:s21], [sflag:$0x4], $0x80, s20, s23, $0xb8;
	[tilespmem:$0x1A280] =	vst v63  }
0x56: {  	_ =	swait.ge [sflag:s28], $0x2800  }
0x57: {  	[sflag:s28] =	ssyncset.done $0x0  }
0x58: {  	[sflag:s28] =	ssyncadd.s32 $0xFFFFD800  }
0x59: {  	[tilespmem:s20], [sflag:$0x5] =	stream.linear.gather [hbm4b:s12+s2], $0x50, $0x38;
	[tilespmem:$0x1A280] =	vst v63  }
0x5a: {  	_ =	swait.ge [sflag:s18], $0x50  }
0x5b: {  	s31 =	simm.s32 $0xA00;
	[sflag:s18] =	ssyncset.done $0x0  }
0x5c: {  	s7 =	sadd.s32 $0xF00, s0;
	s0 =	sadd.s32 $0x14, s12;
	[sflag:s18] =	ssyncadd.s32 $0xFFFFFFB0  }
.LBB2_7:
0x5d: {  	[tilespmem:s21], [sflag:$0x2] =	stream.linear.gather [hbm4b:s7+s2], $0x2800, $0x38;
	[tilespmem:$0x1A280] =	vst v63  }
0x5e: {  	s7 =	smov.u32 s31  }
0x5f: {  	p2 =	seq.s32 s31, $0x4CE00;
	s31 =	sadd.s32 $0xA00, s31;
	_ =	swait.ge [sflag:s22], $0x2800  }
0x60: {  	[sflag:s22] =	ssyncset.done $0x0  }
0x61: {  	[sflag:s22] =	ssyncadd.s32 $0xFFFFD800  }
0x62: {  	[spmem:s1] =	stream.indirect.scatter.add.f32 [tilespmem:s19], [sflag:$0x3], $0x80, s2, s23, $0xb8;
	[tilespmem:$0x1A280] =	vst v63  }
0x63: {  	_ =	swait.ge [sflag:s25], $0x2800  }
0x64: {  	[sflag:s25] =	ssyncset.done $0x0  }
0x65: {  	s9 =	sadd.s32 $0xFFFFFFF6, s0;
	[sflag:s25] =	ssyncadd.s32 $0xFFFFD800  }
0x66: {  	[tilespmem:s2], [sflag:$0x5] =	stream.linear.gather [hbm4b:s9+s2], $0x50, $0x38;
	[tilespmem:$0x1A280] =	vst v63  }
0x67: {  	_ =	swait.ge [sflag:s18], $0x50  }
0x68: {  	s7 =	sadd.s32 s7, s8;
	[sflag:s18] =	ssyncset.done $0x0  }
0x69: {  	s9 =	sadd.s32 $0xA00, s7;
	[sflag:s18] =	ssyncadd.s32 $0xFFFFFFB0  }
0x6a: {  	[tilespmem:s19], [sflag:$0x1] =	stream.linear.gather [hbm4b:s9+s2], $0x2800, $0x38;
	[tilespmem:$0x1A280] =	vst v63  }
0x6b: {  	_ =	swait.ge [sflag:s26], $0x2800  }
0x6c: {  	[sflag:s26] =	ssyncset.done $0x0  }
0x6d: {  	[sflag:s26] =	ssyncadd.s32 $0xFFFFD800  }
0x6e: {  	[spmem:s1] =	stream.indirect.scatter.add.f32 [tilespmem:s21], [sflag:$0x4], $0x80, s20, s23, $0xb8;
	[tilespmem:$0x1A280] =	vst v63  }
0x6f: {  	_ =	swait.ge [sflag:s28], $0x2800  }
0x70: {  	[sflag:s28] =	ssyncset.done $0x0  }
.Ltmp3:
0x71: {  	[sflag:s28] =	ssyncadd.s32 $0xFFFFD800;
	(pc) =	sbr.rel @!p2 .LBB2_7-.Ltmp3, $4  }
0x72: {  	[tilespmem:s20], [sflag:$0x5] =	stream.linear.gather [hbm4b:s0+s2], $0x50, $0x38;
	[tilespmem:$0x1A280] =	vst v63  }
0x73: {  	_ =	swait.ge [sflag:s18], $0x50  }
0x74: {  	[sflag:s18] =	ssyncset.done $0x0  }
0x75: {  	s7 =	sadd.s32 $0xF00, s7;
	s0 =	sadd.s32 $0x14, s0;
	[sflag:s18] =	ssyncadd.s32 $0xFFFFFFB0  }
.Ltmp4:
0x76: {  	(pc) =	sbr.rel .LBB2_12-.Ltmp4, $2  }
0x77: {  	_ =	sdelay $0x2  }
0x78: {  	[tilespmem:s21], [sflag:$0x2] =	stream.linear.gather [hbm4b:s7+s2], $0x2800, $0x38;
	[tilespmem:$0x1A280] =	vst v63  }
.LBB2_9:
0x79: {  	[tilespmem:s19], [sflag:$0x1] =	stream.linear.gather [hbm4b:s5+s0], $0x2800, $0x38;
	[tilespmem:$0x1A280] =	vst v63  }
0x7a: {  	_ = 	snop  }
0x7b: {  	[tilespmem:s20], [sflag:$0x5] =	stream.linear.gather [hbm4b:s6+s0], $0x50, $0x38;
	[tilespmem:$0x1A280] =	vst v63  }
0x7c: {  	_ =	swait.ge [sflag:s18], $0x50  }
0x7d: {  	[sflag:s18] =	ssyncset.done $0x0  }
0x7e: {  	s7 =	rddreg [dreg:$0x4];
	[sflag:s18] =	ssyncadd.s32 $0xFFFFFFB0  }
0x7f: {  	[tilespmem:s21], [sflag:$0x2] =	stream.linear.gather [hbm4b:s7+s0], $0x2800, $0x38;
	[tilespmem:$0x1A280] =	vst v63  }
0x80: {  	_ =	swait.ge [sflag:s22], $0x2800  }
0x81: {  	[sflag:s22] =	ssyncset.done $0x0  }
0x82: {  	[sflag:s22] =	ssyncadd.s32 $0xFFFFD800  }
0x83: {  	[spmem:s1] =	stream.indirect.scatter.add.f32 [tilespmem:s19], [sflag:$0x3], $0x80, s2, s23, $0xb8;
	[tilespmem:$0x1A280] =	vst v63  }
0x84: {  	_ =	swait.ge [sflag:s25], $0x2800  }
0x85: {  	[sflag:s25] =	ssyncset.done $0x0  }
0x86: {  	s7 =	sadd.s32 $0xFFFFFFF6, s12;
	[sflag:s25] =	ssyncadd.s32 $0xFFFFD800  }
0x87: {  	[tilespmem:s2], [sflag:$0x5] =	stream.linear.gather [hbm4b:s7+s2], $0x50, $0x38;
	[tilespmem:$0x1A280] =	vst v63  }
0x88: {  	_ =	swait.ge [sflag:s18], $0x50  }
0x89: {  	s0 =	sadd.s32 $0x0, s5;
	[sflag:s18] =	ssyncset.done $0x0  }
0x8a: {  	s9 =	sadd.s32 $0xA00, s0;
	[sflag:s18] =	ssyncadd.s32 $0xFFFFFFB0  }
0x8b: {  	[tilespmem:s19], [sflag:$0x1] =	stream.linear.gather [hbm4b:s9+s2], $0x2800, $0x38;
	[tilespmem:$0x1A280] =	vst v63  }
0x8c: {  	_ =	swait.ge [sflag:s26], $0x2800  }
0x8d: {  	[sflag:s26] =	ssyncset.done $0x0  }
0x8e: {  	[sflag:s26] =	ssyncadd.s32 $0xFFFFD800  }
0x8f: {  	[spmem:s1] =	stream.indirect.scatter.add.f32 [tilespmem:s21], [sflag:$0x4], $0x80, s20, s23, $0xb8;
	[tilespmem:$0x1A280] =	vst v63  }
0x90: {  	_ =	swait.ge [sflag:s28], $0x2800  }
0x91: {  	[sflag:s28] =	ssyncset.done $0x0  }
0x92: {  	[sflag:s28] =	ssyncadd.s32 $0xFFFFD800  }
0x93: {  	[tilespmem:s20], [sflag:$0x5] =	stream.linear.gather [hbm4b:s12+s2], $0x50, $0x38;
	[tilespmem:$0x1A280] =	vst v63  }
0x94: {  	_ =	swait.ge [sflag:s18], $0x50  }
0x95: {  	s31 =	simm.s32 $0xA00;
	[sflag:s18] =	ssyncset.done $0x0  }
0x96: {  	s7 =	sadd.s32 $0xF00, s0;
	s0 =	sadd.s32 $0x14, s12;
	[sflag:s18] =	ssyncadd.s32 $0xFFFFFFB0  }
.LBB2_10:
0x97: {  	[tilespmem:s21], [sflag:$0x2] =	stream.linear.gather [hbm4b:s7+s2], $0x2800, $0x38;
	[tilespmem:$0x1A280] =	vst v63  }
0x98: {  	s7 =	smov.u32 s31  }
0x99: {  	p2 =	sne.s32 s31, $0x4CE00;
	s31 =	sadd.s32 $0xA00, s31;
	_ =	swait.ge [sflag:s22], $0x2800  }
0x9a: {  	[sflag:s22] =	ssyncset.done $0x0  }
0x9b: {  	[sflag:s22] =	ssyncadd.s32 $0xFFFFD800  }
0x9c: {  	[spmem:s1] =	stream.indirect.scatter.add.f32 [tilespmem:s19], [sflag:$0x3], $0x80, s2, s23, $0xb8;
	[tilespmem:$0x1A280] =	vst v63  }
0x9d: {  	_ =	swait.ge [sflag:s25], $0x2800  }
0x9e: {  	[sflag:s25] =	ssyncset.done $0x0  }
0x9f: {  	s9 =	sadd.s32 $0xFFFFFFF6, s0;
	[sflag:s25] =	ssyncadd.s32 $0xFFFFD800  }
0xa0: {  	[tilespmem:s2], [sflag:$0x5] =	stream.linear.gather [hbm4b:s9+s2], $0x50, $0x38;
	[tilespmem:$0x1A280] =	vst v63  }
0xa1: {  	_ =	swait.ge [sflag:s18], $0x50  }
0xa2: {  	s7 =	sadd.s32 s7, s5;
	[sflag:s18] =	ssyncset.done $0x0  }
0xa3: {  	s9 =	sadd.s32 $0xA00, s7;
	[sflag:s18] =	ssyncadd.s32 $0xFFFFFFB0  }
0xa4: {  	[tilespmem:s19], [sflag:$0x1] =	stream.linear.gather [hbm4b:s9+s2], $0x2800, $0x38;
	[tilespmem:$0x1A280] =	vst v63  }
0xa5: {  	_ =	swait.ge [sflag:s26], $0x2800  }
0xa6: {  	[sflag:s26] =	ssyncset.done $0x0  }
0xa7: {  	[sflag:s26] =	ssyncadd.s32 $0xFFFFD800  }
0xa8: {  	[spmem:s1] =	stream.indirect.scatter.add.f32 [tilespmem:s21], [sflag:$0x4], $0x80, s20, s23, $0xb8;
	[tilespmem:$0x1A280] =	vst v63  }
0xa9: {  	_ =	swait.ge [sflag:s28], $0x2800  }
0xaa: {  	[sflag:s28] =	ssyncset.done $0x0  }
.Ltmp5:
0xab: {  	[sflag:s28] =	ssyncadd.s32 $0xFFFFD800;
	(pc) =	sbr.rel @p2 .LBB2_10-.Ltmp5, $4  }
0xac: {  	[tilespmem:s20], [sflag:$0x5] =	stream.linear.gather [hbm4b:s0+s2], $0x50, $0x38;
	[tilespmem:$0x1A280] =	vst v63  }
0xad: {  	_ =	swait.ge [sflag:s18], $0x50  }
0xae: {  	[sflag:s18] =	ssyncset.done $0x0  }
0xaf: {  	s7 =	sadd.s32 $0xF00, s7;
	s0 =	sadd.s32 $0x14, s0;
	[sflag:s18] =	ssyncadd.s32 $0xFFFFFFB0  }
0xb0: {  	[tilespmem:s21], [sflag:$0x2] =	stream.linear.gather [hbm4b:s7+s2], $0x2800, $0x38;
	[tilespmem:$0x1A280] =	vst v63  }
.LBB2_12:
0xb1: {  	_ =	swait.ge [sflag:s22], $0x2800  }
0xb2: {  	[sflag:s22] =	ssyncset.done $0x0  }
0xb3: {  	s0 =	simm.s32 $0x0;
	[sflag:s22] =	ssyncadd.s32 $0xFFFFD800  }
0xb4: {  	[spmem:s1] =	stream.indirect.scatter.add.f32 [tilespmem:s19], [sflag:$0x3], $0x80, s0, s23, $0xb8;
	[tilespmem:$0x1A280] =	vst v63  }
0xb5: {  	_ =	swait.ge [sflag:s26], $0x2800  }
0xb6: {  	[sflag:s26] =	ssyncset.done $0x0  }
0xb7: {  	[sflag:s26] =	ssyncadd.s32 $0xFFFFD800  }
0xb8: {  	[spmem:s1] =	stream.indirect.scatter.add.f32 [tilespmem:s21], [sflag:$0x4], $0x80, s20, s23, $0xb8;
	[tilespmem:$0x1A280] =	vst v63  }
0xb9: {  	_ =	swait.ge [sflag:s25], $0x2800  }
0xba: {  	[sflag:s25] =	ssyncset.done $0x0  }
0xbb: {  	[sflag:s25] =	ssyncadd.s32 $0xFFFFD800  }
0xbc: {  	_ =	swait.ge [sflag:s28], $0x2800  }
0xbd: {  	[sflag:s28] =	ssyncset.done $0x0  }
0xbe: {  	[sflag:s28] =	ssyncadd.s32 $0xFFFFD800  }
0xbf: {  	s9 =	sadd.s32 $0xFFFFFFE0, s14;
	v2 =	vor.u32 s14, v1;
	[bflag:$0x0] =	sbarrier.arrive $0xFFFF  }
0xc0: {  	s7 =	sadd.s32 $0xFFFFFFF0, s14;
	v3 =	vor.u32 s9, v1;
	[tilespmem:$0x6920] =	vst v2  }
0xc1: {  	v2 =	vor.u32 s7, v1;
	[tilespmem:$0x6900] =	vst v3  }
0xc2: {  	[tilespmem:$0x6910] =	vst v2  }
0xc3: {  	[tilespmem:s17], [sflag:$0x6] =	stream.indirect.gather [spmem:s1], $0x80, s16, s15, $0xb8;
	[tilespmem:$0x1A280] =	vst v63  }
0xc4: {  	_ =	swait.ge [sflag:s29], $0x1800  }
0xc5: {  	[sflag:s29] =	ssyncset.done $0x0  }
0xc6: {  	s9 =	sadd.s32 $0x0, s13;
	[sflag:s29] =	ssyncadd.s32 $0xFFFFE800  }
0xc7: {  	[hbm4b:s9+s2] =	stream.linear.scatter [tilespmem:s17], [sflag:s24], $0x1800, $0x38;
	[tilespmem:$0x1A280] =	vst v63  }
0xc8: {  	s31 =	smov.u32 s14;
	s0 =	simm.s32 $0x300;
	_ =	swait.ge [sflag:s24], $0x1800  }
.LBB2_13:
0xc9: {  	p2 =	sne.s32 s0, $0x2400;
	[sflag:s24] =	ssyncset.done $0x0;
	s31 =	sadd.s32 $0x30, s31  }
0xca: {  	s7 =	sadd.s32 $0xFFFFFFE0, s31;
	s9 =	sadd.s32 $0xFFFFFFF0, s31;
	v2 =	vor.u32 s31, v1;
	[sflag:s24] =	ssyncadd.s32 $0xFFFFE800  }
0xcb: {  	v3 =	vor.u32 s7, v1;
	v4 =	vor.u32 s9, v1;
	[tilespmem:$0x6920] =	vst v2;
	s7 =	smov.u32 s0;
	s0 =	sadd.s32 $0x300, s0  }
0xcc: {  	[tilespmem:$0x6900] =	vst v3  }
0xcd: {  	[tilespmem:$0x6910] =	vst v4  }
0xce: {  	[tilespmem:s17], [sflag:$0x6] =	stream.indirect.gather [spmem:s1], $0x80, s16, s15, $0xb8;
	[tilespmem:$0x1A280] =	vst v63  }
.Ltmp6:
0xcf: {  	_ =	swait.ge [sflag:s29], $0x1800;
	(pc) =	sbr.rel @p2 .LBB2_13-.Ltmp6, $4  }
0xd0: {  	s7 =	sadd.s32 s7, s13;
	[sflag:s29] =	ssyncset.done $0x0  }
0xd1: {  	[sflag:s29] =	ssyncadd.s32 $0xFFFFE800  }
0xd2: {  	[hbm4b:s7+s2] =	stream.linear.scatter [tilespmem:s17], [sflag:s24], $0x1800, $0x38;
	[tilespmem:$0x1A280] =	vst v63  }
0xd3: {  	_ =	swait.ge [sflag:s24], $0x1800  }
0xd4: {  	[sflag:s24] =	ssyncset.done $0x0;
	v2 =	vlaneseq.u32 @!p0  }
0xd5: {  	[sflag:s24] =	ssyncadd.s32 $0xFFFFE800;
	v2 =	vor.u32 @!p0 $0x2700, v2  }
0xd6: {  	s0 =	simm.s32 @!p0 $0x10;
	s7 =	simm.s32 @!p0 $0x6980;
	s9 =	simm.s32 @!p0 $0x5100;
	[tilespmem:$0x6980] =	vst @!p0 v2  }
0xd7: {  	[tilespmem:s9], [sflag:$0x5] =	stream.indirect.gather @!p0 [spmem:s1], $0x80, s7, s0, $0xb8;
	[tilespmem:$0x1A280] =	vst v63  }
0xd8: {  	s0 =	simm.s32 @!p0 $0x5  }
0xd9: {  	s30 =	sadd.s32 $0x1, s30;
	_ =	swait.ge @!p0 [sflag:s0], $0x800  }
0xda: {  	p2 =	sne.s32 s30, s10;
	[sflag:s0] =	ssyncset.done @!p0 $0x0  }
.Ltmp7:
0xdb: {  	s7 =	simm.s32 @!p0 $0x0;
	[sflag:s0] =	ssyncadd.s32 @!p0 $0xFFFFF800;
	(pc) =	sbr.rel @p2 .LBB2_1-.Ltmp7, $4  }
0xdc: {  	[hbm4b:s11+s7] =	stream.linear.scatter @!p0 [tilespmem:s9], [sflag:$0x5], $0x800, $0x38;
	[tilespmem:$0x1A280] =	vst v63  }
0xdd: {  	_ =	swait.ge @!p0 [sflag:s0], $0x800  }
0xde: {  	[sflag:s0] =	ssyncset.done @!p0 $0x0  }
0xdf: {  	[sflag:s0] =	ssyncadd.s32 @!p0 $0xFFFFF800  }
0xe0: {  	_ =	sfence.sel $0x180000  }
0xe1: {  	[bflag:$0x0] =	sbarrier.arrive $0xFFFF  }
0xe2: {  	_ =	strace $0x9000004D  }
0xe3: {  	[bflag:$0x2] =	sbarrier.arrive $0xFFFF  }
0xe4: {  	s0 =	rddreg [dreg:$0x3]  }
0xe5: {  	s0 =	sadd.s32 @!p0 $0x100000, s0  }
0xe6: {  	[sflag:s0] =	ssyncadd.tile.s32 @!p0 $0x1;
	_ =	shalt  }
.Lfunc_end2:
_tile_overlayer_lowered:
.L_overlay_start_2:
0xe7: {  	(tag) =	ssettag $0x2  }
0xe8: {  	s0 =	rddreg [dreg:$0x0];
	s2 =	stileid.u32  }
0xe9: {  	s1 =	rddreg [dreg:$0x1];
	p0 =	sne.s32 s2, $0x0  }
0xea: {  	s3 =	rddreg [dreg:$0x2];
	[bflag:$0x3] =	sbarrier.arrive $0xFFFF;
	s2 =	simm.s32 @!p0 $0x1C05  }
0xeb: {  	[timem:s3], [sflag:s2] =	dma.local @!p0 [hbm:s0], s1  }
0xec: {  	s0 =	simm.s32 @!p0 $0x5  }
0xed: {  	_ =	swait.ge @!p0 [sflag:s0], s1  }
0xee: {  	s1 =	ssub.s32 @!p0 $0x0, s1;
	[sflag:s0] =	ssyncset.done @!p0 $0x0  }
0xef: {  	[sflag:s0] =	ssyncadd.s32 @!p0 s1  }
0xf0: {  	[bflag:$0x3] =	sbarrier.arrive $0xFFFF  }
0xf1: {  	_ =	shalt  }

// kernel: scatter_offload_async_start
scs
__scs_entry_jumppad:
0x0: {  	(pc) =	sbr.rel $0x88, $3  }
0x1: {  	(tag) =	ssettag $0x0;
	lr =	simm.s32 $0x1  }
0x2: {  	[smem:$0x3F90] =	sst lr;
	_ =	strace $0xD0000000  }
0x3: {  	_ = 	snop  }
0x4: {  	_ = 	snop  }
0x5: {  	_ = 	snop  }
0x6: {  	_ = 	snop  }
0x7: {  	_ = 	snop  }
__scs_overlays_trampoline_lowered:
0x8: {  	[smem:$0x3F9F] =	sst s0  }
0x9: {  	[smem:$0x3FA0] =	sst s1  }
0xa: {  	[smem:$0x3FA1] =	sst s2  }
0xb: {  	[smem:$0x3FA2] =	sst s3  }
0xc: {  	[smem:$0x3FA3] =	sst s4  }
0xd: {  	[smem:$0x3FA4] =	sst s5  }
0xe: {  	[smem:$0x3FA5] =	sst s6  }
0xf: {  	[smem:$0x3FA6] =	sst s7  }
0x10: {  	[smem:$0x3FA7] =	sst s8  }
0x11: {  	[smem:$0x3FA8] =	sst s9;
	s0 =	simm.s32 @!p0 $0x0  }
0x12: {  	s1 =	sld [smem:$0x3F8E];
	s0 =	simm.s32 @p0 $0x1  }
0x13: {  	[smem:$0x3FA9] =	sst s0;
	s0 =	simm.s32 @!p1 $0x0  }
0x14: {  	s2 =	sld [smem:$0x3F8D];
	s0 =	simm.s32 @p1 $0x1  }
0x15: {  	[smem:$0x3FAA] =	sst s0;
	s0 =	simm.s32 @!p2 $0x0  }
0x16: {  	s3 =	sld [smem:$0x3FDB];
	s0 =	simm.s32 @p2 $0x1  }
0x17: {  	s4 =	simm.s32 $0x1BF5;
	[smem:$0x3FAC] =	sst s0  }
0x18: {  	s0 =	sld [smem:$0x3F8F];
	_ =	swait.ge [sflag:s4], $0x0  }
0x19: {  	s7 =	sld [smem:$0x3F90]  }
0x1a: {  	s8 =	sadd.s32 $0xFFFFE003, lr  }
0x1b: {  	s9 =	sadd.s32 $0xFFFFFEF7, lr;
	s5 =	simm.s32 $0xFFFFFFFF;
	p2 =	slt.u32 s8, $0xFFFFF086  }
0x1c: {  	p1 =	slt.u32 s9, $0xF7A;
	s5 =	simm.s32 @!p2 $0x0  }
0x1d: {  	s5 =	simm.s32 @p1 $0x1;
	p0 =	seq.s32 s7, s2  }
0x1e: {  	s7 =	smul.u32 @!p0 $0xF7A, s2;
	p2 =	seq.s32 @!p0 s5, $0x0  }
0x1f: {  	s9 =	smul.u32 $0xF7A, s1;
	s8 =	simm.s32 @!p0 $0x1BF5;
	p2 =	por !p2, p0  }
0x20: {  	[sflag:s8] =	ssyncset.s32 @!p0 $0xFFFFF086;
	s6 =	sadd.s32 @!p0 s3, s7;
	s7 =	simm.s32 @!p0 $0x108  }
0x21: {  	s3 =	sadd.s32 s3, s9;
	s6 =	sadd.s32 @!p0 $0x88, s6;
	s7 =	simm.s32 @p2 $0x1082  }
0x22: {  	[simem:s7], [sflag:s8] =	dma.local @!p0 [hbm:s6], $0xF7A  }
0x23: {  	s9 =	sor.u32 $0xD0000000, s2;
	s6 =	simm.s32 $0x108;
	_ =	swait.ge @!p0 [sflag:s8], $0x0  }
0x24: {  	s3 =	sadd.s32 $0x88, s3;
	s6 =	simm.s32 @!p1 $0x1082;
	[sflag:s4] =	ssyncset.s32 $0xFFFFF086  }
0x25: {  	[simem:s6], [sflag:s4] =	dma.local [hbm:s3], $0xF7A  }
0x26: {  	[smem:$0x3F90] =	sst s1;
	(tag) =	ssettag s2;
	_ =	strace s9  }
0x27: {  	s1 =	sld [smem:$0x3FA0]  }
0x28: {  	s2 =	sld [smem:$0x3FA1]  }
0x29: {  	s4 =	sld [smem:$0x3FA3]  }
0x2a: {  	p0 =	seq.s32 s5, $0x0;
	s5 =	sld [smem:$0x3FA4]  }
0x2b: {  	s6 =	sld [smem:$0x3FA5]  }
0x2c: {  	s7 =	sld [smem:$0x3FA6]  }
0x2d: {  	s3 =	simm.s32 $0x108;
	s8 =	sld [smem:$0x3FA7]  }
0x2e: {  	s3 =	simm.s32 @!p0 $0x1082;
	s9 =	sld [smem:$0x3FA8]  }
0x2f: {  	lr =	sadd.s32 s0, s3;
	s0 =	sld [smem:$0x3F9F]  }
0x30: {  	s3 =	sld [smem:$0x3FA2]  }
0x31: {  	[smem:$0x3FAB] =	sst s10  }
0x32: {  	s10 =	sld [smem:$0x3FA9];
	_ =	sdelay $0x3  }
0x33: {  	p0 =	seq.s32 s10, $0x1;
	s10 =	sld [smem:$0x3FAB];
	_ =	sdelay $0x3  }
0x34: {  	[smem:$0x3FAB] =	sst s10  }
0x35: {  	s10 =	sld [smem:$0x3FAA];
	_ =	sdelay $0x3  }
0x36: {  	p1 =	seq.s32 s10, $0x1;
	s10 =	sld [smem:$0x3FAB];
	_ =	sdelay $0x3  }
0x37: {  	[smem:$0x3FAB] =	sst s10  }
0x38: {  	s10 =	sld [smem:$0x3FAC]  }
0x39: {  	_ = 	snop;
	(pc) =	sbr.ind lr, $3  }
0x3a: {  	_ = 	snop  }
0x3b: {  	_ = 	snop  }
0x3c: {  	p2 =	seq.s32 s10, $0x1;
	s10 =	sld [smem:$0x3FAB]  }
0x3d: {  	_ =	shalt  }
0x3e: {  	_ =	shalt  }
0x3f: {  	_ =	shalt  }
0x40: {  	_ =	shalt  }
0x41: {  	_ =	shalt  }
0x42: {  	_ =	shalt  }
0x43: {  	_ =	shalt  }
0x44: {  	_ =	shalt  }
0x45: {  	_ =	shalt  }
0x46: {  	_ =	shalt  }
0x47: {  	_ =	shalt  }
0x48: {  	_ =	shalt  }
0x49: {  	_ =	shalt  }
0x4a: {  	_ =	shalt  }
0x4b: {  	_ =	shalt  }
0x4c: {  	_ =	shalt  }
0x4d: {  	_ =	shalt  }
0x4e: {  	_ =	shalt  }
0x4f: {  	_ =	shalt  }
0x50: {  	_ =	shalt  }
0x51: {  	_ =	shalt  }
0x52: {  	_ =	shalt  }
0x53: {  	_ =	shalt  }
0x54: {  	_ =	shalt  }
0x55: {  	_ =	shalt  }
0x56: {  	_ =	shalt  }
0x57: {  	_ =	shalt  }
0x58: {  	_ =	shalt  }
0x59: {  	_ =	shalt  }
0x5a: {  	_ =	shalt  }
0x5b: {  	_ =	shalt  }
0x5c: {  	_ =	shalt  }
0x5d: {  	_ =	shalt  }
0x5e: {  	_ =	shalt  }
0x5f: {  	_ =	shalt  }
0x60: {  	_ =	shalt  }
0x61: {  	_ =	shalt  }
0x62: {  	_ =	shalt  }
0x63: {  	_ =	shalt  }
0x64: {  	_ =	shalt  }
0x65: {  	_ =	shalt  }
0x66: {  	_ =	shalt  }
0x67: {  	_ =	shalt  }
0x68: {  	_ =	shalt  }
0x69: {  	_ =	shalt  }
0x6a: {  	_ =	shalt  }
0x6b: {  	_ =	shalt  }
0x6c: {  	_ =	shalt  }
0x6d: {  	_ =	shalt  }
0x6e: {  	_ =	shalt  }
0x6f: {  	_ =	shalt  }
0x70: {  	_ =	shalt  }
0x71: {  	_ =	shalt  }
0x72: {  	_ =	shalt  }
0x73: {  	_ =	shalt  }
0x74: {  	_ =	shalt  }
0x75: {  	_ =	shalt  }
0x76: {  	_ =	shalt  }
0x77: {  	_ =	shalt  }
0x78: {  	_ =	shalt  }
0x79: {  	_ =	shalt  }
0x7a: {  	_ =	shalt  }
0x7b: {  	_ =	shalt  }
0x7c: {  	_ =	shalt  }
0x7d: {  	_ =	shalt  }
0x7e: {  	_ =	shalt  }
0x7f: {  	_ =	shalt  }
0x80: {  	_ =	shalt  }
0x81: {  	_ =	shalt  }
0x82: {  	_ =	shalt  }
0x83: {  	_ =	shalt  }
0x84: {  	_ =	shalt  }
0x85: {  	_ =	shalt  }
0x86: {  	_ =	shalt  }
0x87: {  	_ =	shalt  }
.Lfunc_end0:
.L_simem_size_0:
called_computation_lowered:
.L_overlay_start_0:
0x88: {  	s0 =	sld [smem:$0x3FD9]  }
0x89: {  	s1 =	sld [smem:$0x3FFE];
	_ =	sdelay $0x3  }
0x8a: {  	s0 =	sadd.s32 s1, s0  }
0x8b: {  	[smem:$0x3FB7] =	sst s0  }
0x8c: {  	_ = 	snop  }
0x8d: {  	(tm) =	ssettm $0x1  }
0x8e: {  	s15 =	sld [smem:$0x3FFB];
	_ =	sdelay $0x3  }
0x8f: {  	_ =	strace s15  }
0x90: {  	s0 =	sld [smem:$0x3FFC];
	_ =	sdelay $0x3  }
0x91: {  	_ =	strace s0  }
0x92: {  	s0 =	sld [smem:$0x3FFD];
	_ =	sdelay $0x3  }
0x93: {  	_ =	strace s0  }
0x94: {  	_ =	strace $0x8FFFFFFF  }
0x95: {  	s16 =	sld [smem:$0x3FDB];
	_ =	sdelay $0x1  }
0x96: {  	s17 =	simm.s32 $_scs_section_size  }
0x97: {  	s2 =	simm.s32 $_size__tile_overlayer_lowered;
	s3 =	simm.s32 $_tile_overlayer_lowered  }
0x98: {  	s20 =	simm.s32 $0x1BFF;
	s19 =	sshll.u32 s3, $0x1;
	s0 =	sadd.s32 s17, s16  }
0x99: {  	s4 =	simm.s32 $0x0;
	s18 =	sshll.u32 s2, $0x1;
	s2 =	sadd.s32 s19, s0  }
0x9a: {  	[timem:s4], [sflag:s20] =	dma.local [hbm:s2], s18  }
0x9b: {  	_ =	swait.ge [sflag:s20], s18  }
0x9c: {  	s1 =	ssub.s32 $0x0, s18;
	[sflag:s20] =	ssyncset.done $0x0  }
0x9d: {  	[sflag:s20] =	ssyncadd.s32 s1;
	_ =	sdelay $0x1  }
0x9e: {  	s21 =	simm.s32 $0x1B8B  }
0x9f: {  	_ =	swait.ge [sflag:s21], $0x1  }
0xa0: {  	[sflag:s21] =	ssyncset.done $0x0  }
0xa1: {  	s23 =	simm.s32 $0x1B8E;
	s22 =	sld [smem:$0x3FFE];
	[sflag:s21] =	ssyncadd.s32 $0xFFFFFFFF  }
0xa2: {  	s24 =	simm.s32 $execute0_lowered;
	[smem:$0x3FD2] =	sst s23  }
0xa3: {  	s2 =	sshll.u32 s24, $0x1;
	_ =	strace $0x80000046;
	[dreg:$0x1] =	wrdreg $0xFFFFFFFF  }
0xa4: {  	s25 =	simm.s32 $_size_execute0_lowered;
	s0 =	sadd.s32 s0, s2;
	[dreg:$0x0] =	wrdreg $0x0  }
0xa5: {  	s2 =	sshll.u32 s25, $0x1;
	[dreg:$0x2] =	wrdreg s0  }
0xa6: {  	[dreg:$0x3] =	wrdreg s2  }
0xa7: {  	[dreg:$0x4] =	wrdreg $0xC0  }
0xa8: {  	_ =	task [dreg:s4], $0x5FFFF  }
0xa9: {  	[dreg:$0x1] =	wrdreg $0xFFFFFFFF  }
0xaa: {  	[dreg:$0x0] =	wrdreg $0x60  }
0xab: {  	[dreg:$0x2] =	wrdreg s22  }
0xac: {  	[dreg:$0x3] =	wrdreg $0x9  }
0xad: {  	_ =	task.clear_ibuf [dreg:s4], $0x4FFFF;
	_ =	strace $0x90000046  }
0xae: {  	s26 =	simm.s32 $0x9;
	_ =	strace $0x80000048  }
0xaf: {  	_ =	swait.ge [sflag:s26], $0x1  }
0xb0: {  	[sflag:s26] =	ssyncadd.s32 $0xFFFFFFFF  }
0xb1: {  	_ =	strace $0x90000048  }
0xb2: {  	_ =	sfence  }
0xb3: {  	s28 =	sld [smem:$0x0];
	_ =	sdelay $0x1  }
0xb4: {  	s29 =	srdreg.scid  }
0xb5: {  	s30 =	sshll.u32 s29, $0xD;
	s31 =	sshrl.u32 s29, $0x2  }
0xb6: {  	s1 =	sand.u32 $0x1, s29;
	s2 =	sand.u32 $0x4000, s30;
	s0 =	sadd.s32 s31, s28  }
0xb7: {  	s1 =	sor.u32 s2, s1;
	s0 =	sshll.u32 s0, $0x11  }
0xb8: {  	s0 =	sor.u32 s0, s1  }
0xb9: {  	s0 =	sadd.s32 $0x8F2B, s0  }
0xba: {  	[sflag:s0] =	ssyncadd.remote.s32 $0x1  }
0xbb: {  	_ =	sfence.sel $0xFFFF  }
0xbc: {  	[dreg:$0x0] =	wrdreg $0xFFFFFFFF;
	(pc) =	sbr.abs _section_cstart, $3  }
0xbd: {  	[dreg:$0x1] =	wrdreg $0xFFFFFFFF  }
0xbe: {  	_ =	task.clear_ibuf [dreg:s4], $0x2FFFF;
	_ =	strace $0x9FFFFFFF  }
0xbf: {  	(tm) =	ssettm $0x7FFFFFFF  }
tec
execute0_lowered:
.L_overlay_start_1:
0x0: {  	(tag) =	ssettag $0x1  }
0x1: {  	s5 =	rddreg [dreg:$0x0];
	_ =	strace $0x80000047;
	s1 =	simm.s32 $0x1  }
0x2: {  	v1 =	vimm.s32 $0xFFFFFFFF;
	[sflag:s1] =	ssyncpa.u1 $0x0  }
0x3: {  	[tilespmem:$0x10] =	vst v1  }
0x4: {  	v0 =	vimm.f32 $0.0e+00;
	[tilespmem:$0x20] =	vst v1  }
0x5: {  	s0 =	stileid.u32;
	s6 =	simm.s32 $0x10;
	[tilespmem:$0x30] =	vst v0  }
0x6: {  	s7 =	simm.s32 $0x2;
	s8 =	simm.s32 $0x8;
	s10 =	simm.s32 $0x9;
	[tilespmem:$0x40] =	vst v0  }
0x7: {  	s17 =	simm.s32 $0x100;
	s18 =	simm.s32 $0xFFFFFFFE;
	s19 =	simm.s32 $0x0;
	[tilespmem:$0x50] =	vst v0  }
0x8: {  	s20 =	simm.s32 $0xFFFFFFFF;
	s21 =	simm.s32 $0xF;
	s22 =	simm.s32 $0x30;
	[tilespmem:$0x60] =	vst v1  }
0x9: {  	s23 =	simm.s32 $0x0;
	s26 =	simm.s32 $0x0;
	s24 =	simm.s32 $0x0;
	[tilespmem:$0x70] =	vst v1  }
0xa: {  	s31 =	smin.u32 s0, $0x8;
	p0 =	slt.u32 s0, $0x8;
	s1 =	sadd.s32 $0xD400, s5;
	[tilespmem:$0x80] =	vst v1  }
0xb: {  	s4 =	sadd.s32 $0xD000, s5;
	v1 =	vimm.s32 $0x0;
	s3 =	sshll.u32 s31, $0x4;
	s6 =	simm.s32 @!p0 $0x0;
	[tilespmem:$0xB0] =	vst v0  }
0xc: {  	s5 =	sadd.s32 $0xD200, s5;
	s13 =	sshllo.u32 s0, $0x1;
	[tilespmem:$0x90] =	vst v1;
	s6 =	sadd.s32 s6, s3  }
0xd: {  	[tilespmem:$0xA0] =	vst v1;
	[sflag:s7] =	ssyncpa.u1 $0x0;
	s7 =	simm.s32 $0x7;
	s6 =	smin.u32 s6, $0x80  }
.Ltmp0:
0xe: {  	[sflag:s7] =	ssyncpa.u1 $0x0;
	s9 =	ssub.s32 s6, s3;
	(pc) =	sbr.rel .LBB2_1-.Ltmp0, $4  }
0xf: {  	s25 =	smov.u32 s3;
	[sflag:s8] =	ssyncpa.u1 $0x0;
	p0 =	sgt.s32 s9, $0x0  }
0x10: {  	[sflag:s10] =	ssyncpa.u1 $0x0;
	s10 =	sshll.u32 s0, $0x1;
	s9 =	simm.s32 @!p0 $0x0  }
0x11: {  	vm0 =	vmmov $0xffff;
	s12 =	sor.u32 $0x81, s10;
	s14 =	sor.u32 $0x80, s10;
	s9 =	sshrl.u32 s9, $0x4  }
0x12: {  	v2 =	vlaneseq.u32;
	vm1 =	vmxor vm1, vm1;
	vm2 =	vmmov $0x1;
	s11 =	sadd.s32 $0x2, s9;
	s15 =	sadd.s32 $0x3, s9;
	s16 =	sadd.s32 $0x1, s9  }
.LBB2_5:
0x13: {  	p0 =	slt.u32 s24, $0x3  }
0x14: {  	s0 =	simm.s32 @!p0 $0x2  }
0x15: {  	_ =	swait.ge @!p0 [sflag:s0], $0x10  }
0x16: {  	[sflag:s0] =	ssyncset.done @!p0 $0x0  }
0x17: {  	[sflag:s0] =	ssyncadd.s32 @!p0 $0xFFFFFFF0;
	s0 =	simm.s32 @!p0 $0x9  }
0x18: {  	_ =	swait.ge @!p0 [sflag:s0], $0x10  }
0x19: {  	s2 =	sadd.s32 $0x10, s25;
	s24 =	sadd.s32 $0x1, s24;
	[sflag:s0] =	ssyncset.done @!p0 $0x0  }
0x1a: {  	[sflag:s0] =	ssyncadd.s32 @!p0 $0xFFFFFFF0;
	p0 =	slt.s32 s2, s6;
	s0 =	smov.u32 s3  }
0x1b: {  	s0 =	smov.u32 @p0 s2;
	p0 =	sne.s32 s15, s24  }
.Ltmp1:
0x1c: {  	_ = 	snop;
	(pc) =	sbr.rel @!p0 .LBB2_6-.Ltmp1, $3  }
0x1d: {  	_ =	sdelay $0x1  }
0x1e: {  	s17 =	sadd.s32 $0x10, s17;
	s26 =	smov.u32 s25;
	s18 =	sadd.s32 $0x1, s18  }
0x1f: {  	s23 =	sadd.s32 $0x10, s23;
	s20 =	sadd.s32 $0x1, s20;
	s25 =	smov.u32 s0  }
.LBB2_1:
0x20: {  	s28 =	smulhi.u32 $0xAAAAAAAB, s24;
	_ =	sdelay $0x1  }
0x21: {  	s28 =	sshrl.u32 s28, $0x1  }
0x22: {  	s28 =	smul.u32 $0xFFFFFF40, s28  }
0x23: {  	p0 =	sge.u32 s24, s9  }
0x24: {  	s31 =	sadd.s32 $0xFFFFFFFF, s24;
	s29 =	sshrl.u32 @!p0 s25, $0x3;
	s28 =	sshra.s32 @!p0 s28, $0x2  }
0x25: {  	s30 =	sand.u32 @!p0 $0x7, s25;
	s29 =	sadd.s32 @!p0 s4, s29;
	s28 =	sadd.s32 @!p0 s28, s17  }
0x26: {  	[tilespmem:s28], [sflag:$0x7] =	stream.linear.gather @!p0 [hbm4b:s29+s30], $0x10, $0x38;
	[tilespmem:$0x1B0] =	vst v63  }
0x27: {  	p0 =	sge.u32 s31, s9  }
.Ltmp2:
0x28: {  	_ = 	snop;
	(pc) =	sbr.rel @p0 .LBB2_3-.Ltmp2, $1  }
0x29: {  	_ =	sdelay $0x3  }
0x2a: {  	s28 =	smulhi.u32 $0xAAAAAAAB, s20;
	_ =	sdelay $0x1  }
0x2b: {  	s28 =	sshrl.u32 s28, $0x1  }
0x2c: {  	s28 =	smul.u32 $0xFFFFFF40, s28;
	_ =	sdelay $0x1  }
0x2d: {  	_ =	swait.ge [sflag:s7], $0x10;
	s28 =	sshra.s32 s28, $0x2  }
0x2e: {  	[sflag:s7] =	ssyncset.done $0x0;
	s28 =	sadd.s32 s28, s17  }
0x2f: {  	[sflag:s7] =	ssyncadd.s32 $0xFFFFFFF0;
	(ifvalue) =	ssetifvalue $0xFFFFFFFF;
	v3 =	vld.msk [tilespmem:s28+$0xFFFFFFF0 ss:$0x1], $0xffff;
	_ =	sdelay $0x4  }
0x30: {  	v4 =	vshrl.u32 v3, $0x7  }
0x31: {  	vm3 =	veq.s32 v3, $0x80000000;
	v3 =	vand.u32 $0x7F, v3;
	v4 =	vand.u32 $0x7, v4  }
0x32: {  	v3 =	vsel vm3, $0xFFFFFFFF, v3;
	v4 =	vsel vm3, $0xFFFFFFFF, v4  }
0x33: {  	v5 =	vand.u32 $0x7F, v3;
	v6 =	vshll.u32 v4, $0x7  }
0x34: {  	v3 =	vand.u32 $0xFFFFFC00, v3;
	v4 =	vand.u32 $0xFFFFFC00, v4;
	v6 =	vand.u32 $0x380, v6  }
0x35: {  	p0 =	sne.s32 s24, $0x1;
	v3 =	vadd.s32 v3, v4;
	v4 =	vor.u32 v5, v6  }
0x36: {  	v6 =	vimm.s32 @!p0 $0x0;
	v5 =	vor.u32 @!p0 v3, v4  }
0x37: {  	v5 =	vperm.xlane @!p0 v5, v6  }
0x38: {  	vm3 =	veq.s32 v3, $0x0  }
0x39: {  	s29 =	sand.u32 $0x10, s23;
	v3 =	vnsel vm3, $0xFFFFFFFE, v4;
	vm3 =	vlt.u32 @!p0 v5, $0x400  }
0x3a: {  	[tilespmem:s29+$0x60] =	vst v3;
	v3 =	vnsel @!p0 vm3, $0xFFFFFFFE, v5  }
0x3b: {  	s2 =	sadd.s32 $0xFFFFFFF0, s28;
	[tilespmem:$0x80] =	vst @!p0 v3  }
0x3c: {  	v3 =	vld.msk [tilespmem:s2+$0x0 ss:$0x1], $0xffff;
	_ =	sdelay $0x4  }
0x3d: {  	v59 =	vshrl.u32 v3, $0x7  }
0x3e: {  	vm3 =	veq.s32 v3, $0x80000000;
	v3 =	vand.u32 $0x7F, v3;
	v4 =	vand.u32 $0x7, v59  }
0x3f: {  	v3 =	vsel vm3, $0xFFFFFFFF, v3;
	v4 =	vsel vm3, $0xFFFFFFFF, v4  }
0x40: {  	v60 =	vand.u32 $0x7F, v3;
	v61 =	vshll.u32 v4, $0x7  }
0x41: {  	v3 =	vand.u32 $0xFFFFFC00, v3;
	v4 =	vand.u32 $0xFFFFFC00, v4;
	v6 =	vand.u32 $0x380, v61  }
0x42: {  	v3 =	vadd.s32 v3, v4;
	v62 =	vor.u32 v60, v6  }
0x43: {  	v4 =	vor.u32 v3, v62  }
0x44: {  	(xrf1) =	vunique.msk.u32 $0xffff, v4;
	_ =	sdelay $0xd  }
0x45: {  	v63, _, _ =	vpop (xrf1)  }
0x46: {  	vm3 =	veq.s32 v3, $0x0;
	vm4 =	veq.s32 v63, v2  }
0x47: {  	vm4 =	vmand vm3, vm4  }
0x48: {  	v3 =	vnsel vm4, $0xFFFFFFFF, v4;
	_ =	sdelay $0x1  }
0x49: {  	s30 =	sadd.s32 $0xFFFFFFF0, s23  }
0x4a: {  	s29 =	sand.u32 $0x10, s30  }
0x4b: {  	s26 =	sshrl.u32 s26, $0x3;
	s30 =	sadd.s32 $0x130, s29;
	(ifvalue) =	ssetifvalue $0xFFFFFFFF  }
0x4c: {  	[tilespmem:s30], [sflag:$0x8] =	stream.indirect_vreg.gather [hbm4b:s1+s19], $0x1, v3, vm0, $0x4038;
	v3 =	vnsel vm3, $0xFFFFFFFE, v3;
	[tilespmem:$0x1B0] =	vst v63  }
0x4d: {  	s26 =	sadd.s32 s5, s26;
	s31 =	sadd.s32 $0x150, s29;
	[tilespmem:s28+$0xFFFFFFF0] =	vst v3  }
0x4e: {  	[tilespmem:s31], [sflag:$0x8] =	stream.linear.gather [hbm:s26], $0x10, $0x38;
	[tilespmem:$0x1B0] =	vst v63  }
.LBB2_3:
0x4f: {  	p0 =	slt.u32 s24, $0x2  }
0x50: {  	p1 =	sge.u32 @!p0 s24, s11  }
0x51: {  	p0 =	por p0, p1  }
.Ltmp3:
0x52: {  	_ = 	snop;
	(pc) =	sbr.rel @p0 .LBB2_5-.Ltmp3, $1  }
0x53: {  	_ =	sdelay $0x3  }
0x54: {  	s26 =	smulhi.u32 $0xAAAAAAAB, s18;
	_ =	sdelay $0x1  }
0x55: {  	s26 =	sshrl.u32 s26, $0x1  }
0x56: {  	s26 =	smul.u32 $0xC0, s26;
	_ =	sdelay $0x1  }
0x57: {  	p0 =	sne.s32 s16, s24;
	s30 =	ssub.s32 $0xFFFFFF80, s26  }
0x58: {  	_ =	swait.ge [sflag:s8], $0x20;
	s26 =	sshra.s32 @!p0 s30, $0x2  }
0x59: {  	[sflag:s8] =	ssyncset.done $0x0;
	s26 =	sadd.s32 @!p0 s26, s17  }
0x5a: {  	s28 =	simm.s32 @!p0 $0x1;
	[sflag:s8] =	ssyncadd.s32 $0xFFFFFFE0;
	s26 =	sadd.s32 @!p0 $0xF, s26  }
0x5b: {  	[spmem:s12] =	stream.linear.scatter @!p0 [tilespmem:s26], [sflag:$0x1], $0x1, $0x38;
	[tilespmem:$0x1B0] =	vst v63  }
0x5c: {  	_ =	swait.ge @!p0 [sflag:s28], $0x1  }
0x5d: {  	[sflag:s28] =	ssyncset.done @!p0 $0x0  }
0x5e: {  	s26 =	sand.u32 $0x10, s23;
	[sflag:s28] =	ssyncadd.s32 @!p0 $0xFFFFFFFF  }
0x5f: {  	s31 =	sxor.u32 $0x10, s26;
	v3 =	vld [tilespmem:s26+$0x10]  }
0x60: {  	v4 =	vld [tilespmem:s31+$0x60]  }
0x61: {  	v5 =	vld [tilespmem:$0x80];
	_ =	sdelay $0x2  }
0x62: {  	(v2sf) =	vpush v3, $0x0  }
0x63: {  	(v2sf) =	vpush v4, $0x0  }
0x64: {  	(v2sf) =	vpush v5, $0x0;
	_ =	sdelay $0xc  }
0x65: {  	s0 =	spop (v2sf)  }
0x66: {  	s2 =	spop (v2sf)  }
0x67: {  	s29 =	spop (v2sf)  }
0x68: {  	p1 =	seq.s32 s0, s2;
	p2 =	seq.s32 s29, s0  }
0x69: {  	p2 =	por p1, p2  }
0x6a: {  	v3 =	vpsel p2, $0xFFFFFFFF, v3  }
0x6b: {  	v56 =	vld [tilespmem:s26+$0x150];
	[tilespmem:s26+$0x10] =	vst.msk $0x1, v3  }
0x6c: {  	v3 =	vld [tilespmem:$0x30]  }
0x6d: {  	v6 =	vld [tilespmem:s26+$0x40];
	_ =	sdelay $0x3  }
0x6e: {  	vm3 =	vmmov vm1;
	v4 =	vadd.f32 v56, v3  }
0x6f: {  	vm4 =	vmmov vm2;
	vm3 =	vmmov @p1 vm2;
	v3 =	vadd.f32 v6, v3  }
0x70: {  	vm4 =	vmmov @p2 vm1;
	[tilespmem:s26+$0x150] =	vst.msk vm3, v4  }
0x71: {  	[tilespmem:s26+$0x190] =	vst.msk vm4, v3  }
0x72: {  	v3 =	vld [tilespmem:s26+$0x130];
	_ =	sdelay $0x4  }
0x73: {  	v3 =	vshift.insert v3, v0, s21  }
0x74: {  	s2 =	sor.u32 $0x40, s31  }
0x75: {  	[tilespmem:s2+$0x0] =	vst.msk $0x1, v3;
	s2 =	sshra.s32 s30, $0x2  }
0x76: {  	[tilespmem:s26+$0x13F] =	vst.msk $0x1, v0;
	s0 =	sadd.s32 s2, s17  }
0x77: {  	v3 =	vld [tilespmem:s0+$0x0];
	_ =	sdelay $0x4  }
0x78: {  	v3 =	vshift.insert v3, v1, s21;
	_ =	sdelay $0x1  }
0x79: {  	[tilespmem:s31+$0x10] =	vst.msk $0x1, v3  }
0x7a: {  	v4 =	vld [tilespmem:s26+$0x150]  }
0x7b: {  	v57 =	vld [tilespmem:s0+$0x0];
	_ =	sdelay $0x3  }
0x7c: {  	v4 =	vadd.f32 $0.0e+00, v4  }
0x7d: {  	vm3 =	vne.s32 v57, $0xFFFFFFFF  }
0x7e: {  	(xrf2) =	vadd.seg.scan.f32 vm3, v4;
	_ =	sdelay $0x3  }
0x7f: {  	v58 =	vperm.xlane v3, v1  }
0x80: {  	v7 =	vld [tilespmem:s26+$0x130]  }
0x81: {  	vm14 =	veq.s32 v57, v58;
	vm3 =	veq.s32 v57, v5  }
0x82: {  	vm5 =	vgt.u32 v57, $0xFFFFFFFD;
	vm4 =	vmor vm14, vm3  }
0x83: {  	vm4 =	vmor vm4, vm5  }
0x84: {  	v59 =	vsel vm4, $0xFFFFFFFF, v57  }
0x85: {  	v61 =	vsel vm3, $0x0, v7;
	v60, _, _ =	vpop (xrf2)  }
0x86: {  	v6 =	vadd.f32 v60, v61  }
0x87: {  	v62 =	vld [tilespmem:$0xA0]  }
0x88: {  	s30 =	sadd.s32 $0x170, s26;
	v8 =	vld [tilespmem:$0x90];
	[tilespmem:s26+$0x170] =	vst v6;
	(ifvalue) =	ssetifvalue $0xFFFFFFFF  }
0x89: {  	[hbm4b:s1+s19] =	stream.indirect_vreg.scatter [tilespmem:s30], [sflag:$0x2], $0x1, v59, vm0, $0x4038;
	[tilespmem:$0x1B0] =	vst v63  }
0x8a: {  	v4 =	vld [tilespmem:s26+$0x170];
	_ =	sdelay $0x4  }
0x8b: {  	v4 =	vshift.insert v4, v0, s21  }
0x8c: {  	vm15 =	veq.s32 v62, $0x1  }
0x8d: {  	vm4 =	vmor vm15, vm3;
	v5 =	vsel vm3, v60, v8;
	[tilespmem:s22+$0x0] =	vst.msk $0x1, v4  }
0x8e: {  	v63 =	vsel vm4, $0x1, v1;
	[tilespmem:$0x90] =	vst v5  }
0x8f: {  	s0 =	sadd.s32 @!p0 $0x17F, s26;
	[tilespmem:$0xA0] =	vst v63  }
0x90: {  	[spmem:s13] =	stream.linear.scatter @!p0 [tilespmem:s0], [sflag:$0x1], $0x1, $0x38;
	[tilespmem:$0x1B0] =	vst v63  }
0x91: {  	v4 =	vmctz.xlane @!p0 vm4;
	_ =	swait.ge @!p0 [sflag:s28], $0x1  }
0x92: {  	(v2sf) =	vpush @!p0 v3, $0x0  }
0x93: {  	(v2sf) =	vpush @!p0 v4, $0x0;
	_ =	sdelay $0xd  }
0x94: {  	s0 =	spop @!p0 (v2sf)  }
0x95: {  	s2 =	spop @!p0 (v2sf)  }
0x96: {  	p1 =	sne.s32 @!p0 s29, s0;
	p2 =	slt.s32 @!p0 s2, $0xF  }
0x97: {  	[sflag:s28] =	ssyncset.done @!p0 $0x0;
	p1 =	por p1, p0;
	p2 =	por !p2, p0  }
0x98: {  	[sflag:s28] =	ssyncadd.s32 @!p0 $0xFFFFFFFF;
	v3 =	vimm.s32 @!p1 $0xFFFFFFFF;
	s2 =	simm.s32 @p2 $0xF  }
0x99: {  	[tilespmem:$0x80] =	vst @!p1 v3;
	s0 =	sadd.s32 @!p0 $0x90, s2  }
0x9a: {  	[spmem:s10] =	stream.linear.scatter @!p0 [tilespmem:s0], [sflag:$0x1], $0x1, $0x38;
	[tilespmem:$0x1B0] =	vst v63  }
0x9b: {  	_ =	swait.ge @!p0 [sflag:s28], $0x1  }
0x9c: {  	[sflag:s28] =	ssyncset.done @!p0 $0x0  }
0x9d: {  	s0 =	simm.s32 @!p0 $0x80;
	[sflag:s28] =	ssyncadd.s32 @!p0 $0xFFFFFFFF  }
0x9e: {  	[spmem:s14] =	stream.linear.scatter @!p0 [tilespmem:s0], [sflag:$0x1], $0x1, $0x38;
	[tilespmem:$0x1B0] =	vst v63  }
0x9f: {  	_ =	swait.ge @!p0 [sflag:s28], $0x1  }
0xa0: {  	[sflag:s28] =	ssyncset.done @!p0 $0x0  }
0xa1: {  	[sflag:s28] =	ssyncadd.s32 @!p0 $0xFFFFFFFF;
	(ifvalue) =	ssetifvalue $0xFFFFFFFF;
	v3 =	vld [tilespmem:s26+$0x10];
	_ =	sdelay $0x3  }
.Ltmp4:
0xa2: {  	_ = 	snop;
	(pc) =	sbr.rel .LBB2_5-.Ltmp4, $3  }
0xa3: {  	_ =	sdelay $0x1  }
0xa4: {  	s31 =	sadd.s32 $0x190, s26;
	(ifvalue) =	ssetifvalue $0xFFFFFFFF  }
0xa5: {  	[hbm4b:s1+s19] =	stream.indirect_vreg.scatter [tilespmem:s31], [sflag:$0x9], $0x1, v3, vm0, $0x4038;
	[tilespmem:$0x1B0] =	vst v63  }
.LBB2_6:
0xa6: {  	_ =	sfence.sel $0x180000  }
0xa7: {  	s0 =	simm.s32 $0x7;
	[bflag:$0x0] =	sbarrier.arrive $0xFFFF  }
0xa8: {  	s26 =	simm.s32 $0x8;
	[sflag:s0] =	ssyncpa.u1 $0x1  }
0xa9: {  	s28 =	simm.s32 $0x9;
	[sflag:s26] =	ssyncpa.u1 $0x1  }
0xaa: {  	[sflag:s28] =	ssyncpa.u1 $0x1  }
0xab: {  	_ =	sfence.stream.spmem  }
0xac: {  	s29 =	simm.s32 $0x3;
	[bflag:$0x0] =	sbarrier.arrive $0xFFFF  }
0xad: {  	s30 =	simm.s32 $0x4;
	[sflag:s29] =	ssyncpa.u1 $0x1  }
0xae: {  	s31 =	simm.s32 $0x3C;
	s2 =	stileid.u32;
	[sflag:s30] =	ssyncpa.u1 $0x1  }
0xaf: {  	p0 =	sne.s32 s2, $0x0;
	[sflag:s31] =	ssyncpa.u1 $0x1  }
0xb0: {  	s0 =	simm.s32 @p0 $0x1;
	_ =	sfence @p0  }
0xb1: {  	[sflag:s0] =	ssyncpa.u1 @p0 $0x1;
	s0 =	simm.s32 @p0 $0x2  }
0xb2: {  	[sflag:s0] =	ssyncpa.u1 @p0 $0x1  }
0xb3: {  	_ =	strace @p0 $0x90000047  }
0xb4: {  	[bflag:$0x2] =	sbarrier.arrive @p0 $0xFFFF  }
0xb5: {  	_ =	shalt @p0  }
.LBB2_7:
0xb6: {  	_ =	sfence.stream.spmem;
	s0 =	simm.s32 $0x5  }
0xb7: {  	s2 =	simm.s32 $0x80;
	s3 =	simm.s32 $0xC0;
	[sflag:s0] =	ssyncpa.u1 $0x0  }
0xb8: {  	[tilespmem:s3], [sflag:$0x5] =	stream.linear.gather [spmem:s2], $0x10, $0x38;
	[tilespmem:$0x1B0] =	vst v63  }
0xb9: {  	s2 =	simm.s32 $0x0;
	s3 =	simm.s32 $0xE0  }
0xba: {  	[tilespmem:s3], [sflag:$0x5] =	stream.linear.gather [spmem:s2], $0x10, $0x38;
	[tilespmem:$0x1B0] =	vst v63  }
.Ltmp5:
0xbb: {  	_ = 	snop;
	(pc) =	sbr.rel .LBB2_8-.Ltmp5, $4  }
0xbc: {  	_ =	swait.ge [sflag:s0], $0x20  }
0xbd: {  	[sflag:s0] =	ssyncset.done $0x0  }
0xbe: {  	s31 =	simm.s32 $0x6;
	[sflag:s0] =	ssyncadd.s32 $0xFFFFFFE0  }
0xbf: {  	s4 =	simm.s32 $0x0;
	[sflag:s31] =	ssyncpa.u1 $0x0  }
.LBB2_13:
0xc0: {  	p0 =	sgt.u32 s5, $0x3FF  }
0xc1: {  	s0 =	sshrl.u32 @!p0 s5, $0x3  }
0xc2: {  	s5 =	sand.u32 @!p0 $0x7, s5;
	s6 =	simm.s32 @!p0 $0xB0;
	s0 =	sadd.s32 @!p0 s1, s0  }
0xc3: {  	[tilespmem:s6], [sflag:$0x6] =	stream.linear.gather @!p0 [hbm4b:s0+s5], $0x1, $0x38;
	[tilespmem:$0x1B0] =	vst v63  }
0xc4: {  	s0 =	simm.s32 @!p0 $0x6  }
0xc5: {  	_ =	swait.ge @!p0 [sflag:s0], $0x1  }
0xc6: {  	[sflag:s0] =	ssyncset.done @!p0 $0x0  }
0xc7: {  	[sflag:s0] =	ssyncadd.s32 @!p0 $0xFFFFFFFF  }
0xc8: {  	v2 =	vmov @!p0 s4;
	v1 =	vld.msk @!p0 [tilespmem:$0xB0], $0x1;
	_ =	sdelay $0x3  }
0xc9: {  	s0 =	simm.s32 @!p0 $0xE0  }
0xca: {  	[tilespmem:v2+s0+$0x0], v1 =	vst.idx.ret.add.f32.msk @!p0 $0x1, v1  }
0xcb: {  	[tilespmem:s2+$0xC0] =	vst.msk $0x1, v0  }
0xcc: {  	v0 =	vld.msk [tilespmem:s4+$0xE0], $0x1;
	_ =	sdelay $0x4  }
0xcd: {  	[tilespmem:s2+$0xE0] =	vst.msk $0x1, v0;
	s2 =	sadd.s32 $0x1, s2  }
.LBB2_15:
0xce: {  	s4 =	sadd.s32 $0x1, s4  }
0xcf: {  	p0 =	sne.s32 s4, $0x10  }
.Ltmp6:
0xd0: {  	_ = 	snop;
	(pc) =	sbr.rel @!p0 .LBB2_16-.Ltmp6, $1  }
0xd1: {  	_ =	sdelay $0x3  }
.LBB2_8:
0xd2: {  	v0 =	vld.msk [tilespmem:s4+$0xC0], $0x1;
	_ =	sdelay $0x4  }
0xd3: {  	(v2sf) =	vpush v0, $0x0;
	_ =	sdelay $0xe  }
0xd4: {  	s5 =	spop (v2sf)  }
0xd5: {  	p0 =	seq.s32 s5, $0xFFFFFFFF  }
.Ltmp7:
0xd6: {  	_ = 	snop;
	(pc) =	sbr.rel @p0 .LBB2_15-.Ltmp7, $1  }
0xd7: {  	_ =	sdelay $0x3  }
0xd8: {  	p0 =	slt.s32 s2, $0x1  }
.Ltmp8:
0xd9: {  	_ = 	snop;
	(pc) =	sbr.rel @p0 .LBB2_13-.Ltmp8, $1  }
0xda: {  	_ =	sdelay $0x3  }
0xdb: {  	s6 =	simm.s32 $0xC0;
	p0 =	por $0x0, $0x0  }
0xdc: {  	v1 =	vld.msk @!p0 [tilespmem:s6+$0x0], $0x1;
	_ =	sdelay $0x4  }
0xdd: {  	(v2sf) =	vpush @!p0 v1, $0x0;
	_ =	sdelay $0xd  }
0xde: {  	p2 =	sne.s32 s2, $0x1  }
.Ltmp9:
0xdf: {  	s0 =	spop @!p0 (v2sf);
	(pc) =	sbr.rel @!p2 .LBB2_12-.Ltmp9, $4  }
0xe0: {  	p1 =	seq.s32 @!p0 s5, s0  }
0xe1: {  	s7 =	simm.s32 $0x0;
	p1 =	por !p1, p0  }
0xe2: {  	s0 =	simm.s32 $0xFFFFFFFF;
	s7 =	simm.s32 @p1 $0xFFFFFFFF  }
0xe3: {  	s8 =	simm.s32 $0x1;
	s7 =	smov.u32 @p0 s0  }
.LBB2_11:
0xe4: {  	s0 =	smov.u32 s7;
	p0 =	sne.s32 s7, $0xFFFFFFFF  }
0xe5: {  	s6 =	sadd.s32 $0x1, s6;
	s7 =	smov.u32 s8;
	s8 =	sadd.s32 $0x1, s8  }
0xe6: {  	p1 =	sne.s32 s2, s8;
	v1 =	vld.msk @!p0 [tilespmem:s6+$0x0], $0x1;
	_ =	sdelay $0x4  }
0xe7: {  	(v2sf) =	vpush @!p0 v1, $0x0;
	_ =	sdelay $0xe  }
.Ltmp10:
0xe8: {  	s9 =	spop @!p0 (v2sf);
	(pc) =	sbr.rel @p1 .LBB2_11-.Ltmp10, $4  }
0xe9: {  	p2 =	seq.s32 @!p0 s5, s9  }
0xea: {  	p2 =	por !p2, p0  }
0xeb: {  	s7 =	simm.s32 @p2 $0xFFFFFFFF  }
0xec: {  	s7 =	smov.u32 @p0 s0  }
.LBB2_12:
0xed: {  	p0 =	sne.s32 s7, $0xFFFFFFFF  }
.Ltmp11:
0xee: {  	_ = 	snop;
	(pc) =	sbr.rel @!p0 .LBB2_13-.Ltmp11, $1  }
0xef: {  	_ =	sdelay $0x3  }
0xf0: {  	v0 =	vld.msk [tilespmem:s4+$0xE0], $0x1;
	v1 =	vmov s7  }
.Ltmp12:
0xf1: {  	_ = 	snop;
	(pc) =	sbr.rel .LBB2_15-.Ltmp12, $2  }
0xf2: {  	_ =	sdelay $0x2  }
0xf3: {  	[tilespmem:v1+s3+$0x0], v0 =	vst.idx.ret.add.f32.msk $0x1, v0  }
.LBB2_16:
0xf4: {  	p0 =	slt.s32 s2, $0x1  }
.Ltmp13:
0xf5: {  	_ = 	snop;
	(pc) =	sbr.rel @p0 .LBB2_20-.Ltmp13, $3  }
0xf6: {  	_ =	sdelay $0x1  }
0xf7: {  	s0 =	simm.s32 $0x6  }
0xf8: {  	s3 =	simm.s32 $0x0;
	[sflag:s0] =	ssyncpa.u1 $0x1  }
0xf9: {  	s0 =	simm.s32 $0xC0  }
0xfa: {  	v0 =	vld.msk [tilespmem:s0+$0x0], $0x1;
	_ =	sdelay $0x4  }
0xfb: {  	(v2sf) =	vpush v0, $0x0;
	_ =	sdelay $0xd  }
0xfc: {  	s2 =	sadd.s32 $0xFFFFFFFF, s2  }
0xfd: {  	p1 =	sne.s32 s2, $0x0;
	s0 =	spop (v2sf)  }
.Ltmp14:
0xfe: {  	p0 =	sgt.u32 s0, $0x3FF;
	(pc) =	sbr.rel @!p1 .LBB2_19-.Ltmp14, $4  }
0xff: {  	s4 =	simm.s32 $0xE0;
	s5 =	sshrl.u32 @!p0 s0, $0x3  }
0x100: {  	s6 =	simm.s32 $0x0;
	s0 =	sand.u32 @!p0 $0x7, s0;
	s5 =	sadd.s32 @!p0 s1, s5  }
0x101: {  	[hbm4b:s5+s0] =	stream.linear.scatter @!p0 [tilespmem:s4], [sflag:$0x5], $0x1, $0x38;
	[tilespmem:$0x1B0] =	vst v63  }
0x102: {  	s6 =	simm.s32 @!p0 $0x4;
	s5 =	simm.s32 $0xC1  }
.LBB2_18:
0x103: {  	v0 =	vld.msk [tilespmem:s5+$0x0], $0x1;
	s2 =	sadd.s32 $0xFFFFFFFF, s2;
	s3 =	sadd.s32 s3, s6  }
0x104: {  	p0 =	sne.s32 s2, $0x0;
	_ =	sdelay $0x3  }
0x105: {  	(v2sf) =	vpush v0, $0x0;
	_ =	sdelay $0xe  }
.Ltmp15:
0x106: {  	s0 =	spop (v2sf);
	(pc) =	sbr.rel @p0 .LBB2_18-.Ltmp15, $4  }
0x107: {  	s6 =	simm.s32 $0x0;
	p1 =	sgt.u32 s0, $0x3FF  }
0x108: {  	s4 =	sadd.s32 $0x1, s4;
	s6 =	simm.s32 @!p1 $0x4;
	s7 =	sshrl.u32 @!p1 s0, $0x3  }
0x109: {  	s5 =	sadd.s32 $0x1, s5;
	s0 =	sand.u32 @!p1 $0x7, s0;
	s7 =	sadd.s32 @!p1 s1, s7  }
0x10a: {  	[hbm4b:s7+s0] =	stream.linear.scatter @!p1 [tilespmem:s4], [sflag:$0x5], $0x1, $0x38;
	[tilespmem:$0x1B0] =	vst v63  }
.LBB2_19:
0x10b: {  	s0 =	sadd.s32 s3, s6  }
0x10c: {  	s3 =	sshrl.u32 s0, $0x2  }
.LBB2_20:
0x10d: {  	s0 =	simm.s32 $0x5  }
0x10e: {  	_ =	swait.ge [sflag:s0], s3  }
0x10f: {  	s1 =	ssub.s32 $0x0, s3;
	[sflag:s0] =	ssyncset.done $0x0  }
0x110: {  	[sflag:s0] =	ssyncadd.s32 s1  }
0x111: {  	[sflag:s0] =	ssyncpa.u1 $0x1  }
0x112: {  	s29 =	simm.s32 $0x1;
	_ =	sfence  }
0x113: {  	s30 =	simm.s32 $0x2;
	[sflag:s29] =	ssyncpa.u1 $0x1  }
0x114: {  	[sflag:s30] =	ssyncpa.u1 $0x1  }
0x115: {  	_ =	strace $0x90000047  }
0x116: {  	[bflag:$0x2] =	sbarrier.arrive $0xFFFF  }
0x117: {  	s31 =	rddreg [dreg:$0x1]  }
0x118: {  	s0 =	sadd.s32 $0x100000, s31  }
0x119: {  	[sflag:s0] =	ssyncadd.tile.s32 $0x1;
	_ =	shalt  }
.Lfunc_end2:
_tile_overlayer_lowered:
.L_overlay_start_2:
0x11a: {  	(tag) =	ssettag $0x2  }
0x11b: {  	s0 =	rddreg [dreg:$0x0];
	s2 =	stileid.u32  }
0x11c: {  	s1 =	rddreg [dreg:$0x1];
	p0 =	sne.s32 s2, $0x0  }
0x11d: {  	s3 =	rddreg [dreg:$0x2];
	[bflag:$0x3] =	sbarrier.arrive $0xFFFF;
	s2 =	simm.s32 @!p0 $0x1C01  }
0x11e: {  	[timem:s3], [sflag:s2] =	dma.local @!p0 [hbm:s0], s1  }
0x11f: {  	s0 =	simm.s32 @!p0 $0x1  }
0x120: {  	_ =	swait.ge @!p0 [sflag:s0], s1  }
0x121: {  	s1 =	ssub.s32 @!p0 $0x0, s1;
	[sflag:s0] =	ssyncset.done @!p0 $0x0  }
0x122: {  	[sflag:s0] =	ssyncadd.s32 @!p0 s1  }
0x123: {  	[bflag:$0x3] =	sbarrier.arrive $0xFFFF  }
0x124: {  	_ =	shalt  }

</sc_bundles>
